<compile_context>
chip_gen: v7x
topology: tpu7x:2x2x1
jax: 0.10.2.dev20260603
libtpu: 0.0.44.dev20260713+nightly
codegen_flags: <defaults>
</compile_context>

<pallas_src>
import functools

import jax
import jax.numpy as jnp
from jax import lax
from jax.experimental import pallas as pl
from jax.experimental.pallas import tpu as pltpu
from jax.experimental.pallas import tpu_sc as plsc

_ROWS = 16384
_NCOL = 128
_OCOL = 129
_NC = 2
_NS = 16
_NW = _NC * _NS
_RPW = _ROWS // _NW
_CH = 64
_NCH = _RPW // _CH
_NBUF = 7


def _compute_tail(buf):
    for j in range(_CH // 16):
        rows = lax.iota(jnp.int32, 16) + j * 16
        b = plsc.load_gather(buf, [rows, jnp.full((16,), 124, jnp.int32)])
        c = plsc.load_gather(buf, [rows, jnp.full((16,), 125, jnp.int32)])
        l = plsc.load_gather(buf, [rows, jnp.full((16,), 126, jnp.int32)])
        g = plsc.load_gather(buf, [rows, jnp.full((16,), 127, jnp.int32)])
        r1 = c / (c + b)
        r2 = c / (c + l + g)
        r3 = g / (g + l)
        plsc.store_scatter(buf, [rows, jnp.full((16,), 126, jnp.int32)], r1)
        plsc.store_scatter(buf, [rows, jnp.full((16,), 127, jnp.int32)], r2)
        plsc.store_scatter(buf, [rows, jnp.full((16,), 128, jnp.int32)], r3)


@functools.partial(
    pl.kernel,
    out_type=jax.ShapeDtypeStruct((_ROWS, _OCOL), jnp.float32),
    mesh=plsc.VectorSubcoreMesh(
        core_axis_name="c", subcore_axis_name="s",
        num_cores=_NC, num_subcores=_NS),
    scratch_types=(
        [pltpu.VMEM((_CH, _OCOL), jnp.float32)] * _NBUF
        + [pltpu.SemaphoreType.DMA] * (2 * _NBUF)
    ),
    compiler_params=pltpu.CompilerParams(
        use_tc_tiling_on_sc=True, needs_layout_passes=False),
)
def _sc_kernel(x_hbm, out_hbm, *scr):
    bufs = scr[:_NBUF]
    sin = scr[_NBUF:2 * _NBUF]
    sout = scr[2 * _NBUF:3 * _NBUF]
    wid = lax.axis_index("s") * _NC + lax.axis_index("c")
    base = wid * _RPW

    def start_in(i):
        r0 = base + i * _CH
        return pltpu.make_async_copy(
            x_hbm.at[pl.ds(r0, _CH)], bufs[i % _NBUF].at[:, pl.ds(0, _NCOL)],
            sin[i % _NBUF])

    def start_out(i):
        r0 = base + i * _CH
        return pltpu.make_async_copy(
            bufs[i % _NBUF], out_hbm.at[pl.ds(r0, _CH)], sout[i % _NBUF])

    h_in = {}
    h_out = {}
    for i in range(min(_NBUF, _NCH)):
        h_in[i] = start_in(i)
        h_in[i].start()
    for i in range(_NCH):
        h_in[i].wait()
        _compute_tail(bufs[i % _NBUF])
        nxt = i - 1 + _NBUF
        if i >= 1 and nxt < _NCH:
            h_out[i - 1].wait()
            h_in[nxt] = start_in(nxt)
            h_in[nxt].start()
        plsc.subcore_barrier()
        h_out[i] = start_out(i)
        h_out[i].start()
    for i in range(max(0, _NCH - _NBUF), _NCH):
        h_out[i].wait()


def kernel(x):
    return _sc_kernel(x)

# --- scband reference (transcript-rebuilt; emitter-appended) ---
"""Pipeline reference for scband-deep-jet-transform4to5-11544872092143 (READ-ONLY COPY).

The authoritative reference and input builder live on the scoring server;
editing this copy changes nothing except your own understanding.
"""

import jax, jax.numpy as jnp
import numpy as np

DEEPJET_INDICES = [124, 125, 126, 127]

def setup_inputs(seed: int = 0) -> dict:
    key = jax.random.key(seed)
    x = jax.random.uniform(key, (16384, 128), dtype=jnp.float32)
    return {"x": x}

def reference(x):
    i0, i1, i2, i3 = DEEPJET_INDICES
    # eval-mode branch of DeepJetTransform4to5 (training mode is identity)
    b = jnp.take(x, jnp.array([i0]), axis=1)
    c = jnp.take(x, jnp.array([i1]), axis=1)
    l = jnp.take(x, jnp.array([i2]), axis=1)
    g = jnp.take(x, jnp.array([i3]), axis=1)
    analytical = jnp.concatenate(
        (b, c, c / (c + b), c / (c + l + g), g / (g + l)), axis=1
    )
    if i0 > 0:
        head = jnp.take(x, jnp.arange(i0), axis=1)
        out = jnp.concatenate((head, analytical), axis=1)
    else:
        out = analytical
    return out

if __name__ == "__main__":
    import jax
    _d = setup_inputs()
    print(jax.jit(kernel)(*tuple(_d.values())))

</pallas_src>

<mosaic_0001>
#map = affine_map<(d0, d1) -> (0, 0)>
module attributes {stable_mosaic.version = 14 : i64} {
  func.func @_sc_kernel(%arg0: i32, %arg1: i32, %arg2: memref<16384x128xf32, #tpu.memory_space<hbm>>, %arg3: memref<16384x129xf32, #tpu.memory_space<hbm>>, %arg4: memref<64x129xf32, #tpu.memory_space<vmem>>, %arg5: memref<64x129xf32, #tpu.memory_space<vmem>>, %arg6: memref<64x129xf32, #tpu.memory_space<vmem>>, %arg7: memref<64x129xf32, #tpu.memory_space<vmem>>, %arg8: memref<64x129xf32, #tpu.memory_space<vmem>>, %arg9: memref<64x129xf32, #tpu.memory_space<vmem>>, %arg10: memref<64x129xf32, #tpu.memory_space<vmem>>, %arg11: memref<!tpu.dma_semaphore, #tpu.memory_space<semaphore_mem>>, %arg12: memref<!tpu.dma_semaphore, #tpu.memory_space<semaphore_mem>>, %arg13: memref<!tpu.dma_semaphore, #tpu.memory_space<semaphore_mem>>, %arg14: memref<!tpu.dma_semaphore, #tpu.memory_space<semaphore_mem>>, %arg15: memref<!tpu.dma_semaphore, #tpu.memory_space<semaphore_mem>>, %arg16: memref<!tpu.dma_semaphore, #tpu.memory_space<semaphore_mem>>, %arg17: memref<!tpu.dma_semaphore, #tpu.memory_space<semaphore_mem>>, %arg18: memref<!tpu.dma_semaphore, #tpu.memory_space<semaphore_mem>>, %arg19: memref<!tpu.dma_semaphore, #tpu.memory_space<semaphore_mem>>, %arg20: memref<!tpu.dma_semaphore, #tpu.memory_space<semaphore_mem>>, %arg21: memref<!tpu.dma_semaphore, #tpu.memory_space<semaphore_mem>>, %arg22: memref<!tpu.dma_semaphore, #tpu.memory_space<semaphore_mem>>, %arg23: memref<!tpu.dma_semaphore, #tpu.memory_space<semaphore_mem>>, %arg24: memref<!tpu.dma_semaphore, #tpu.memory_space<semaphore_mem>>) attributes {dimension_semantics = [#tpu.dimension_semantics<core_parallel>, #tpu.dimension_semantics<subcore_parallel>], iteration_bounds = array<i64: 2, 16>, scalar_prefetch = 0 : i64, scratch_operands = 21 : i64, tpu.core_type = #tpu.core_type<sc_vector_subcore>, window_params = [{transform_indices = #map}, {transform_indices = #map}]} {
    %mul3A = arith.constant 2 : i32
    %mul3A_0 = arith.muli %arg1, %mul3A : i32
    %add3A = arith.addi %mul3A_0, %arg0 : i32
    %mul3A_1 = arith.constant 512 : i32
    %mul3A_2 = arith.muli %add3A, %mul3A_1 : i32
    %add3A_3 = arith.constant 0 : i32
    %add3A_4 = arith.addi %mul3A_2, %add3A_3 : i32
    %dma_start3A = arith.constant 0 : i32
    %dma_start3A_5 = arith.constant 0 : i32
    %dma_start3A_6 = tpu.memref_slice %arg4[%dma_start3A, %dma_start3A_5] : memref<64x129xf32, #tpu.memory_space<vmem>> -> memref<64x128xf32, #tpu.memory_space<vmem>>
    %dma_start3A_7 = arith.constant 0 : i32
    %dma_start3A_8 = tpu.memref_slice %arg2[%add3A_4, %dma_start3A_7] : memref<16384x128xf32, #tpu.memory_space<hbm>> -> memref<64x128xf32, #tpu.memory_space<hbm>>
    %dma_start3A_9 = arith.constant 0 : i32
    %dma_start3A_10 = arith.constant 0 : i32
    %dma_start3A_11 = tpu.memref_slice %arg4[%dma_start3A_9, %dma_start3A_10] : memref<64x129xf32, #tpu.memory_space<vmem>> -> memref<64x128xf32, #tpu.memory_space<vmem>>
    %dma_start3A_12 = arith.constant 0 : i32
    %dma_start3A_13 = tpu.memref_slice %arg2[%add3A_4, %dma_start3A_12] : memref<16384x128xf32, #tpu.memory_space<hbm>> -> memref<64x128xf32, #tpu.memory_space<hbm>>
    tpu.enqueue_dma source(%dma_start3A_13 : memref<64x128xf32, #tpu.memory_space<hbm>>) target(%dma_start3A_11 : memref<64x128xf32, #tpu.memory_space<vmem>>) target_semaphore(%arg11 : memref<!tpu.dma_semaphore, #tpu.memory_space<semaphore_mem>>)
    %add3A_14 = arith.constant 64 : i32
    %add3A_15 = arith.addi %mul3A_2, %add3A_14 : i32
    %dma_start3A_16 = arith.constant 0 : i32
    %dma_start3A_17 = arith.constant 0 : i32
    %dma_start3A_18 = tpu.memref_slice %arg5[%dma_start3A_16, %dma_start3A_17] : memref<64x129xf32, #tpu.memory_space<vmem>> -> memref<64x128xf32, #tpu.memory_space<vmem>>
    %dma_start3A_19 = arith.constant 0 : i32
    %dma_start3A_20 = tpu.memref_slice %arg2[%add3A_15, %dma_start3A_19] : memref<16384x128xf32, #tpu.memory_space<hbm>> -> memref<64x128xf32, #tpu.memory_space<hbm>>
    %dma_start3A_21 = arith.constant 0 : i32
    %dma_start3A_22 = arith.constant 0 : i32
    %dma_start3A_23 = tpu.memref_slice %arg5[%dma_start3A_21, %dma_start3A_22] : memref<64x129xf32, #tpu.memory_space<vmem>> -> memref<64x128xf32, #tpu.memory_space<vmem>>
    %dma_start3A_24 = arith.constant 0 : i32
    %dma_start3A_25 = tpu.memref_slice %arg2[%add3A_15, %dma_start3A_24] : memref<16384x128xf32, #tpu.memory_space<hbm>> -> memref<64x128xf32, #tpu.memory_space<hbm>>
    tpu.enqueue_dma source(%dma_start3A_25 : memref<64x128xf32, #tpu.memory_space<hbm>>) target(%dma_start3A_23 : memref<64x128xf32, #tpu.memory_space<vmem>>) target_semaphore(%arg12 : memref<!tpu.dma_semaphore, #tpu.memory_space<semaphore_mem>>)
    %add3A_26 = arith.constant 128 : i32
    %add3A_27 = arith.addi %mul3A_2, %add3A_26 : i32
    %dma_start3A_28 = arith.constant 0 : i32
    %dma_start3A_29 = arith.constant 0 : i32
    %dma_start3A_30 = tpu.memref_slice %arg6[%dma_start3A_28, %dma_start3A_29] : memref<64x129xf32, #tpu.memory_space<vmem>> -> memref<64x128xf32, #tpu.memory_space<vmem>>
    %dma_start3A_31 = arith.constant 0 : i32
    %dma_start3A_32 = tpu.memref_slice %arg2[%add3A_27, %dma_start3A_31] : memref<16384x128xf32, #tpu.memory_space<hbm>> -> memref<64x128xf32, #tpu.memory_space<hbm>>
    %dma_start3A_33 = arith.constant 0 : i32
    %dma_start3A_34 = arith.constant 0 : i32
    %dma_start3A_35 = tpu.memref_slice %arg6[%dma_start3A_33, %dma_start3A_34] : memref<64x129xf32, #tpu.memory_space<vmem>> -> memref<64x128xf32, #tpu.memory_space<vmem>>
    %dma_start3A_36 = arith.constant 0 : i32
    %dma_start3A_37 = tpu.memref_slice %arg2[%add3A_27, %dma_start3A_36] : memref<16384x128xf32, #tpu.memory_space<hbm>> -> memref<64x128xf32, #tpu.memory_space<hbm>>
    tpu.enqueue_dma source(%dma_start3A_37 : memref<64x128xf32, #tpu.memory_space<hbm>>) target(%dma_start3A_35 : memref<64x128xf32, #tpu.memory_space<vmem>>) target_semaphore(%arg13 : memref<!tpu.dma_semaphore, #tpu.memory_space<semaphore_mem>>)
    %add3A_38 = arith.constant 192 : i32
    %add3A_39 = arith.addi %mul3A_2, %add3A_38 : i32
    %dma_start3A_40 = arith.constant 0 : i32
    %dma_start3A_41 = arith.constant 0 : i32
    %dma_start3A_42 = tpu.memref_slice %arg7[%dma_start3A_40, %dma_start3A_41] : memref<64x129xf32, #tpu.memory_space<vmem>> -> memref<64x128xf32, #tpu.memory_space<vmem>>
    %dma_start3A_43 = arith.constant 0 : i32
    %dma_start3A_44 = tpu.memref_slice %arg2[%add3A_39, %dma_start3A_43] : memref<16384x128xf32, #tpu.memory_space<hbm>> -> memref<64x128xf32, #tpu.memory_space<hbm>>
    %dma_start3A_45 = arith.constant 0 : i32
    %dma_start3A_46 = arith.constant 0 : i32
    %dma_start3A_47 = tpu.memref_slice %arg7[%dma_start3A_45, %dma_start3A_46] : memref<64x129xf32, #tpu.memory_space<vmem>> -> memref<64x128xf32, #tpu.memory_space<vmem>>
    %dma_start3A_48 = arith.constant 0 : i32
    %dma_start3A_49 = tpu.memref_slice %arg2[%add3A_39, %dma_start3A_48] : memref<16384x128xf32, #tpu.memory_space<hbm>> -> memref<64x128xf32, #tpu.memory_space<hbm>>
    tpu.enqueue_dma source(%dma_start3A_49 : memref<64x128xf32, #tpu.memory_space<hbm>>) target(%dma_start3A_47 : memref<64x128xf32, #tpu.memory_space<vmem>>) target_semaphore(%arg14 : memref<!tpu.dma_semaphore, #tpu.memory_space<semaphore_mem>>)
    %add3A_50 = arith.constant 256 : i32
    %add3A_51 = arith.addi %mul3A_2, %add3A_50 : i32
    %dma_start3A_52 = arith.constant 0 : i32
    %dma_start3A_53 = arith.constant 0 : i32
    %dma_start3A_54 = tpu.memref_slice %arg8[%dma_start3A_52, %dma_start3A_53] : memref<64x129xf32, #tpu.memory_space<vmem>> -> memref<64x128xf32, #tpu.memory_space<vmem>>
    %dma_start3A_55 = arith.constant 0 : i32
    %dma_start3A_56 = tpu.memref_slice %arg2[%add3A_51, %dma_start3A_55] : memref<16384x128xf32, #tpu.memory_space<hbm>> -> memref<64x128xf32, #tpu.memory_space<hbm>>
    %dma_start3A_57 = arith.constant 0 : i32
    %dma_start3A_58 = arith.constant 0 : i32
    %dma_start3A_59 = tpu.memref_slice %arg8[%dma_start3A_57, %dma_start3A_58] : memref<64x129xf32, #tpu.memory_space<vmem>> -> memref<64x128xf32, #tpu.memory_space<vmem>>
    %dma_start3A_60 = arith.constant 0 : i32
    %dma_start3A_61 = tpu.memref_slice %arg2[%add3A_51, %dma_start3A_60] : memref<16384x128xf32, #tpu.memory_space<hbm>> -> memref<64x128xf32, #tpu.memory_space<hbm>>
    tpu.enqueue_dma source(%dma_start3A_61 : memref<64x128xf32, #tpu.memory_space<hbm>>) target(%dma_start3A_59 : memref<64x128xf32, #tpu.memory_space<vmem>>) target_semaphore(%arg15 : memref<!tpu.dma_semaphore, #tpu.memory_space<semaphore_mem>>)
    %add3A_62 = arith.constant 320 : i32
    %add3A_63 = arith.addi %mul3A_2, %add3A_62 : i32
    %dma_start3A_64 = arith.constant 0 : i32
    %dma_start3A_65 = arith.constant 0 : i32
    %dma_start3A_66 = tpu.memref_slice %arg9[%dma_start3A_64, %dma_start3A_65] : memref<64x129xf32, #tpu.memory_space<vmem>> -> memref<64x128xf32, #tpu.memory_space<vmem>>
    %dma_start3A_67 = arith.constant 0 : i32
    %dma_start3A_68 = tpu.memref_slice %arg2[%add3A_63, %dma_start3A_67] : memref<16384x128xf32, #tpu.memory_space<hbm>> -> memref<64x128xf32, #tpu.memory_space<hbm>>
    %dma_start3A_69 = arith.constant 0 : i32
    %dma_start3A_70 = arith.constant 0 : i32
    %dma_start3A_71 = tpu.memref_slice %arg9[%dma_start3A_69, %dma_start3A_70] : memref<64x129xf32, #tpu.memory_space<vmem>> -> memref<64x128xf32, #tpu.memory_space<vmem>>
    %dma_start3A_72 = arith.constant 0 : i32
    %dma_start3A_73 = tpu.memref_slice %arg2[%add3A_63, %dma_start3A_72] : memref<16384x128xf32, #tpu.memory_space<hbm>> -> memref<64x128xf32, #tpu.memory_space<hbm>>
    tpu.enqueue_dma source(%dma_start3A_73 : memref<64x128xf32, #tpu.memory_space<hbm>>) target(%dma_start3A_71 : memref<64x128xf32, #tpu.memory_space<vmem>>) target_semaphore(%arg16 : memref<!tpu.dma_semaphore, #tpu.memory_space<semaphore_mem>>)
    %add3A_74 = arith.constant 384 : i32
    %add3A_75 = arith.addi %mul3A_2, %add3A_74 : i32
    %dma_start3A_76 = arith.constant 0 : i32
    %dma_start3A_77 = arith.constant 0 : i32
    %dma_start3A_78 = tpu.memref_slice %arg10[%dma_start3A_76, %dma_start3A_77] : memref<64x129xf32, #tpu.memory_space<vmem>> -> memref<64x128xf32, #tpu.memory_space<vmem>>
    %dma_start3A_79 = arith.constant 0 : i32
    %dma_start3A_80 = tpu.memref_slice %arg2[%add3A_75, %dma_start3A_79] : memref<16384x128xf32, #tpu.memory_space<hbm>> -> memref<64x128xf32, #tpu.memory_space<hbm>>
    %dma_start3A_81 = arith.constant 0 : i32
    %dma_start3A_82 = arith.constant 0 : i32
    %dma_start3A_83 = tpu.memref_slice %arg10[%dma_start3A_81, %dma_start3A_82] : memref<64x129xf32, #tpu.memory_space<vmem>> -> memref<64x128xf32, #tpu.memory_space<vmem>>
    %dma_start3A_84 = arith.constant 0 : i32
    %dma_start3A_85 = tpu.memref_slice %arg2[%add3A_75, %dma_start3A_84] : memref<16384x128xf32, #tpu.memory_space<hbm>> -> memref<64x128xf32, #tpu.memory_space<hbm>>
    tpu.enqueue_dma source(%dma_start3A_85 : memref<64x128xf32, #tpu.memory_space<hbm>>) target(%dma_start3A_83 : memref<64x128xf32, #tpu.memory_space<vmem>>) target_semaphore(%arg17 : memref<!tpu.dma_semaphore, #tpu.memory_space<semaphore_mem>>)
    %dma_wait3A = arith.constant 0 : i32
    %dma_wait3A_86 = arith.constant 0 : i32
    %dma_wait3A_87 = tpu.memref_slice %arg4[%dma_wait3A, %dma_wait3A_86] : memref<64x129xf32, #tpu.memory_space<vmem>> -> memref<64x128xf32, #tpu.memory_space<vmem>>
    %dma_wait3A_88 = arith.constant 0 : i32
    %dma_wait3A_89 = tpu.memref_slice %arg2[%add3A_4, %dma_wait3A_88] : memref<16384x128xf32, #tpu.memory_space<hbm>> -> memref<64x128xf32, #tpu.memory_space<hbm>>
    %dma_wait3A_90 = arith.constant 0 : i32
    %dma_wait3A_91 = arith.constant 0 : i32
    %dma_wait3A_92 = tpu.memref_slice %arg4[%dma_wait3A_90, %dma_wait3A_91] : memref<64x129xf32, #tpu.memory_space<vmem>> -> memref<64x128xf32, #tpu.memory_space<vmem>>
    %dma_wait3A_93 = arith.constant 0 : i32
    %dma_wait3A_94 = tpu.memref_slice %arg2[%add3A_4, %dma_wait3A_93] : memref<16384x128xf32, #tpu.memory_space<hbm>> -> memref<64x128xf32, #tpu.memory_space<hbm>>
    tpu.wait_dma2 semaphore(%arg11 : memref<!tpu.dma_semaphore, #tpu.memory_space<semaphore_mem>>) src(%dma_wait3A_94 : memref<64x128xf32, #tpu.memory_space<hbm>>) dst(%dma_wait3A_92 : memref<64x128xf32, #tpu.memory_space<vmem>>)
    %iota3A = tpu.iota {dimensions = array<i32: 0>} : vector<16xi32>
    %add3A_95 = arith.constant 0 : i32
    %add3A_96 = vector.broadcast %add3A_95 : i32 to vector<16xi32>
    %add3A_97 = arith.addi %iota3A, %add3A_96 : vector<16xi32>
    %broadcast_in_dim3A = arith.constant 124 : i32
    %broadcast_in_dim3A_98 = vector.broadcast %broadcast_in_dim3A : i32 to vector<16xi32>
    %gather3A = tpu.vector_load_idx %arg4[%add3A_97, %broadcast_in_dim3A_98] : memref<64x129xf32, #tpu.memory_space<vmem>>[vector<16xi32>, vector<16xi32>], vector<16xf32>,
    %broadcast_in_dim3A_99 = arith.constant 125 : i32
    %broadcast_in_dim3A_100 = vector.broadcast %broadcast_in_dim3A_99 : i32 to vector<16xi32>
    %gather3A_101 = tpu.vector_load_idx %arg4[%add3A_97, %broadcast_in_dim3A_100] : memref<64x129xf32, #tpu.memory_space<vmem>>[vector<16xi32>, vector<16xi32>], vector<16xf32>,
    %broadcast_in_dim3A_102 = arith.constant 126 : i32
    %broadcast_in_dim3A_103 = vector.broadcast %broadcast_in_dim3A_102 : i32 to vector<16xi32>
    %gather3A_104 = tpu.vector_load_idx %arg4[%add3A_97, %broadcast_in_dim3A_103] : memref<64x129xf32, #tpu.memory_space<vmem>>[vector<16xi32>, vector<16xi32>], vector<16xf32>,
    %broadcast_in_dim3A_105 = arith.constant 127 : i32
    %broadcast_in_dim3A_106 = vector.broadcast %broadcast_in_dim3A_105 : i32 to vector<16xi32>
    %gather3A_107 = tpu.vector_load_idx %arg4[%add3A_97, %broadcast_in_dim3A_106] : memref<64x129xf32, #tpu.memory_space<vmem>>[vector<16xi32>, vector<16xi32>], vector<16xf32>,
    %add3A_108 = arith.addf %gather3A_101, %gather3A : vector<16xf32>
    %div3A = arith.divf %gather3A_101, %add3A_108 : vector<16xf32>
    %add3A_109 = arith.addf %gather3A_101, %gather3A_104 : vector<16xf32>
    %add3A_110 = arith.addf %add3A_109, %gather3A_107 : vector<16xf32>
    %div3A_111 = arith.divf %gather3A_101, %add3A_110 : vector<16xf32>
    %add3A_112 = arith.addf %gather3A_107, %gather3A_104 : vector<16xf32>
    %div3A_113 = arith.divf %gather3A_107, %add3A_112 : vector<16xf32>
    %broadcast_in_dim3A_114 = arith.constant 126 : i32
    %broadcast_in_dim3A_115 = vector.broadcast %broadcast_in_dim3A_114 : i32 to vector<16xi32>
    tpu.vector_store_idx %arg4[%add3A_97, %broadcast_in_dim3A_115], %div3A : memref<64x129xf32, #tpu.memory_space<vmem>>[vector<16xi32>, vector<16xi32>], vector<16xf32>,
    %broadcast_in_dim3A_116 = arith.constant 127 : i32
    %broadcast_in_dim3A_117 = vector.broadcast %broadcast_in_dim3A_116 : i32 to vector<16xi32>
    tpu.vector_store_idx %arg4[%add3A_97, %broadcast_in_dim3A_117], %div3A_111 : memref<64x129xf32, #tpu.memory_space<vmem>>[vector<16xi32>, vector<16xi32>], vector<16xf32>,
    %broadcast_in_dim3A_118 = arith.constant 128 : i32
    %broadcast_in_dim3A_119 = vector.broadcast %broadcast_in_dim3A_118 : i32 to vector<16xi32>
    tpu.vector_store_idx %arg4[%add3A_97, %broadcast_in_dim3A_119], %div3A_113 : memref<64x129xf32, #tpu.memory_space<vmem>>[vector<16xi32>, vector<16xi32>], vector<16xf32>,
    %iota3A_120 = tpu.iota {dimensions = array<i32: 0>} : vector<16xi32>
    %add3A_121 = arith.constant 16 : i32
    %add3A_122 = vector.broadcast %add3A_121 : i32 to vector<16xi32>
    %add3A_123 = arith.addi %iota3A_120, %add3A_122 : vector<16xi32>
    %broadcast_in_dim3A_124 = arith.constant 124 : i32
    %broadcast_in_dim3A_125 = vector.broadcast %broadcast_in_dim3A_124 : i32 to vector<16xi32>
    %gather3A_126 = tpu.vector_load_idx %arg4[%add3A_123, %broadcast_in_dim3A_125] : memref<64x129xf32, #tpu.memory_space<vmem>>[vector<16xi32>, vector<16xi32>], vector<16xf32>,
    %broadcast_in_dim3A_127 = arith.constant 125 : i32
    %broadcast_in_dim3A_128 = vector.broadcast %broadcast_in_dim3A_127 : i32 to vector<16xi32>
    %gather3A_129 = tpu.vector_load_idx %arg4[%add3A_123, %broadcast_in_dim3A_128] : memref<64x129xf32, #tpu.memory_space<vmem>>[vector<16xi32>, vector<16xi32>], vector<16xf32>,
    %broadcast_in_dim3A_130 = arith.constant 126 : i32
    %broadcast_in_dim3A_131 = vector.broadcast %broadcast_in_dim3A_130 : i32 to vector<16xi32>
    %gather3A_132 = tpu.vector_load_idx %arg4[%add3A_123, %broadcast_in_dim3A_131] : memref<64x129xf32, #tpu.memory_space<vmem>>[vector<16xi32>, vector<16xi32>], vector<16xf32>,
    %broadcast_in_dim3A_133 = arith.constant 127 : i32
    %broadcast_in_dim3A_134 = vector.broadcast %broadcast_in_dim3A_133 : i32 to vector<16xi32>
    %gather3A_135 = tpu.vector_load_idx %arg4[%add3A_123, %broadcast_in_dim3A_134] : memref<64x129xf32, #tpu.memory_space<vmem>>[vector<16xi32>, vector<16xi32>], vector<16xf32>,
    %add3A_136 = arith.addf %gather3A_129, %gather3A_126 : vector<16xf32>
    %div3A_137 = arith.divf %gather3A_129, %add3A_136 : vector<16xf32>
    %add3A_138 = arith.addf %gather3A_129, %gather3A_132 : vector<16xf32>
    %add3A_139 = arith.addf %add3A_138, %gather3A_135 : vector<16xf32>
    %div3A_140 = arith.divf %gather3A_129, %add3A_139 : vector<16xf32>
    %add3A_141 = arith.addf %gather3A_135, %gather3A_132 : vector<16xf32>
    %div3A_142 = arith.divf %gather3A_135, %add3A_141 : vector<16xf32>
    %broadcast_in_dim3A_143 = arith.constant 126 : i32
    %broadcast_in_dim3A_144 = vector.broadcast %broadcast_in_dim3A_143 : i32 to vector<16xi32>
    tpu.vector_store_idx %arg4[%add3A_123, %broadcast_in_dim3A_144], %div3A_137 : memref<64x129xf32, #tpu.memory_space<vmem>>[vector<16xi32>, vector<16xi32>], vector<16xf32>,
    %broadcast_in_dim3A_145 = arith.constant 127 : i32
    %broadcast_in_dim3A_146 = vector.broadcast %broadcast_in_dim3A_145 : i32 to vector<16xi32>
    tpu.vector_store_idx %arg4[%add3A_123, %broadcast_in_dim3A_146], %div3A_140 : memref<64x129xf32, #tpu.memory_space<vmem>>[vector<16xi32>, vector<16xi32>], vector<16xf32>,
    %broadcast_in_dim3A_147 = arith.constant 128 : i32
    %broadcast_in_dim3A_148 = vector.broadcast %broadcast_in_dim3A_147 : i32 to vector<16xi32>
    tpu.vector_store_idx %arg4[%add3A_123, %broadcast_in_dim3A_148], %div3A_142 : memref<64x129xf32, #tpu.memory_space<vmem>>[vector<16xi32>, vector<16xi32>], vector<16xf32>,
    %iota3A_149 = tpu.iota {dimensions = array<i32: 0>} : vector<16xi32>
    %add3A_150 = arith.constant 32 : i32
    %add3A_151 = vector.broadcast %add3A_150 : i32 to vector<16xi32>
    %add3A_152 = arith.addi %iota3A_149, %add3A_151 : vector<16xi32>
    %broadcast_in_dim3A_153 = arith.constant 124 : i32
    %broadcast_in_dim3A_154 = vector.broadcast %broadcast_in_dim3A_153 : i32 to vector<16xi32>
    %gather3A_155 = tpu.vector_load_idx %arg4[%add3A_152, %broadcast_in_dim3A_154] : memref<64x129xf32, #tpu.memory_space<vmem>>[vector<16xi32>, vector<16xi32>], vector<16xf32>,
    %broadcast_in_dim3A_156 = arith.constant 125 : i32
    %broadcast_in_dim3A_157 = vector.broadcast %broadcast_in_dim3A_156 : i32 to vector<16xi32>
    %gather3A_158 = tpu.vector_load_idx %arg4[%add3A_152, %broadcast_in_dim3A_157] : memref<64x129xf32, #tpu.memory_space<vmem>>[vector<16xi32>, vector<16xi32>], vector<16xf32>,
    %broadcast_in_dim3A_159 = arith.constant 126 : i32
    %broadcast_in_dim3A_160 = vector.broadcast %broadcast_in_dim3A_159 : i32 to vector<16xi32>
    %gather3A_161 = tpu.vector_load_idx %arg4[%add3A_152, %broadcast_in_dim3A_160] : memref<64x129xf32, #tpu.memory_space<vmem>>[vector<16xi32>, vector<16xi32>], vector<16xf32>,
    %broadcast_in_dim3A_162 = arith.constant 127 : i32
    %broadcast_in_dim3A_163 = vector.broadcast %broadcast_in_dim3A_162 : i32 to vector<16xi32>
    %gather3A_164 = tpu.vector_load_idx %arg4[%add3A_152, %broadcast_in_dim3A_163] : memref<64x129xf32, #tpu.memory_space<vmem>>[vector<16xi32>, vector<16xi32>], vector<16xf32>,
    %add3A_165 = arith.addf %gather3A_158, %gather3A_155 : vector<16xf32>
    %div3A_166 = arith.divf %gather3A_158, %add3A_165 : vector<16xf32>
    %add3A_167 = arith.addf %gather3A_158, %gather3A_161 : vector<16xf32>
    %add3A_168 = arith.addf %add3A_167, %gather3A_164 : vector<16xf32>
    %div3A_169 = arith.divf %gather3A_158, %add3A_168 : vector<16xf32>
    %add3A_170 = arith.addf %gather3A_164, %gather3A_161 : vector<16xf32>
    %div3A_171 = arith.divf %gather3A_164, %add3A_170 : vector<16xf32>
    %broadcast_in_dim3A_172 = arith.constant 126 : i32
    %broadcast_in_dim3A_173 = vector.broadcast %broadcast_in_dim3A_172 : i32 to vector<16xi32>
    tpu.vector_store_idx %arg4[%add3A_152, %broadcast_in_dim3A_173], %div3A_166 : memref<64x129xf32, #tpu.memory_space<vmem>>[vector<16xi32>, vector<16xi32>], vector<16xf32>,
    %broadcast_in_dim3A_174 = arith.constant 127 : i32
    %broadcast_in_dim3A_175 = vector.broadcast %broadcast_in_dim3A_174 : i32 to vector<16xi32>
    tpu.vector_store_idx %arg4[%add3A_152, %broadcast_in_dim3A_175], %div3A_169 : memref<64x129xf32, #tpu.memory_space<vmem>>[vector<16xi32>, vector<16xi32>], vector<16xf32>,
    %broadcast_in_dim3A_176 = arith.constant 128 : i32
    %broadcast_in_dim3A_177 = vector.broadcast %broadcast_in_dim3A_176 : i32 to vector<16xi32>
    tpu.vector_store_idx %arg4[%add3A_152, %broadcast_in_dim3A_177], %div3A_171 : memref<64x129xf32, #tpu.memory_space<vmem>>[vector<16xi32>, vector<16xi32>], vector<16xf32>,
    %iota3A_178 = tpu.iota {dimensions = array<i32: 0>} : vector<16xi32>
    %add3A_179 = arith.constant 48 : i32
    %add3A_180 = vector.broadcast %add3A_179 : i32 to vector<16xi32>
    %add3A_181 = arith.addi %iota3A_178, %add3A_180 : vector<16xi32>
    %broadcast_in_dim3A_182 = arith.constant 124 : i32
    %broadcast_in_dim3A_183 = vector.broadcast %broadcast_in_dim3A_182 : i32 to vector<16xi32>
    %gather3A_184 = tpu.vector_load_idx %arg4[%add3A_181, %broadcast_in_dim3A_183] : memref<64x129xf32, #tpu.memory_space<vmem>>[vector<16xi32>, vector<16xi32>], vector<16xf32>,
    %broadcast_in_dim3A_185 = arith.constant 125 : i32
    %broadcast_in_dim3A_186 = vector.broadcast %broadcast_in_dim3A_185 : i32 to vector<16xi32>
    %gather3A_187 = tpu.vector_load_idx %arg4[%add3A_181, %broadcast_in_dim3A_186] : memref<64x129xf32, #tpu.memory_space<vmem>>[vector<16xi32>, vector<16xi32>], vector<16xf32>,
    %broadcast_in_dim3A_188 = arith.constant 126 : i32
    %broadcast_in_dim3A_189 = vector.broadcast %broadcast_in_dim3A_188 : i32 to vector<16xi32>
    %gather3A_190 = tpu.vector_load_idx %arg4[%add3A_181, %broadcast_in_dim3A_189] : memref<64x129xf32, #tpu.memory_space<vmem>>[vector<16xi32>, vector<16xi32>], vector<16xf32>,
    %broadcast_in_dim3A_191 = arith.constant 127 : i32
    %broadcast_in_dim3A_192 = vector.broadcast %broadcast_in_dim3A_191 : i32 to vector<16xi32>
    %gather3A_193 = tpu.vector_load_idx %arg4[%add3A_181, %broadcast_in_dim3A_192] : memref<64x129xf32, #tpu.memory_space<vmem>>[vector<16xi32>, vector<16xi32>], vector<16xf32>,
    %add3A_194 = arith.addf %gather3A_187, %gather3A_184 : vector<16xf32>
    %div3A_195 = arith.divf %gather3A_187, %add3A_194 : vector<16xf32>
    %add3A_196 = arith.addf %gather3A_187, %gather3A_190 : vector<16xf32>
    %add3A_197 = arith.addf %add3A_196, %gather3A_193 : vector<16xf32>
    %div3A_198 = arith.divf %gather3A_187, %add3A_197 : vector<16xf32>
    %add3A_199 = arith.addf %gather3A_193, %gather3A_190 : vector<16xf32>
    %div3A_200 = arith.divf %gather3A_193, %add3A_199 : vector<16xf32>
    %broadcast_in_dim3A_201 = arith.constant 126 : i32
    %broadcast_in_dim3A_202 = vector.broadcast %broadcast_in_dim3A_201 : i32 to vector<16xi32>
    tpu.vector_store_idx %arg4[%add3A_181, %broadcast_in_dim3A_202], %div3A_195 : memref<64x129xf32, #tpu.memory_space<vmem>>[vector<16xi32>, vector<16xi32>], vector<16xf32>,
    %broadcast_in_dim3A_203 = arith.constant 127 : i32
    %broadcast_in_dim3A_204 = vector.broadcast %broadcast_in_dim3A_203 : i32 to vector<16xi32>
    tpu.vector_store_idx %arg4[%add3A_181, %broadcast_in_dim3A_204], %div3A_198 : memref<64x129xf32, #tpu.memory_space<vmem>>[vector<16xi32>, vector<16xi32>], vector<16xf32>,
    %broadcast_in_dim3A_205 = arith.constant 128 : i32
    %broadcast_in_dim3A_206 = vector.broadcast %broadcast_in_dim3A_205 : i32 to vector<16xi32>
    tpu.vector_store_idx %arg4[%add3A_181, %broadcast_in_dim3A_206], %div3A_200 : memref<64x129xf32, #tpu.memory_space<vmem>>[vector<16xi32>, vector<16xi32>], vector<16xf32>,
    %barrier3A = arith.constant 0 : index
    tpu.barrier barrier_id(%barrier3A)
    %add3A_207 = arith.constant 0 : i32
    %add3A_208 = arith.addi %mul3A_2, %add3A_207 : i32
    %dma_start3A_209 = arith.constant 0 : i32
    %dma_start3A_210 = tpu.memref_slice %arg3[%add3A_208, %dma_start3A_209] : memref<16384x129xf32, #tpu.memory_space<hbm>> -> memref<64x129xf32, #tpu.memory_space<hbm>>
    %dma_start3A_211 = arith.constant 0 : i32
    %dma_start3A_212 = tpu.memref_slice %arg3[%add3A_208, %dma_start3A_211] : memref<16384x129xf32, #tpu.memory_space<hbm>> -> memref<64x129xf32, #tpu.memory_space<hbm>>
    tpu.enqueue_dma source(%arg4 : memref<64x129xf32, #tpu.memory_space<vmem>>) target(%dma_start3A_212 : memref<64x129xf32, #tpu.memory_space<hbm>>) target_semaphore(%arg18 : memref<!tpu.dma_semaphore, #tpu.memory_space<semaphore_mem>>)
    %dma_wait3A_213 = arith.constant 0 : i32
    %dma_wait3A_214 = arith.constant 0 : i32
    %dma_wait3A_215 = tpu.memref_slice %arg5[%dma_wait3A_213, %dma_wait3A_214] : memref<64x129xf32, #tpu.memory_space<vmem>> -> memref<64x128xf32, #tpu.memory_space<vmem>>
    %dma_wait3A_216 = arith.constant 0 : i32
    %dma_wait3A_217 = tpu.memref_slice %arg2[%add3A_15, %dma_wait3A_216] : memref<16384x128xf32, #tpu.memory_space<hbm>> -> memref<64x128xf32, #tpu.memory_space<hbm>>
    %dma_wait3A_218 = arith.constant 0 : i32
    %dma_wait3A_219 = arith.constant 0 : i32
    %dma_wait3A_220 = tpu.memref_slice %arg5[%dma_wait3A_218, %dma_wait3A_219] : memref<64x129xf32, #tpu.memory_space<vmem>> -> memref<64x128xf32, #tpu.memory_space<vmem>>
    %dma_wait3A_221 = arith.constant 0 : i32
    %dma_wait3A_222 = tpu.memref_slice %arg2[%add3A_15, %dma_wait3A_221] : memref<16384x128xf32, #tpu.memory_space<hbm>> -> memref<64x128xf32, #tpu.memory_space<hbm>>
    tpu.wait_dma2 semaphore(%arg12 : memref<!tpu.dma_semaphore, #tpu.memory_space<semaphore_mem>>) src(%dma_wait3A_222 : memref<64x128xf32, #tpu.memory_space<hbm>>) dst(%dma_wait3A_220 : memref<64x128xf32, #tpu.memory_space<vmem>>)
    %iota3A_223 = tpu.iota {dimensions = array<i32: 0>} : vector<16xi32>
    %add3A_224 = arith.constant 0 : i32
    %add3A_225 = vector.broadcast %add3A_224 : i32 to vector<16xi32>
    %add3A_226 = arith.addi %iota3A_223, %add3A_225 : vector<16xi32>
    %broadcast_in_dim3A_227 = arith.constant 124 : i32
    %broadcast_in_dim3A_228 = vector.broadcast %broadcast_in_dim3A_227 : i32 to vector<16xi32>
    %gather3A_229 = tpu.vector_load_idx %arg5[%add3A_226, %broadcast_in_dim3A_228] : memref<64x129xf32, #tpu.memory_space<vmem>>[vector<16xi32>, vector<16xi32>], vector<16xf32>,
    %broadcast_in_dim3A_230 = arith.constant 125 : i32
    %broadcast_in_dim3A_231 = vector.broadcast %broadcast_in_dim3A_230 : i32 to vector<16xi32>
    %gather3A_232 = tpu.vector_load_idx %arg5[%add3A_226, %broadcast_in_dim3A_231] : memref<64x129xf32, #tpu.memory_space<vmem>>[vector<16xi32>, vector<16xi32>], vector<16xf32>,
    %broadcast_in_dim3A_233 = arith.constant 126 : i32
    %broadcast_in_dim3A_234 = vector.broadcast %broadcast_in_dim3A_233 : i32 to vector<16xi32>
    %gather3A_235 = tpu.vector_load_idx %arg5[%add3A_226, %broadcast_in_dim3A_234] : memref<64x129xf32, #tpu.memory_space<vmem>>[vector<16xi32>, vector<16xi32>], vector<16xf32>,
    %broadcast_in_dim3A_236 = arith.constant 127 : i32
    %broadcast_in_dim3A_237 = vector.broadcast %broadcast_in_dim3A_236 : i32 to vector<16xi32>
    %gather3A_238 = tpu.vector_load_idx %arg5[%add3A_226, %broadcast_in_dim3A_237] : memref<64x129xf32, #tpu.memory_space<vmem>>[vector<16xi32>, vector<16xi32>], vector<16xf32>,
    %add3A_239 = arith.addf %gather3A_232, %gather3A_229 : vector<16xf32>
    %div3A_240 = arith.divf %gather3A_232, %add3A_239 : vector<16xf32>
    %add3A_241 = arith.addf %gather3A_232, %gather3A_235 : vector<16xf32>
    %add3A_242 = arith.addf %add3A_241, %gather3A_238 : vector<16xf32>
    %div3A_243 = arith.divf %gather3A_232, %add3A_242 : vector<16xf32>
    %add3A_244 = arith.addf %gather3A_238, %gather3A_235 : vector<16xf32>
    %div3A_245 = arith.divf %gather3A_238, %add3A_244 : vector<16xf32>
    %broadcast_in_dim3A_246 = arith.constant 126 : i32
    %broadcast_in_dim3A_247 = vector.broadcast %broadcast_in_dim3A_246 : i32 to vector<16xi32>
    tpu.vector_store_idx %arg5[%add3A_226, %broadcast_in_dim3A_247], %div3A_240 : memref<64x129xf32, #tpu.memory_space<vmem>>[vector<16xi32>, vector<16xi32>], vector<16xf32>,
    %broadcast_in_dim3A_248 = arith.constant 127 : i32
    %broadcast_in_dim3A_249 = vector.broadcast %broadcast_in_dim3A_248 : i32 to vector<16xi32>
    tpu.vector_store_idx %arg5[%add3A_226, %broadcast_in_dim3A_249], %div3A_243 : memref<64x129xf32, #tpu.memory_space<vmem>>[vector<16xi32>, vector<16xi32>], vector<16xf32>,
    %broadcast_in_dim3A_250 = arith.constant 128 : i32
    %broadcast_in_dim3A_251 = vector.broadcast %broadcast_in_dim3A_250 : i32 to vector<16xi32>
    tpu.vector_store_idx %arg5[%add3A_226, %broadcast_in_dim3A_251], %div3A_245 : memref<64x129xf32, #tpu.memory_space<vmem>>[vector<16xi32>, vector<16xi32>], vector<16xf32>,
    %iota3A_252 = tpu.iota {dimensions = array<i32: 0>} : vector<16xi32>
    %add3A_253 = arith.constant 16 : i32
    %add3A_254 = vector.broadcast %add3A_253 : i32 to vector<16xi32>
    %add3A_255 = arith.addi %iota3A_252, %add3A_254 : vector<16xi32>
    %broadcast_in_dim3A_256 = arith.constant 124 : i32
    %broadcast_in_dim3A_257 = vector.broadcast %broadcast_in_dim3A_256 : i32 to vector<16xi32>
    %gather3A_258 = tpu.vector_load_idx %arg5[%add3A_255, %broadcast_in_dim3A_257] : memref<64x129xf32, #tpu.memory_space<vmem>>[vector<16xi32>, vector<16xi32>], vector<16xf32>,
    %broadcast_in_dim3A_259 = arith.constant 125 : i32
    %broadcast_in_dim3A_260 = vector.broadcast %broadcast_in_dim3A_259 : i32 to vector<16xi32>
    %gather3A_261 = tpu.vector_load_idx %arg5[%add3A_255, %broadcast_in_dim3A_260] : memref<64x129xf32, #tpu.memory_space<vmem>>[vector<16xi32>, vector<16xi32>], vector<16xf32>,
    %broadcast_in_dim3A_262 = arith.constant 126 : i32
    %broadcast_in_dim3A_263 = vector.broadcast %broadcast_in_dim3A_262 : i32 to vector<16xi32>
    %gather3A_264 = tpu.vector_load_idx %arg5[%add3A_255, %broadcast_in_dim3A_263] : memref<64x129xf32, #tpu.memory_space<vmem>>[vector<16xi32>, vector<16xi32>], vector<16xf32>,
    %broadcast_in_dim3A_265 = arith.constant 127 : i32
    %broadcast_in_dim3A_266 = vector.broadcast %broadcast_in_dim3A_265 : i32 to vector<16xi32>
    %gather3A_267 = tpu.vector_load_idx %arg5[%add3A_255, %broadcast_in_dim3A_266] : memref<64x129xf32, #tpu.memory_space<vmem>>[vector<16xi32>, vector<16xi32>], vector<16xf32>,
    %add3A_268 = arith.addf %gather3A_261, %gather3A_258 : vector<16xf32>
    %div3A_269 = arith.divf %gather3A_261, %add3A_268 : vector<16xf32>
    %add3A_270 = arith.addf %gather3A_261, %gather3A_264 : vector<16xf32>
    %add3A_271 = arith.addf %add3A_270, %gather3A_267 : vector<16xf32>
    %div3A_272 = arith.divf %gather3A_261, %add3A_271 : vector<16xf32>
    %add3A_273 = arith.addf %gather3A_267, %gather3A_264 : vector<16xf32>
    %div3A_274 = arith.divf %gather3A_267, %add3A_273 : vector<16xf32>
    %broadcast_in_dim3A_275 = arith.constant 126 : i32
    %broadcast_in_dim3A_276 = vector.broadcast %broadcast_in_dim3A_275 : i32 to vector<16xi32>
    tpu.vector_store_idx %arg5[%add3A_255, %broadcast_in_dim3A_276], %div3A_269 : memref<64x129xf32, #tpu.memory_space<vmem>>[vector<16xi32>, vector<16xi32>], vector<16xf32>,
    %broadcast_in_dim3A_277 = arith.constant 127 : i32
    %broadcast_in_dim3A_278 = vector.broadcast %broadcast_in_dim3A_277 : i32 to vector<16xi32>
    tpu.vector_store_idx %arg5[%add3A_255, %broadcast_in_dim3A_278], %div3A_272 : memref<64x129xf32, #tpu.memory_space<vmem>>[vector<16xi32>, vector<16xi32>], vector<16xf32>,
    %broadcast_in_dim3A_279 = arith.constant 128 : i32
    %broadcast_in_dim3A_280 = vector.broadcast %broadcast_in_dim3A_279 : i32 to vector<16xi32>
    tpu.vector_store_idx %arg5[%add3A_255, %broadcast_in_dim3A_280], %div3A_274 : memref<64x129xf32, #tpu.memory_space<vmem>>[vector<16xi32>, vector<16xi32>], vector<16xf32>,
    %iota3A_281 = tpu.iota {dimensions = array<i32: 0>} : vector<16xi32>
    %add3A_282 = arith.constant 32 : i32
    %add3A_283 = vector.broadcast %add3A_282 : i32 to vector<16xi32>
    %add3A_284 = arith.addi %iota3A_281, %add3A_283 : vector<16xi32>
    %broadcast_in_dim3A_285 = arith.constant 124 : i32
    %broadcast_in_dim3A_286 = vector.broadcast %broadcast_in_dim3A_285 : i32 to vector<16xi32>
    %gather3A_287 = tpu.vector_load_idx %arg5[%add3A_284, %broadcast_in_dim3A_286] : memref<64x129xf32, #tpu.memory_space<vmem>>[vector<16xi32>, vector<16xi32>], vector<16xf32>,
    %broadcast_in_dim3A_288 = arith.constant 125 : i32
    %broadcast_in_dim3A_289 = vector.broadcast %broadcast_in_dim3A_288 : i32 to vector<16xi32>
    %gather3A_290 = tpu.vector_load_idx %arg5[%add3A_284, %broadcast_in_dim3A_289] : memref<64x129xf32, #tpu.memory_space<vmem>>[vector<16xi32>, vector<16xi32>], vector<16xf32>,
    %broadcast_in_dim3A_291 = arith.constant 126 : i32
    %broadcast_in_dim3A_292 = vector.broadcast %broadcast_in_dim3A_291 : i32 to vector<16xi32>
    %gather3A_293 = tpu.vector_load_idx %arg5[%add3A_284, %broadcast_in_dim3A_292] : memref<64x129xf32, #tpu.memory_space<vmem>>[vector<16xi32>, vector<16xi32>], vector<16xf32>,
    %broadcast_in_dim3A_294 = arith.constant 127 : i32
    %broadcast_in_dim3A_295 = vector.broadcast %broadcast_in_dim3A_294 : i32 to vector<16xi32>
    %gather3A_296 = tpu.vector_load_idx %arg5[%add3A_284, %broadcast_in_dim3A_295] : memref<64x129xf32, #tpu.memory_space<vmem>>[vector<16xi32>, vector<16xi32>], vector<16xf32>,
    %add3A_297 = arith.addf %gather3A_290, %gather3A_287 : vector<16xf32>
    %div3A_298 = arith.divf %gather3A_290, %add3A_297 : vector<16xf32>
    %add3A_299 = arith.addf %gather3A_290, %gather3A_293 : vector<16xf32>
    %add3A_300 = arith.addf %add3A_299, %gather3A_296 : vector<16xf32>
    %div3A_301 = arith.divf %gather3A_290, %add3A_300 : vector<16xf32>
    %add3A_302 = arith.addf %gather3A_296, %gather3A_293 : vector<16xf32>
    %div3A_303 = arith.divf %gather3A_296, %add3A_302 : vector<16xf32>
    %broadcast_in_dim3A_304 = arith.constant 126 : i32
    %broadcast_in_dim3A_305 = vector.broadcast %broadcast_in_dim3A_304 : i32 to vector<16xi32>
    tpu.vector_store_idx %arg5[%add3A_284, %broadcast_in_dim3A_305], %div3A_298 : memref<64x129xf32, #tpu.memory_space<vmem>>[vector<16xi32>, vector<16xi32>], vector<16xf32>,
    %broadcast_in_dim3A_306 = arith.constant 127 : i32
    %broadcast_in_dim3A_307 = vector.broadcast %broadcast_in_dim3A_306 : i32 to vector<16xi32>
    tpu.vector_store_idx %arg5[%add3A_284, %broadcast_in_dim3A_307], %div3A_301 : memref<64x129xf32, #tpu.memory_space<vmem>>[vector<16xi32>, vector<16xi32>], vector<16xf32>,
    %broadcast_in_dim3A_308 = arith.constant 128 : i32
    %broadcast_in_dim3A_309 = vector.broadcast %broadcast_in_dim3A_308 : i32 to vector<16xi32>
    tpu.vector_store_idx %arg5[%add3A_284, %broadcast_in_dim3A_309], %div3A_303 : memref<64x129xf32, #tpu.memory_space<vmem>>[vector<16xi32>, vector<16xi32>], vector<16xf32>,
    %iota3A_310 = tpu.iota {dimensions = array<i32: 0>} : vector<16xi32>
    %add3A_311 = arith.constant 48 : i32
    %add3A_312 = vector.broadcast %add3A_311 : i32 to vector<16xi32>
    %add3A_313 = arith.addi %iota3A_310, %add3A_312 : vector<16xi32>
    %broadcast_in_dim3A_314 = arith.constant 124 : i32
    %broadcast_in_dim3A_315 = vector.broadcast %broadcast_in_dim3A_314 : i32 to vector<16xi32>
    %gather3A_316 = tpu.vector_load_idx %arg5[%add3A_313, %broadcast_in_dim3A_315] : memref<64x129xf32, #tpu.memory_space<vmem>>[vector<16xi32>, vector<16xi32>], vector<16xf32>,
    %broadcast_in_dim3A_317 = arith.constant 125 : i32
    %broadcast_in_dim3A_318 = vector.broadcast %broadcast_in_dim3A_317 : i32 to vector<16xi32>
    %gather3A_319 = tpu.vector_load_idx %arg5[%add3A_313, %broadcast_in_dim3A_318] : memref<64x129xf32, #tpu.memory_space<vmem>>[vector<16xi32>, vector<16xi32>], vector<16xf32>,
    %broadcast_in_dim3A_320 = arith.constant 126 : i32
    %broadcast_in_dim3A_321 = vector.broadcast %broadcast_in_dim3A_320 : i32 to vector<16xi32>
    %gather3A_322 = tpu.vector_load_idx %arg5[%add3A_313, %broadcast_in_dim3A_321] : memref<64x129xf32, #tpu.memory_space<vmem>>[vector<16xi32>, vector<16xi32>], vector<16xf32>,
    %broadcast_in_dim3A_323 = arith.constant 127 : i32
    %broadcast_in_dim3A_324 = vector.broadcast %broadcast_in_dim3A_323 : i32 to vector<16xi32>
    %gather3A_325 = tpu.vector_load_idx %arg5[%add3A_313, %broadcast_in_dim3A_324] : memref<64x129xf32, #tpu.memory_space<vmem>>[vector<16xi32>, vector<16xi32>], vector<16xf32>,
    %add3A_326 = arith.addf %gather3A_319, %gather3A_316 : vector<16xf32>
    %div3A_327 = arith.divf %gather3A_319, %add3A_326 : vector<16xf32>
    %add3A_328 = arith.addf %gather3A_319, %gather3A_322 : vector<16xf32>
    %add3A_329 = arith.addf %add3A_328, %gather3A_325 : vector<16xf32>
    %div3A_330 = arith.divf %gather3A_319, %add3A_329 : vector<16xf32>
    %add3A_331 = arith.addf %gather3A_325, %gather3A_322 : vector<16xf32>
    %div3A_332 = arith.divf %gather3A_325, %add3A_331 : vector<16xf32>
    %broadcast_in_dim3A_333 = arith.constant 126 : i32
    %broadcast_in_dim3A_334 = vector.broadcast %broadcast_in_dim3A_333 : i32 to vector<16xi32>
    tpu.vector_store_idx %arg5[%add3A_313, %broadcast_in_dim3A_334], %div3A_327 : memref<64x129xf32, #tpu.memory_space<vmem>>[vector<16xi32>, vector<16xi32>], vector<16xf32>,
    %broadcast_in_dim3A_335 = arith.constant 127 : i32
    %broadcast_in_dim3A_336 = vector.broadcast %broadcast_in_dim3A_335 : i32 to vector<16xi32>
    tpu.vector_store_idx %arg5[%add3A_313, %broadcast_in_dim3A_336], %div3A_330 : memref<64x129xf32, #tpu.memory_space<vmem>>[vector<16xi32>, vector<16xi32>], vector<16xf32>,
    %broadcast_in_dim3A_337 = arith.constant 128 : i32
    %broadcast_in_dim3A_338 = vector.broadcast %broadcast_in_dim3A_337 : i32 to vector<16xi32>
    tpu.vector_store_idx %arg5[%add3A_313, %broadcast_in_dim3A_338], %div3A_332 : memref<64x129xf32, #tpu.memory_space<vmem>>[vector<16xi32>, vector<16xi32>], vector<16xf32>,
    %dma_wait3A_339 = arith.constant 0 : i32
    %dma_wait3A_340 = tpu.memref_slice %arg3[%add3A_208, %dma_wait3A_339] : memref<16384x129xf32, #tpu.memory_space<hbm>> -> memref<64x129xf32, #tpu.memory_space<hbm>>
    %dma_wait3A_341 = arith.constant 0 : i32
    %dma_wait3A_342 = tpu.memref_slice %arg3[%add3A_208, %dma_wait3A_341] : memref<16384x129xf32, #tpu.memory_space<hbm>> -> memref<64x129xf32, #tpu.memory_space<hbm>>
    tpu.wait_dma2 semaphore(%arg18 : memref<!tpu.dma_semaphore, #tpu.memory_space<semaphore_mem>>) src(%arg4 : memref<64x129xf32, #tpu.memory_space<vmem>>) dst(%dma_wait3A_342 : memref<64x129xf32, #tpu.memory_space<hbm>>)
    %add3A_343 = arith.constant 448 : i32
    %add3A_344 = arith.addi %mul3A_2, %add3A_343 : i32
    %dma_start3A_345 = arith.constant 0 : i32
    %dma_start3A_346 = arith.constant 0 : i32
    %dma_start3A_347 = tpu.memref_slice %arg4[%dma_start3A_345, %dma_start3A_346] : memref<64x129xf32, #tpu.memory_space<vmem>> -> memref<64x128xf32, #tpu.memory_space<vmem>>
    %dma_start3A_348 = arith.constant 0 : i32
    %dma_start3A_349 = tpu.memref_slice %arg2[%add3A_344, %dma_start3A_348] : memref<16384x128xf32, #tpu.memory_space<hbm>> -> memref<64x128xf32, #tpu.memory_space<hbm>>
    %dma_start3A_350 = arith.constant 0 : i32
    %dma_start3A_351 = arith.constant 0 : i32
    %dma_start3A_352 = tpu.memref_slice %arg4[%dma_start3A_350, %dma_start3A_351] : memref<64x129xf32, #tpu.memory_space<vmem>> -> memref<64x128xf32, #tpu.memory_space<vmem>>
    %dma_start3A_353 = arith.constant 0 : i32
    %dma_start3A_354 = tpu.memref_slice %arg2[%add3A_344, %dma_start3A_353] : memref<16384x128xf32, #tpu.memory_space<hbm>> -> memref<64x128xf32, #tpu.memory_space<hbm>>
    tpu.enqueue_dma source(%dma_start3A_354 : memref<64x128xf32, #tpu.memory_space<hbm>>) target(%dma_start3A_352 : memref<64x128xf32, #tpu.memory_space<vmem>>) target_semaphore(%arg11 : memref<!tpu.dma_semaphore, #tpu.memory_space<semaphore_mem>>)
    %barrier3A_355 = arith.constant 0 : index
    tpu.barrier barrier_id(%barrier3A_355)
    %add3A_356 = arith.constant 64 : i32
    %add3A_357 = arith.addi %mul3A_2, %add3A_356 : i32
    %dma_start3A_358 = arith.constant 0 : i32
    %dma_start3A_359 = tpu.memref_slice %arg3[%add3A_357, %dma_start3A_358] : memref<16384x129xf32, #tpu.memory_space<hbm>> -> memref<64x129xf32, #tpu.memory_space<hbm>>
    %dma_start3A_360 = arith.constant 0 : i32
    %dma_start3A_361 = tpu.memref_slice %arg3[%add3A_357, %dma_start3A_360] : memref<16384x129xf32, #tpu.memory_space<hbm>> -> memref<64x129xf32, #tpu.memory_space<hbm>>
    tpu.enqueue_dma source(%arg5 : memref<64x129xf32, #tpu.memory_space<vmem>>) target(%dma_start3A_361 : memref<64x129xf32, #tpu.memory_space<hbm>>) target_semaphore(%arg19 : memref<!tpu.dma_semaphore, #tpu.memory_space<semaphore_mem>>)
    %dma_wait3A_362 = arith.constant 0 : i32
    %dma_wait3A_363 = arith.constant 0 : i32
    %dma_wait3A_364 = tpu.memref_slice %arg6[%dma_wait3A_362, %dma_wait3A_363] : memref<64x129xf32, #tpu.memory_space<vmem>> -> memref<64x128xf32, #tpu.memory_space<vmem>>
    %dma_wait3A_365 = arith.constant 0 : i32
    %dma_wait3A_366 = tpu.memref_slice %arg2[%add3A_27, %dma_wait3A_365] : memref<16384x128xf32, #tpu.memory_space<hbm>> -> memref<64x128xf32, #tpu.memory_space<hbm>>
    %dma_wait3A_367 = arith.constant 0 : i32
    %dma_wait3A_368 = arith.constant 0 : i32
    %dma_wait3A_369 = tpu.memref_slice %arg6[%dma_wait3A_367, %dma_wait3A_368] : memref<64x129xf32, #tpu.memory_space<vmem>> -> memref<64x128xf32, #tpu.memory_space<vmem>>
    %dma_wait3A_370 = arith.constant 0 : i32
    %dma_wait3A_371 = tpu.memref_slice %arg2[%add3A_27, %dma_wait3A_370] : memref<16384x128xf32, #tpu.memory_space<hbm>> -> memref<64x128xf32, #tpu.memory_space<hbm>>
    tpu.wait_dma2 semaphore(%arg13 : memref<!tpu.dma_semaphore, #tpu.memory_space<semaphore_mem>>) src(%dma_wait3A_371 : memref<64x128xf32, #tpu.memory_space<hbm>>) dst(%dma_wait3A_369 : memref<64x128xf32, #tpu.memory_space<vmem>>)
    %iota3A_372 = tpu.iota {dimensions = array<i32: 0>} : vector<16xi32>
    %add3A_373 = arith.constant 0 : i32
    %add3A_374 = vector.broadcast %add3A_373 : i32 to vector<16xi32>
    %add3A_375 = arith.addi %iota3A_372, %add3A_374 : vector<16xi32>
    %broadcast_in_dim3A_376 = arith.constant 124 : i32
    %broadcast_in_dim3A_377 = vector.broadcast %broadcast_in_dim3A_376 : i32 to vector<16xi32>
    %gather3A_378 = tpu.vector_load_idx %arg6[%add3A_375, %broadcast_in_dim3A_377] : memref<64x129xf32, #tpu.memory_space<vmem>>[vector<16xi32>, vector<16xi32>], vector<16xf32>,
    %broadcast_in_dim3A_379 = arith.constant 125 : i32
    %broadcast_in_dim3A_380 = vector.broadcast %broadcast_in_dim3A_379 : i32 to vector<16xi32>
    %gather3A_381 = tpu.vector_load_idx %arg6[%add3A_375, %broadcast_in_dim3A_380] : memref<64x129xf32, #tpu.memory_space<vmem>>[vector<16xi32>, vector<16xi32>], vector<16xf32>,
    %broadcast_in_dim3A_382 = arith.constant 126 : i32
    %broadcast_in_dim3A_383 = vector.broadcast %broadcast_in_dim3A_382 : i32 to vector<16xi32>
    %gather3A_384 = tpu.vector_load_idx %arg6[%add3A_375, %broadcast_in_dim3A_383] : memref<64x129xf32, #tpu.memory_space<vmem>>[vector<16xi32>, vector<16xi32>], vector<16xf32>,
    %broadcast_in_dim3A_385 = arith.constant 127 : i32
    %broadcast_in_dim3A_386 = vector.broadcast %broadcast_in_dim3A_385 : i32 to vector<16xi32>
    %gather3A_387 = tpu.vector_load_idx %arg6[%add3A_375, %broadcast_in_dim3A_386] : memref<64x129xf32, #tpu.memory_space<vmem>>[vector<16xi32>, vector<16xi32>], vector<16xf32>,
    %add3A_388 = arith.addf %gather3A_381, %gather3A_378 : vector<16xf32>
    %div3A_389 = arith.divf %gather3A_381, %add3A_388 : vector<16xf32>
    %add3A_390 = arith.addf %gather3A_381, %gather3A_384 : vector<16xf32>
    %add3A_391 = arith.addf %add3A_390, %gather3A_387 : vector<16xf32>
    %div3A_392 = arith.divf %gather3A_381, %add3A_391 : vector<16xf32>
    %add3A_393 = arith.addf %gather3A_387, %gather3A_384 : vector<16xf32>
    %div3A_394 = arith.divf %gather3A_387, %add3A_393 : vector<16xf32>
    %broadcast_in_dim3A_395 = arith.constant 126 : i32
    %broadcast_in_dim3A_396 = vector.broadcast %broadcast_in_dim3A_395 : i32 to vector<16xi32>
    tpu.vector_store_idx %arg6[%add3A_375, %broadcast_in_dim3A_396], %div3A_389 : memref<64x129xf32, #tpu.memory_space<vmem>>[vector<16xi32>, vector<16xi32>], vector<16xf32>,
    %broadcast_in_dim3A_397 = arith.constant 127 : i32
    %broadcast_in_dim3A_398 = vector.broadcast %broadcast_in_dim3A_397 : i32 to vector<16xi32>
    tpu.vector_store_idx %arg6[%add3A_375, %broadcast_in_dim3A_398], %div3A_392 : memref<64x129xf32, #tpu.memory_space<vmem>>[vector<16xi32>, vector<16xi32>], vector<16xf32>,
    %broadcast_in_dim3A_399 = arith.constant 128 : i32
    %broadcast_in_dim3A_400 = vector.broadcast %broadcast_in_dim3A_399 : i32 to vector<16xi32>
    tpu.vector_store_idx %arg6[%add3A_375, %broadcast_in_dim3A_400], %div3A_394 : memref<64x129xf32, #tpu.memory_space<vmem>>[vector<16xi32>, vector<16xi32>], vector<16xf32>,
    %iota3A_401 = tpu.iota {dimensions = array<i32: 0>} : vector<16xi32>
    %add3A_402 = arith.constant 16 : i32
    %add3A_403 = vector.broadcast %add3A_402 : i32 to vector<16xi32>
    %add3A_404 = arith.addi %iota3A_401, %add3A_403 : vector<16xi32>
    %broadcast_in_dim3A_405 = arith.constant 124 : i32
    %broadcast_in_dim3A_406 = vector.broadcast %broadcast_in_dim3A_405 : i32 to vector<16xi32>
    %gather3A_407 = tpu.vector_load_idx %arg6[%add3A_404, %broadcast_in_dim3A_406] : memref<64x129xf32, #tpu.memory_space<vmem>>[vector<16xi32>, vector<16xi32>], vector<16xf32>,
    %broadcast_in_dim3A_408 = arith.constant 125 : i32
    %broadcast_in_dim3A_409 = vector.broadcast %broadcast_in_dim3A_408 : i32 to vector<16xi32>
    %gather3A_410 = tpu.vector_load_idx %arg6[%add3A_404, %broadcast_in_dim3A_409] : memref<64x129xf32, #tpu.memory_space<vmem>>[vector<16xi32>, vector<16xi32>], vector<16xf32>,
    %broadcast_in_dim3A_411 = arith.constant 126 : i32
    %broadcast_in_dim3A_412 = vector.broadcast %broadcast_in_dim3A_411 : i32 to vector<16xi32>
    %gather3A_413 = tpu.vector_load_idx %arg6[%add3A_404, %broadcast_in_dim3A_412] : memref<64x129xf32, #tpu.memory_space<vmem>>[vector<16xi32>, vector<16xi32>], vector<16xf32>,
    %broadcast_in_dim3A_414 = arith.constant 127 : i32
    %broadcast_in_dim3A_415 = vector.broadcast %broadcast_in_dim3A_414 : i32 to vector<16xi32>
    %gather3A_416 = tpu.vector_load_idx %arg6[%add3A_404, %broadcast_in_dim3A_415] : memref<64x129xf32, #tpu.memory_space<vmem>>[vector<16xi32>, vector<16xi32>], vector<16xf32>,
    %add3A_417 = arith.addf %gather3A_410, %gather3A_407 : vector<16xf32>
    %div3A_418 = arith.divf %gather3A_410, %add3A_417 : vector<16xf32>
    %add3A_419 = arith.addf %gather3A_410, %gather3A_413 : vector<16xf32>
    %add3A_420 = arith.addf %add3A_419, %gather3A_416 : vector<16xf32>
    %div3A_421 = arith.divf %gather3A_410, %add3A_420 : vector<16xf32>
    %add3A_422 = arith.addf %gather3A_416, %gather3A_413 : vector<16xf32>
    %div3A_423 = arith.divf %gather3A_416, %add3A_422 : vector<16xf32>
    %broadcast_in_dim3A_424 = arith.constant 126 : i32
    %broadcast_in_dim3A_425 = vector.broadcast %broadcast_in_dim3A_424 : i32 to vector<16xi32>
    tpu.vector_store_idx %arg6[%add3A_404, %broadcast_in_dim3A_425], %div3A_418 : memref<64x129xf32, #tpu.memory_space<vmem>>[vector<16xi32>, vector<16xi32>], vector<16xf32>,
    %broadcast_in_dim3A_426 = arith.constant 127 : i32
    %broadcast_in_dim3A_427 = vector.broadcast %broadcast_in_dim3A_426 : i32 to vector<16xi32>
    tpu.vector_store_idx %arg6[%add3A_404, %broadcast_in_dim3A_427], %div3A_421 : memref<64x129xf32, #tpu.memory_space<vmem>>[vector<16xi32>, vector<16xi32>], vector<16xf32>,
    %broadcast_in_dim3A_428 = arith.constant 128 : i32
    %broadcast_in_dim3A_429 = vector.broadcast %broadcast_in_dim3A_428 : i32 to vector<16xi32>
    tpu.vector_store_idx %arg6[%add3A_404, %broadcast_in_dim3A_429], %div3A_423 : memref<64x129xf32, #tpu.memory_space<vmem>>[vector<16xi32>, vector<16xi32>], vector<16xf32>,
    %iota3A_430 = tpu.iota {dimensions = array<i32: 0>} : vector<16xi32>
    %add3A_431 = arith.constant 32 : i32
    %add3A_432 = vector.broadcast %add3A_431 : i32 to vector<16xi32>
    %add3A_433 = arith.addi %iota3A_430, %add3A_432 : vector<16xi32>
    %broadcast_in_dim3A_434 = arith.constant 124 : i32
    %broadcast_in_dim3A_435 = vector.broadcast %broadcast_in_dim3A_434 : i32 to vector<16xi32>
    %gather3A_436 = tpu.vector_load_idx %arg6[%add3A_433, %broadcast_in_dim3A_435] : memref<64x129xf32, #tpu.memory_space<vmem>>[vector<16xi32>, vector<16xi32>], vector<16xf32>,
    %broadcast_in_dim3A_437 = arith.constant 125 : i32
    %broadcast_in_dim3A_438 = vector.broadcast %broadcast_in_dim3A_437 : i32 to vector<16xi32>
    %gather3A_439 = tpu.vector_load_idx %arg6[%add3A_433, %broadcast_in_dim3A_438] : memref<64x129xf32, #tpu.memory_space<vmem>>[vector<16xi32>, vector<16xi32>], vector<16xf32>,
    %broadcast_in_dim3A_440 = arith.constant 126 : i32
    %broadcast_in_dim3A_441 = vector.broadcast %broadcast_in_dim3A_440 : i32 to vector<16xi32>
    %gather3A_442 = tpu.vector_load_idx %arg6[%add3A_433, %broadcast_in_dim3A_441] : memref<64x129xf32, #tpu.memory_space<vmem>>[vector<16xi32>, vector<16xi32>], vector<16xf32>,
    %broadcast_in_dim3A_443 = arith.constant 127 : i32
    %broadcast_in_dim3A_444 = vector.broadcast %broadcast_in_dim3A_443 : i32 to vector<16xi32>
    %gather3A_445 = tpu.vector_load_idx %arg6[%add3A_433, %broadcast_in_dim3A_444] : memref<64x129xf32, #tpu.memory_space<vmem>>[vector<16xi32>, vector<16xi32>], vector<16xf32>,
    %add3A_446 = arith.addf %gather3A_439, %gather3A_436 : vector<16xf32>
    %div3A_447 = arith.divf %gather3A_439, %add3A_446 : vector<16xf32>
    %add3A_448 = arith.addf %gather3A_439, %gather3A_442 : vector<16xf32>
    %add3A_449 = arith.addf %add3A_448, %gather3A_445 : vector<16xf32>
    %div3A_450 = arith.divf %gather3A_439, %add3A_449 : vector<16xf32>
    %add3A_451 = arith.addf %gather3A_445, %gather3A_442 : vector<16xf32>
    %div3A_452 = arith.divf %gather3A_445, %add3A_451 : vector<16xf32>
    %broadcast_in_dim3A_453 = arith.constant 126 : i32
    %broadcast_in_dim3A_454 = vector.broadcast %broadcast_in_dim3A_453 : i32 to vector<16xi32>
    tpu.vector_store_idx %arg6[%add3A_433, %broadcast_in_dim3A_454], %div3A_447 : memref<64x129xf32, #tpu.memory_space<vmem>>[vector<16xi32>, vector<16xi32>], vector<16xf32>,
    %broadcast_in_dim3A_455 = arith.constant 127 : i32
    %broadcast_in_dim3A_456 = vector.broadcast %broadcast_in_dim3A_455 : i32 to vector<16xi32>
    tpu.vector_store_idx %arg6[%add3A_433, %broadcast_in_dim3A_456], %div3A_450 : memref<64x129xf32, #tpu.memory_space<vmem>>[vector<16xi32>, vector<16xi32>], vector<16xf32>,
    %broadcast_in_dim3A_457 = arith.constant 128 : i32
    %broadcast_in_dim3A_458 = vector.broadcast %broadcast_in_dim3A_457 : i32 to vector<16xi32>
    tpu.vector_store_idx %arg6[%add3A_433, %broadcast_in_dim3A_458], %div3A_452 : memref<64x129xf32, #tpu.memory_space<vmem>>[vector<16xi32>, vector<16xi32>], vector<16xf32>,
    %iota3A_459 = tpu.iota {dimensions = array<i32: 0>} : vector<16xi32>
    %add3A_460 = arith.constant 48 : i32
    %add3A_461 = vector.broadcast %add3A_460 : i32 to vector<16xi32>
    %add3A_462 = arith.addi %iota3A_459, %add3A_461 : vector<16xi32>
    %broadcast_in_dim3A_463 = arith.constant 124 : i32
    %broadcast_in_dim3A_464 = vector.broadcast %broadcast_in_dim3A_463 : i32 to vector<16xi32>
    %gather3A_465 = tpu.vector_load_idx %arg6[%add3A_462, %broadcast_in_dim3A_464] : memref<64x129xf32, #tpu.memory_space<vmem>>[vector<16xi32>, vector<16xi32>], vector<16xf32>,
    %broadcast_in_dim3A_466 = arith.constant 125 : i32
    %broadcast_in_dim3A_467 = vector.broadcast %broadcast_in_dim3A_466 : i32 to vector<16xi32>
    %gather3A_468 = tpu.vector_load_idx %arg6[%add3A_462, %broadcast_in_dim3A_467] : memref<64x129xf32, #tpu.memory_space<vmem>>[vector<16xi32>, vector<16xi32>], vector<16xf32>,
    %broadcast_in_dim3A_469 = arith.constant 126 : i32
    %broadcast_in_dim3A_470 = vector.broadcast %broadcast_in_dim3A_469 : i32 to vector<16xi32>
    %gather3A_471 = tpu.vector_load_idx %arg6[%add3A_462, %broadcast_in_dim3A_470] : memref<64x129xf32, #tpu.memory_space<vmem>>[vector<16xi32>, vector<16xi32>], vector<16xf32>,
    %broadcast_in_dim3A_472 = arith.constant 127 : i32
    %broadcast_in_dim3A_473 = vector.broadcast %broadcast_in_dim3A_472 : i32 to vector<16xi32>
    %gather3A_474 = tpu.vector_load_idx %arg6[%add3A_462, %broadcast_in_dim3A_473] : memref<64x129xf32, #tpu.memory_space<vmem>>[vector<16xi32>, vector<16xi32>], vector<16xf32>,
    %add3A_475 = arith.addf %gather3A_468, %gather3A_465 : vector<16xf32>
    %div3A_476 = arith.divf %gather3A_468, %add3A_475 : vector<16xf32>
    %add3A_477 = arith.addf %gather3A_468, %gather3A_471 : vector<16xf32>
    %add3A_478 = arith.addf %add3A_477, %gather3A_474 : vector<16xf32>
    %div3A_479 = arith.divf %gather3A_468, %add3A_478 : vector<16xf32>
    %add3A_480 = arith.addf %gather3A_474, %gather3A_471 : vector<16xf32>
    %div3A_481 = arith.divf %gather3A_474, %add3A_480 : vector<16xf32>
    %broadcast_in_dim3A_482 = arith.constant 126 : i32
    %broadcast_in_dim3A_483 = vector.broadcast %broadcast_in_dim3A_482 : i32 to vector<16xi32>
    tpu.vector_store_idx %arg6[%add3A_462, %broadcast_in_dim3A_483], %div3A_476 : memref<64x129xf32, #tpu.memory_space<vmem>>[vector<16xi32>, vector<16xi32>], vector<16xf32>,
    %broadcast_in_dim3A_484 = arith.constant 127 : i32
    %broadcast_in_dim3A_485 = vector.broadcast %broadcast_in_dim3A_484 : i32 to vector<16xi32>
    tpu.vector_store_idx %arg6[%add3A_462, %broadcast_in_dim3A_485], %div3A_479 : memref<64x129xf32, #tpu.memory_space<vmem>>[vector<16xi32>, vector<16xi32>], vector<16xf32>,
    %broadcast_in_dim3A_486 = arith.constant 128 : i32
    %broadcast_in_dim3A_487 = vector.broadcast %broadcast_in_dim3A_486 : i32 to vector<16xi32>
    tpu.vector_store_idx %arg6[%add3A_462, %broadcast_in_dim3A_487], %div3A_481 : memref<64x129xf32, #tpu.memory_space<vmem>>[vector<16xi32>, vector<16xi32>], vector<16xf32>,
    %barrier3A_488 = arith.constant 0 : index
    tpu.barrier barrier_id(%barrier3A_488)
    %add3A_489 = arith.constant 128 : i32
    %add3A_490 = arith.addi %mul3A_2, %add3A_489 : i32
    %dma_start3A_491 = arith.constant 0 : i32
    %dma_start3A_492 = tpu.memref_slice %arg3[%add3A_490, %dma_start3A_491] : memref<16384x129xf32, #tpu.memory_space<hbm>> -> memref<64x129xf32, #tpu.memory_space<hbm>>
    %dma_start3A_493 = arith.constant 0 : i32
    %dma_start3A_494 = tpu.memref_slice %arg3[%add3A_490, %dma_start3A_493] : memref<16384x129xf32, #tpu.memory_space<hbm>> -> memref<64x129xf32, #tpu.memory_space<hbm>>
    tpu.enqueue_dma source(%arg6 : memref<64x129xf32, #tpu.memory_space<vmem>>) target(%dma_start3A_494 : memref<64x129xf32, #tpu.memory_space<hbm>>) target_semaphore(%arg20 : memref<!tpu.dma_semaphore, #tpu.memory_space<semaphore_mem>>)
    %dma_wait3A_495 = arith.constant 0 : i32
    %dma_wait3A_496 = arith.constant 0 : i32
    %dma_wait3A_497 = tpu.memref_slice %arg7[%dma_wait3A_495, %dma_wait3A_496] : memref<64x129xf32, #tpu.memory_space<vmem>> -> memref<64x128xf32, #tpu.memory_space<vmem>>
    %dma_wait3A_498 = arith.constant 0 : i32
    %dma_wait3A_499 = tpu.memref_slice %arg2[%add3A_39, %dma_wait3A_498] : memref<16384x128xf32, #tpu.memory_space<hbm>> -> memref<64x128xf32, #tpu.memory_space<hbm>>
    %dma_wait3A_500 = arith.constant 0 : i32
    %dma_wait3A_501 = arith.constant 0 : i32
    %dma_wait3A_502 = tpu.memref_slice %arg7[%dma_wait3A_500, %dma_wait3A_501] : memref<64x129xf32, #tpu.memory_space<vmem>> -> memref<64x128xf32, #tpu.memory_space<vmem>>
    %dma_wait3A_503 = arith.constant 0 : i32
    %dma_wait3A_504 = tpu.memref_slice %arg2[%add3A_39, %dma_wait3A_503] : memref<16384x128xf32, #tpu.memory_space<hbm>> -> memref<64x128xf32, #tpu.memory_space<hbm>>
    tpu.wait_dma2 semaphore(%arg14 : memref<!tpu.dma_semaphore, #tpu.memory_space<semaphore_mem>>) src(%dma_wait3A_504 : memref<64x128xf32, #tpu.memory_space<hbm>>) dst(%dma_wait3A_502 : memref<64x128xf32, #tpu.memory_space<vmem>>)
    %iota3A_505 = tpu.iota {dimensions = array<i32: 0>} : vector<16xi32>
    %add3A_506 = arith.constant 0 : i32
    %add3A_507 = vector.broadcast %add3A_506 : i32 to vector<16xi32>
    %add3A_508 = arith.addi %iota3A_505, %add3A_507 : vector<16xi32>
    %broadcast_in_dim3A_509 = arith.constant 124 : i32
    %broadcast_in_dim3A_510 = vector.broadcast %broadcast_in_dim3A_509 : i32 to vector<16xi32>
    %gather3A_511 = tpu.vector_load_idx %arg7[%add3A_508, %broadcast_in_dim3A_510] : memref<64x129xf32, #tpu.memory_space<vmem>>[vector<16xi32>, vector<16xi32>], vector<16xf32>,
    %broadcast_in_dim3A_512 = arith.constant 125 : i32
    %broadcast_in_dim3A_513 = vector.broadcast %broadcast_in_dim3A_512 : i32 to vector<16xi32>
    %gather3A_514 = tpu.vector_load_idx %arg7[%add3A_508, %broadcast_in_dim3A_513] : memref<64x129xf32, #tpu.memory_space<vmem>>[vector<16xi32>, vector<16xi32>], vector<16xf32>,
    %broadcast_in_dim3A_515 = arith.constant 126 : i32
    %broadcast_in_dim3A_516 = vector.broadcast %broadcast_in_dim3A_515 : i32 to vector<16xi32>
    %gather3A_517 = tpu.vector_load_idx %arg7[%add3A_508, %broadcast_in_dim3A_516] : memref<64x129xf32, #tpu.memory_space<vmem>>[vector<16xi32>, vector<16xi32>], vector<16xf32>,
    %broadcast_in_dim3A_518 = arith.constant 127 : i32
    %broadcast_in_dim3A_519 = vector.broadcast %broadcast_in_dim3A_518 : i32 to vector<16xi32>
    %gather3A_520 = tpu.vector_load_idx %arg7[%add3A_508, %broadcast_in_dim3A_519] : memref<64x129xf32, #tpu.memory_space<vmem>>[vector<16xi32>, vector<16xi32>], vector<16xf32>,
    %add3A_521 = arith.addf %gather3A_514, %gather3A_511 : vector<16xf32>
    %div3A_522 = arith.divf %gather3A_514, %add3A_521 : vector<16xf32>
    %add3A_523 = arith.addf %gather3A_514, %gather3A_517 : vector<16xf32>
    %add3A_524 = arith.addf %add3A_523, %gather3A_520 : vector<16xf32>
    %div3A_525 = arith.divf %gather3A_514, %add3A_524 : vector<16xf32>
    %add3A_526 = arith.addf %gather3A_520, %gather3A_517 : vector<16xf32>
    %div3A_527 = arith.divf %gather3A_520, %add3A_526 : vector<16xf32>
    %broadcast_in_dim3A_528 = arith.constant 126 : i32
    %broadcast_in_dim3A_529 = vector.broadcast %broadcast_in_dim3A_528 : i32 to vector<16xi32>
    tpu.vector_store_idx %arg7[%add3A_508, %broadcast_in_dim3A_529], %div3A_522 : memref<64x129xf32, #tpu.memory_space<vmem>>[vector<16xi32>, vector<16xi32>], vector<16xf32>,
    %broadcast_in_dim3A_530 = arith.constant 127 : i32
    %broadcast_in_dim3A_531 = vector.broadcast %broadcast_in_dim3A_530 : i32 to vector<16xi32>
    tpu.vector_store_idx %arg7[%add3A_508, %broadcast_in_dim3A_531], %div3A_525 : memref<64x129xf32, #tpu.memory_space<vmem>>[vector<16xi32>, vector<16xi32>], vector<16xf32>,
    %broadcast_in_dim3A_532 = arith.constant 128 : i32
    %broadcast_in_dim3A_533 = vector.broadcast %broadcast_in_dim3A_532 : i32 to vector<16xi32>
    tpu.vector_store_idx %arg7[%add3A_508, %broadcast_in_dim3A_533], %div3A_527 : memref<64x129xf32, #tpu.memory_space<vmem>>[vector<16xi32>, vector<16xi32>], vector<16xf32>,
    %iota3A_534 = tpu.iota {dimensions = array<i32: 0>} : vector<16xi32>
    %add3A_535 = arith.constant 16 : i32
    %add3A_536 = vector.broadcast %add3A_535 : i32 to vector<16xi32>
    %add3A_537 = arith.addi %iota3A_534, %add3A_536 : vector<16xi32>
    %broadcast_in_dim3A_538 = arith.constant 124 : i32
    %broadcast_in_dim3A_539 = vector.broadcast %broadcast_in_dim3A_538 : i32 to vector<16xi32>
    %gather3A_540 = tpu.vector_load_idx %arg7[%add3A_537, %broadcast_in_dim3A_539] : memref<64x129xf32, #tpu.memory_space<vmem>>[vector<16xi32>, vector<16xi32>], vector<16xf32>,
    %broadcast_in_dim3A_541 = arith.constant 125 : i32
    %broadcast_in_dim3A_542 = vector.broadcast %broadcast_in_dim3A_541 : i32 to vector<16xi32>
    %gather3A_543 = tpu.vector_load_idx %arg7[%add3A_537, %broadcast_in_dim3A_542] : memref<64x129xf32, #tpu.memory_space<vmem>>[vector<16xi32>, vector<16xi32>], vector<16xf32>,
    %broadcast_in_dim3A_544 = arith.constant 126 : i32
    %broadcast_in_dim3A_545 = vector.broadcast %broadcast_in_dim3A_544 : i32 to vector<16xi32>
    %gather3A_546 = tpu.vector_load_idx %arg7[%add3A_537, %broadcast_in_dim3A_545] : memref<64x129xf32, #tpu.memory_space<vmem>>[vector<16xi32>, vector<16xi32>], vector<16xf32>,
    %broadcast_in_dim3A_547 = arith.constant 127 : i32
    %broadcast_in_dim3A_548 = vector.broadcast %broadcast_in_dim3A_547 : i32 to vector<16xi32>
    %gather3A_549 = tpu.vector_load_idx %arg7[%add3A_537, %broadcast_in_dim3A_548] : memref<64x129xf32, #tpu.memory_space<vmem>>[vector<16xi32>, vector<16xi32>], vector<16xf32>,
    %add3A_550 = arith.addf %gather3A_543, %gather3A_540 : vector<16xf32>
    %div3A_551 = arith.divf %gather3A_543, %add3A_550 : vector<16xf32>
    %add3A_552 = arith.addf %gather3A_543, %gather3A_546 : vector<16xf32>
    %add3A_553 = arith.addf %add3A_552, %gather3A_549 : vector<16xf32>
    %div3A_554 = arith.divf %gather3A_543, %add3A_553 : vector<16xf32>
    %add3A_555 = arith.addf %gather3A_549, %gather3A_546 : vector<16xf32>
    %div3A_556 = arith.divf %gather3A_549, %add3A_555 : vector<16xf32>
    %broadcast_in_dim3A_557 = arith.constant 126 : i32
    %broadcast_in_dim3A_558 = vector.broadcast %broadcast_in_dim3A_557 : i32 to vector<16xi32>
    tpu.vector_store_idx %arg7[%add3A_537, %broadcast_in_dim3A_558], %div3A_551 : memref<64x129xf32, #tpu.memory_space<vmem>>[vector<16xi32>, vector<16xi32>], vector<16xf32>,
    %broadcast_in_dim3A_559 = arith.constant 127 : i32
    %broadcast_in_dim3A_560 = vector.broadcast %broadcast_in_dim3A_559 : i32 to vector<16xi32>
    tpu.vector_store_idx %arg7[%add3A_537, %broadcast_in_dim3A_560], %div3A_554 : memref<64x129xf32, #tpu.memory_space<vmem>>[vector<16xi32>, vector<16xi32>], vector<16xf32>,
    %broadcast_in_dim3A_561 = arith.constant 128 : i32
    %broadcast_in_dim3A_562 = vector.broadcast %broadcast_in_dim3A_561 : i32 to vector<16xi32>
    tpu.vector_store_idx %arg7[%add3A_537, %broadcast_in_dim3A_562], %div3A_556 : memref<64x129xf32, #tpu.memory_space<vmem>>[vector<16xi32>, vector<16xi32>], vector<16xf32>,
    %iota3A_563 = tpu.iota {dimensions = array<i32: 0>} : vector<16xi32>
    %add3A_564 = arith.constant 32 : i32
    %add3A_565 = vector.broadcast %add3A_564 : i32 to vector<16xi32>
    %add3A_566 = arith.addi %iota3A_563, %add3A_565 : vector<16xi32>
    %broadcast_in_dim3A_567 = arith.constant 124 : i32
    %broadcast_in_dim3A_568 = vector.broadcast %broadcast_in_dim3A_567 : i32 to vector<16xi32>
    %gather3A_569 = tpu.vector_load_idx %arg7[%add3A_566, %broadcast_in_dim3A_568] : memref<64x129xf32, #tpu.memory_space<vmem>>[vector<16xi32>, vector<16xi32>], vector<16xf32>,
    %broadcast_in_dim3A_570 = arith.constant 125 : i32
    %broadcast_in_dim3A_571 = vector.broadcast %broadcast_in_dim3A_570 : i32 to vector<16xi32>
    %gather3A_572 = tpu.vector_load_idx %arg7[%add3A_566, %broadcast_in_dim3A_571] : memref<64x129xf32, #tpu.memory_space<vmem>>[vector<16xi32>, vector<16xi32>], vector<16xf32>,
    %broadcast_in_dim3A_573 = arith.constant 126 : i32
    %broadcast_in_dim3A_574 = vector.broadcast %broadcast_in_dim3A_573 : i32 to vector<16xi32>
    %gather3A_575 = tpu.vector_load_idx %arg7[%add3A_566, %broadcast_in_dim3A_574] : memref<64x129xf32, #tpu.memory_space<vmem>>[vector<16xi32>, vector<16xi32>], vector<16xf32>,
    %broadcast_in_dim3A_576 = arith.constant 127 : i32
    %broadcast_in_dim3A_577 = vector.broadcast %broadcast_in_dim3A_576 : i32 to vector<16xi32>
    %gather3A_578 = tpu.vector_load_idx %arg7[%add3A_566, %broadcast_in_dim3A_577] : memref<64x129xf32, #tpu.memory_space<vmem>>[vector<16xi32>, vector<16xi32>], vector<16xf32>,
    %add3A_579 = arith.addf %gather3A_572, %gather3A_569 : vector<16xf32>
    %div3A_580 = arith.divf %gather3A_572, %add3A_579 : vector<16xf32>
    %add3A_581 = arith.addf %gather3A_572, %gather3A_575 : vector<16xf32>
    %add3A_582 = arith.addf %add3A_581, %gather3A_578 : vector<16xf32>
    %div3A_583 = arith.divf %gather3A_572, %add3A_582 : vector<16xf32>
    %add3A_584 = arith.addf %gather3A_578, %gather3A_575 : vector<16xf32>
    %div3A_585 = arith.divf %gather3A_578, %add3A_584 : vector<16xf32>
    %broadcast_in_dim3A_586 = arith.constant 126 : i32
    %broadcast_in_dim3A_587 = vector.broadcast %broadcast_in_dim3A_586 : i32 to vector<16xi32>
    tpu.vector_store_idx %arg7[%add3A_566, %broadcast_in_dim3A_587], %div3A_580 : memref<64x129xf32, #tpu.memory_space<vmem>>[vector<16xi32>, vector<16xi32>], vector<16xf32>,
    %broadcast_in_dim3A_588 = arith.constant 127 : i32
    %broadcast_in_dim3A_589 = vector.broadcast %broadcast_in_dim3A_588 : i32 to vector<16xi32>
    tpu.vector_store_idx %arg7[%add3A_566, %broadcast_in_dim3A_589], %div3A_583 : memref<64x129xf32, #tpu.memory_space<vmem>>[vector<16xi32>, vector<16xi32>], vector<16xf32>,
    %broadcast_in_dim3A_590 = arith.constant 128 : i32
    %broadcast_in_dim3A_591 = vector.broadcast %broadcast_in_dim3A_590 : i32 to vector<16xi32>
    tpu.vector_store_idx %arg7[%add3A_566, %broadcast_in_dim3A_591], %div3A_585 : memref<64x129xf32, #tpu.memory_space<vmem>>[vector<16xi32>, vector<16xi32>], vector<16xf32>,
    %iota3A_592 = tpu.iota {dimensions = array<i32: 0>} : vector<16xi32>
    %add3A_593 = arith.constant 48 : i32
    %add3A_594 = vector.broadcast %add3A_593 : i32 to vector<16xi32>
    %add3A_595 = arith.addi %iota3A_592, %add3A_594 : vector<16xi32>
    %broadcast_in_dim3A_596 = arith.constant 124 : i32
    %broadcast_in_dim3A_597 = vector.broadcast %broadcast_in_dim3A_596 : i32 to vector<16xi32>
    %gather3A_598 = tpu.vector_load_idx %arg7[%add3A_595, %broadcast_in_dim3A_597] : memref<64x129xf32, #tpu.memory_space<vmem>>[vector<16xi32>, vector<16xi32>], vector<16xf32>,
    %broadcast_in_dim3A_599 = arith.constant 125 : i32
    %broadcast_in_dim3A_600 = vector.broadcast %broadcast_in_dim3A_599 : i32 to vector<16xi32>
    %gather3A_601 = tpu.vector_load_idx %arg7[%add3A_595, %broadcast_in_dim3A_600] : memref<64x129xf32, #tpu.memory_space<vmem>>[vector<16xi32>, vector<16xi32>], vector<16xf32>,
    %broadcast_in_dim3A_602 = arith.constant 126 : i32
    %broadcast_in_dim3A_603 = vector.broadcast %broadcast_in_dim3A_602 : i32 to vector<16xi32>
    %gather3A_604 = tpu.vector_load_idx %arg7[%add3A_595, %broadcast_in_dim3A_603] : memref<64x129xf32, #tpu.memory_space<vmem>>[vector<16xi32>, vector<16xi32>], vector<16xf32>,
    %broadcast_in_dim3A_605 = arith.constant 127 : i32
    %broadcast_in_dim3A_606 = vector.broadcast %broadcast_in_dim3A_605 : i32 to vector<16xi32>
    %gather3A_607 = tpu.vector_load_idx %arg7[%add3A_595, %broadcast_in_dim3A_606] : memref<64x129xf32, #tpu.memory_space<vmem>>[vector<16xi32>, vector<16xi32>], vector<16xf32>,
    %add3A_608 = arith.addf %gather3A_601, %gather3A_598 : vector<16xf32>
    %div3A_609 = arith.divf %gather3A_601, %add3A_608 : vector<16xf32>
    %add3A_610 = arith.addf %gather3A_601, %gather3A_604 : vector<16xf32>
    %add3A_611 = arith.addf %add3A_610, %gather3A_607 : vector<16xf32>
    %div3A_612 = arith.divf %gather3A_601, %add3A_611 : vector<16xf32>
    %add3A_613 = arith.addf %gather3A_607, %gather3A_604 : vector<16xf32>
    %div3A_614 = arith.divf %gather3A_607, %add3A_613 : vector<16xf32>
    %broadcast_in_dim3A_615 = arith.constant 126 : i32
    %broadcast_in_dim3A_616 = vector.broadcast %broadcast_in_dim3A_615 : i32 to vector<16xi32>
    tpu.vector_store_idx %arg7[%add3A_595, %broadcast_in_dim3A_616], %div3A_609 : memref<64x129xf32, #tpu.memory_space<vmem>>[vector<16xi32>, vector<16xi32>], vector<16xf32>,
    %broadcast_in_dim3A_617 = arith.constant 127 : i32
    %broadcast_in_dim3A_618 = vector.broadcast %broadcast_in_dim3A_617 : i32 to vector<16xi32>
    tpu.vector_store_idx %arg7[%add3A_595, %broadcast_in_dim3A_618], %div3A_612 : memref<64x129xf32, #tpu.memory_space<vmem>>[vector<16xi32>, vector<16xi32>], vector<16xf32>,
    %broadcast_in_dim3A_619 = arith.constant 128 : i32
    %broadcast_in_dim3A_620 = vector.broadcast %broadcast_in_dim3A_619 : i32 to vector<16xi32>
    tpu.vector_store_idx %arg7[%add3A_595, %broadcast_in_dim3A_620], %div3A_614 : memref<64x129xf32, #tpu.memory_space<vmem>>[vector<16xi32>, vector<16xi32>], vector<16xf32>,
    %barrier3A_621 = arith.constant 0 : index
    tpu.barrier barrier_id(%barrier3A_621)
    %add3A_622 = arith.constant 192 : i32
    %add3A_623 = arith.addi %mul3A_2, %add3A_622 : i32
    %dma_start3A_624 = arith.constant 0 : i32
    %dma_start3A_625 = tpu.memref_slice %arg3[%add3A_623, %dma_start3A_624] : memref<16384x129xf32, #tpu.memory_space<hbm>> -> memref<64x129xf32, #tpu.memory_space<hbm>>
    %dma_start3A_626 = arith.constant 0 : i32
    %dma_start3A_627 = tpu.memref_slice %arg3[%add3A_623, %dma_start3A_626] : memref<16384x129xf32, #tpu.memory_space<hbm>> -> memref<64x129xf32, #tpu.memory_space<hbm>>
    tpu.enqueue_dma source(%arg7 : memref<64x129xf32, #tpu.memory_space<vmem>>) target(%dma_start3A_627 : memref<64x129xf32, #tpu.memory_space<hbm>>) target_semaphore(%arg21 : memref<!tpu.dma_semaphore, #tpu.memory_space<semaphore_mem>>)
    %dma_wait3A_628 = arith.constant 0 : i32
    %dma_wait3A_629 = arith.constant 0 : i32
    %dma_wait3A_630 = tpu.memref_slice %arg8[%dma_wait3A_628, %dma_wait3A_629] : memref<64x129xf32, #tpu.memory_space<vmem>> -> memref<64x128xf32, #tpu.memory_space<vmem>>
    %dma_wait3A_631 = arith.constant 0 : i32
    %dma_wait3A_632 = tpu.memref_slice %arg2[%add3A_51, %dma_wait3A_631] : memref<16384x128xf32, #tpu.memory_space<hbm>> -> memref<64x128xf32, #tpu.memory_space<hbm>>
    %dma_wait3A_633 = arith.constant 0 : i32
    %dma_wait3A_634 = arith.constant 0 : i32
    %dma_wait3A_635 = tpu.memref_slice %arg8[%dma_wait3A_633, %dma_wait3A_634] : memref<64x129xf32, #tpu.memory_space<vmem>> -> memref<64x128xf32, #tpu.memory_space<vmem>>
    %dma_wait3A_636 = arith.constant 0 : i32
    %dma_wait3A_637 = tpu.memref_slice %arg2[%add3A_51, %dma_wait3A_636] : memref<16384x128xf32, #tpu.memory_space<hbm>> -> memref<64x128xf32, #tpu.memory_space<hbm>>
    tpu.wait_dma2 semaphore(%arg15 : memref<!tpu.dma_semaphore, #tpu.memory_space<semaphore_mem>>) src(%dma_wait3A_637 : memref<64x128xf32, #tpu.memory_space<hbm>>) dst(%dma_wait3A_635 : memref<64x128xf32, #tpu.memory_space<vmem>>)
    %iota3A_638 = tpu.iota {dimensions = array<i32: 0>} : vector<16xi32>
    %add3A_639 = arith.constant 0 : i32
    %add3A_640 = vector.broadcast %add3A_639 : i32 to vector<16xi32>
    %add3A_641 = arith.addi %iota3A_638, %add3A_640 : vector<16xi32>
    %broadcast_in_dim3A_642 = arith.constant 124 : i32
    %broadcast_in_dim3A_643 = vector.broadcast %broadcast_in_dim3A_642 : i32 to vector<16xi32>
    %gather3A_644 = tpu.vector_load_idx %arg8[%add3A_641, %broadcast_in_dim3A_643] : memref<64x129xf32, #tpu.memory_space<vmem>>[vector<16xi32>, vector<16xi32>], vector<16xf32>,
    %broadcast_in_dim3A_645 = arith.constant 125 : i32
    %broadcast_in_dim3A_646 = vector.broadcast %broadcast_in_dim3A_645 : i32 to vector<16xi32>
    %gather3A_647 = tpu.vector_load_idx %arg8[%add3A_641, %broadcast_in_dim3A_646] : memref<64x129xf32, #tpu.memory_space<vmem>>[vector<16xi32>, vector<16xi32>], vector<16xf32>,
    %broadcast_in_dim3A_648 = arith.constant 126 : i32
    %broadcast_in_dim3A_649 = vector.broadcast %broadcast_in_dim3A_648 : i32 to vector<16xi32>
    %gather3A_650 = tpu.vector_load_idx %arg8[%add3A_641, %broadcast_in_dim3A_649] : memref<64x129xf32, #tpu.memory_space<vmem>>[vector<16xi32>, vector<16xi32>], vector<16xf32>,
    %broadcast_in_dim3A_651 = arith.constant 127 : i32
    %broadcast_in_dim3A_652 = vector.broadcast %broadcast_in_dim3A_651 : i32 to vector<16xi32>
    %gather3A_653 = tpu.vector_load_idx %arg8[%add3A_641, %broadcast_in_dim3A_652] : memref<64x129xf32, #tpu.memory_space<vmem>>[vector<16xi32>, vector<16xi32>], vector<16xf32>,
    %add3A_654 = arith.addf %gather3A_647, %gather3A_644 : vector<16xf32>
    %div3A_655 = arith.divf %gather3A_647, %add3A_654 : vector<16xf32>
    %add3A_656 = arith.addf %gather3A_647, %gather3A_650 : vector<16xf32>
    %add3A_657 = arith.addf %add3A_656, %gather3A_653 : vector<16xf32>
    %div3A_658 = arith.divf %gather3A_647, %add3A_657 : vector<16xf32>
    %add3A_659 = arith.addf %gather3A_653, %gather3A_650 : vector<16xf32>
    %div3A_660 = arith.divf %gather3A_653, %add3A_659 : vector<16xf32>
    %broadcast_in_dim3A_661 = arith.constant 126 : i32
    %broadcast_in_dim3A_662 = vector.broadcast %broadcast_in_dim3A_661 : i32 to vector<16xi32>
    tpu.vector_store_idx %arg8[%add3A_641, %broadcast_in_dim3A_662], %div3A_655 : memref<64x129xf32, #tpu.memory_space<vmem>>[vector<16xi32>, vector<16xi32>], vector<16xf32>,
    %broadcast_in_dim3A_663 = arith.constant 127 : i32
    %broadcast_in_dim3A_664 = vector.broadcast %broadcast_in_dim3A_663 : i32 to vector<16xi32>
    tpu.vector_store_idx %arg8[%add3A_641, %broadcast_in_dim3A_664], %div3A_658 : memref<64x129xf32, #tpu.memory_space<vmem>>[vector<16xi32>, vector<16xi32>], vector<16xf32>,
    %broadcast_in_dim3A_665 = arith.constant 128 : i32
    %broadcast_in_dim3A_666 = vector.broadcast %broadcast_in_dim3A_665 : i32 to vector<16xi32>
    tpu.vector_store_idx %arg8[%add3A_641, %broadcast_in_dim3A_666], %div3A_660 : memref<64x129xf32, #tpu.memory_space<vmem>>[vector<16xi32>, vector<16xi32>], vector<16xf32>,
    %iota3A_667 = tpu.iota {dimensions = array<i32: 0>} : vector<16xi32>
    %add3A_668 = arith.constant 16 : i32
    %add3A_669 = vector.broadcast %add3A_668 : i32 to vector<16xi32>
    %add3A_670 = arith.addi %iota3A_667, %add3A_669 : vector<16xi32>
    %broadcast_in_dim3A_671 = arith.constant 124 : i32
    %broadcast_in_dim3A_672 = vector.broadcast %broadcast_in_dim3A_671 : i32 to vector<16xi32>
    %gather3A_673 = tpu.vector_load_idx %arg8[%add3A_670, %broadcast_in_dim3A_672] : memref<64x129xf32, #tpu.memory_space<vmem>>[vector<16xi32>, vector<16xi32>], vector<16xf32>,
    %broadcast_in_dim3A_674 = arith.constant 125 : i32
    %broadcast_in_dim3A_675 = vector.broadcast %broadcast_in_dim3A_674 : i32 to vector<16xi32>
    %gather3A_676 = tpu.vector_load_idx %arg8[%add3A_670, %broadcast_in_dim3A_675] : memref<64x129xf32, #tpu.memory_space<vmem>>[vector<16xi32>, vector<16xi32>], vector<16xf32>,
    %broadcast_in_dim3A_677 = arith.constant 126 : i32
    %broadcast_in_dim3A_678 = vector.broadcast %broadcast_in_dim3A_677 : i32 to vector<16xi32>
    %gather3A_679 = tpu.vector_load_idx %arg8[%add3A_670, %broadcast_in_dim3A_678] : memref<64x129xf32, #tpu.memory_space<vmem>>[vector<16xi32>, vector<16xi32>], vector<16xf32>,
    %broadcast_in_dim3A_680 = arith.constant 127 : i32
    %broadcast_in_dim3A_681 = vector.broadcast %broadcast_in_dim3A_680 : i32 to vector<16xi32>
    %gather3A_682 = tpu.vector_load_idx %arg8[%add3A_670, %broadcast_in_dim3A_681] : memref<64x129xf32, #tpu.memory_space<vmem>>[vector<16xi32>, vector<16xi32>], vector<16xf32>,
    %add3A_683 = arith.addf %gather3A_676, %gather3A_673 : vector<16xf32>
    %div3A_684 = arith.divf %gather3A_676, %add3A_683 : vector<16xf32>
    %add3A_685 = arith.addf %gather3A_676, %gather3A_679 : vector<16xf32>
    %add3A_686 = arith.addf %add3A_685, %gather3A_682 : vector<16xf32>
    %div3A_687 = arith.divf %gather3A_676, %add3A_686 : vector<16xf32>
    %add3A_688 = arith.addf %gather3A_682, %gather3A_679 : vector<16xf32>
    %div3A_689 = arith.divf %gather3A_682, %add3A_688 : vector<16xf32>
    %broadcast_in_dim3A_690 = arith.constant 126 : i32
    %broadcast_in_dim3A_691 = vector.broadcast %broadcast_in_dim3A_690 : i32 to vector<16xi32>
    tpu.vector_store_idx %arg8[%add3A_670, %broadcast_in_dim3A_691], %div3A_684 : memref<64x129xf32, #tpu.memory_space<vmem>>[vector<16xi32>, vector<16xi32>], vector<16xf32>,
    %broadcast_in_dim3A_692 = arith.constant 127 : i32
    %broadcast_in_dim3A_693 = vector.broadcast %broadcast_in_dim3A_692 : i32 to vector<16xi32>
    tpu.vector_store_idx %arg8[%add3A_670, %broadcast_in_dim3A_693], %div3A_687 : memref<64x129xf32, #tpu.memory_space<vmem>>[vector<16xi32>, vector<16xi32>], vector<16xf32>,
    %broadcast_in_dim3A_694 = arith.constant 128 : i32
    %broadcast_in_dim3A_695 = vector.broadcast %broadcast_in_dim3A_694 : i32 to vector<16xi32>
    tpu.vector_store_idx %arg8[%add3A_670, %broadcast_in_dim3A_695], %div3A_689 : memref<64x129xf32, #tpu.memory_space<vmem>>[vector<16xi32>, vector<16xi32>], vector<16xf32>,
    %iota3A_696 = tpu.iota {dimensions = array<i32: 0>} : vector<16xi32>
    %add3A_697 = arith.constant 32 : i32
    %add3A_698 = vector.broadcast %add3A_697 : i32 to vector<16xi32>
    %add3A_699 = arith.addi %iota3A_696, %add3A_698 : vector<16xi32>
    %broadcast_in_dim3A_700 = arith.constant 124 : i32
    %broadcast_in_dim3A_701 = vector.broadcast %broadcast_in_dim3A_700 : i32 to vector<16xi32>
    %gather3A_702 = tpu.vector_load_idx %arg8[%add3A_699, %broadcast_in_dim3A_701] : memref<64x129xf32, #tpu.memory_space<vmem>>[vector<16xi32>, vector<16xi32>], vector<16xf32>,
    %broadcast_in_dim3A_703 = arith.constant 125 : i32
    %broadcast_in_dim3A_704 = vector.broadcast %broadcast_in_dim3A_703 : i32 to vector<16xi32>
    %gather3A_705 = tpu.vector_load_idx %arg8[%add3A_699, %broadcast_in_dim3A_704] : memref<64x129xf32, #tpu.memory_space<vmem>>[vector<16xi32>, vector<16xi32>], vector<16xf32>,
    %broadcast_in_dim3A_706 = arith.constant 126 : i32
    %broadcast_in_dim3A_707 = vector.broadcast %broadcast_in_dim3A_706 : i32 to vector<16xi32>
    %gather3A_708 = tpu.vector_load_idx %arg8[%add3A_699, %broadcast_in_dim3A_707] : memref<64x129xf32, #tpu.memory_space<vmem>>[vector<16xi32>, vector<16xi32>], vector<16xf32>,
    %broadcast_in_dim3A_709 = arith.constant 127 : i32
    %broadcast_in_dim3A_710 = vector.broadcast %broadcast_in_dim3A_709 : i32 to vector<16xi32>
    %gather3A_711 = tpu.vector_load_idx %arg8[%add3A_699, %broadcast_in_dim3A_710] : memref<64x129xf32, #tpu.memory_space<vmem>>[vector<16xi32>, vector<16xi32>], vector<16xf32>,
    %add3A_712 = arith.addf %gather3A_705, %gather3A_702 : vector<16xf32>
    %div3A_713 = arith.divf %gather3A_705, %add3A_712 : vector<16xf32>
    %add3A_714 = arith.addf %gather3A_705, %gather3A_708 : vector<16xf32>
    %add3A_715 = arith.addf %add3A_714, %gather3A_711 : vector<16xf32>
    %div3A_716 = arith.divf %gather3A_705, %add3A_715 : vector<16xf32>
    %add3A_717 = arith.addf %gather3A_711, %gather3A_708 : vector<16xf32>
    %div3A_718 = arith.divf %gather3A_711, %add3A_717 : vector<16xf32>
    %broadcast_in_dim3A_719 = arith.constant 126 : i32
    %broadcast_in_dim3A_720 = vector.broadcast %broadcast_in_dim3A_719 : i32 to vector<16xi32>
    tpu.vector_store_idx %arg8[%add3A_699, %broadcast_in_dim3A_720], %div3A_713 : memref<64x129xf32, #tpu.memory_space<vmem>>[vector<16xi32>, vector<16xi32>], vector<16xf32>,
    %broadcast_in_dim3A_721 = arith.constant 127 : i32
    %broadcast_in_dim3A_722 = vector.broadcast %broadcast_in_dim3A_721 : i32 to vector<16xi32>
    tpu.vector_store_idx %arg8[%add3A_699, %broadcast_in_dim3A_722], %div3A_716 : memref<64x129xf32, #tpu.memory_space<vmem>>[vector<16xi32>, vector<16xi32>], vector<16xf32>,
    %broadcast_in_dim3A_723 = arith.constant 128 : i32
    %broadcast_in_dim3A_724 = vector.broadcast %broadcast_in_dim3A_723 : i32 to vector<16xi32>
    tpu.vector_store_idx %arg8[%add3A_699, %broadcast_in_dim3A_724], %div3A_718 : memref<64x129xf32, #tpu.memory_space<vmem>>[vector<16xi32>, vector<16xi32>], vector<16xf32>,
    %iota3A_725 = tpu.iota {dimensions = array<i32: 0>} : vector<16xi32>
    %add3A_726 = arith.constant 48 : i32
    %add3A_727 = vector.broadcast %add3A_726 : i32 to vector<16xi32>
    %add3A_728 = arith.addi %iota3A_725, %add3A_727 : vector<16xi32>
    %broadcast_in_dim3A_729 = arith.constant 124 : i32
    %broadcast_in_dim3A_730 = vector.broadcast %broadcast_in_dim3A_729 : i32 to vector<16xi32>
    %gather3A_731 = tpu.vector_load_idx %arg8[%add3A_728, %broadcast_in_dim3A_730] : memref<64x129xf32, #tpu.memory_space<vmem>>[vector<16xi32>, vector<16xi32>], vector<16xf32>,
    %broadcast_in_dim3A_732 = arith.constant 125 : i32
    %broadcast_in_dim3A_733 = vector.broadcast %broadcast_in_dim3A_732 : i32 to vector<16xi32>
    %gather3A_734 = tpu.vector_load_idx %arg8[%add3A_728, %broadcast_in_dim3A_733] : memref<64x129xf32, #tpu.memory_space<vmem>>[vector<16xi32>, vector<16xi32>], vector<16xf32>,
    %broadcast_in_dim3A_735 = arith.constant 126 : i32
    %broadcast_in_dim3A_736 = vector.broadcast %broadcast_in_dim3A_735 : i32 to vector<16xi32>
    %gather3A_737 = tpu.vector_load_idx %arg8[%add3A_728, %broadcast_in_dim3A_736] : memref<64x129xf32, #tpu.memory_space<vmem>>[vector<16xi32>, vector<16xi32>], vector<16xf32>,
    %broadcast_in_dim3A_738 = arith.constant 127 : i32
    %broadcast_in_dim3A_739 = vector.broadcast %broadcast_in_dim3A_738 : i32 to vector<16xi32>
    %gather3A_740 = tpu.vector_load_idx %arg8[%add3A_728, %broadcast_in_dim3A_739] : memref<64x129xf32, #tpu.memory_space<vmem>>[vector<16xi32>, vector<16xi32>], vector<16xf32>,
    %add3A_741 = arith.addf %gather3A_734, %gather3A_731 : vector<16xf32>
    %div3A_742 = arith.divf %gather3A_734, %add3A_741 : vector<16xf32>
    %add3A_743 = arith.addf %gather3A_734, %gather3A_737 : vector<16xf32>
    %add3A_744 = arith.addf %add3A_743, %gather3A_740 : vector<16xf32>
    %div3A_745 = arith.divf %gather3A_734, %add3A_744 : vector<16xf32>
    %add3A_746 = arith.addf %gather3A_740, %gather3A_737 : vector<16xf32>
    %div3A_747 = arith.divf %gather3A_740, %add3A_746 : vector<16xf32>
    %broadcast_in_dim3A_748 = arith.constant 126 : i32
    %broadcast_in_dim3A_749 = vector.broadcast %broadcast_in_dim3A_748 : i32 to vector<16xi32>
    tpu.vector_store_idx %arg8[%add3A_728, %broadcast_in_dim3A_749], %div3A_742 : memref<64x129xf32, #tpu.memory_space<vmem>>[vector<16xi32>, vector<16xi32>], vector<16xf32>,
    %broadcast_in_dim3A_750 = arith.constant 127 : i32
    %broadcast_in_dim3A_751 = vector.broadcast %broadcast_in_dim3A_750 : i32 to vector<16xi32>
    tpu.vector_store_idx %arg8[%add3A_728, %broadcast_in_dim3A_751], %div3A_745 : memref<64x129xf32, #tpu.memory_space<vmem>>[vector<16xi32>, vector<16xi32>], vector<16xf32>,
    %broadcast_in_dim3A_752 = arith.constant 128 : i32
    %broadcast_in_dim3A_753 = vector.broadcast %broadcast_in_dim3A_752 : i32 to vector<16xi32>
    tpu.vector_store_idx %arg8[%add3A_728, %broadcast_in_dim3A_753], %div3A_747 : memref<64x129xf32, #tpu.memory_space<vmem>>[vector<16xi32>, vector<16xi32>], vector<16xf32>,
    %barrier3A_754 = arith.constant 0 : index
    tpu.barrier barrier_id(%barrier3A_754)
    %add3A_755 = arith.constant 256 : i32
    %add3A_756 = arith.addi %mul3A_2, %add3A_755 : i32
    %dma_start3A_757 = arith.constant 0 : i32
    %dma_start3A_758 = tpu.memref_slice %arg3[%add3A_756, %dma_start3A_757] : memref<16384x129xf32, #tpu.memory_space<hbm>> -> memref<64x129xf32, #tpu.memory_space<hbm>>
    %dma_start3A_759 = arith.constant 0 : i32
    %dma_start3A_760 = tpu.memref_slice %arg3[%add3A_756, %dma_start3A_759] : memref<16384x129xf32, #tpu.memory_space<hbm>> -> memref<64x129xf32, #tpu.memory_space<hbm>>
    tpu.enqueue_dma source(%arg8 : memref<64x129xf32, #tpu.memory_space<vmem>>) target(%dma_start3A_760 : memref<64x129xf32, #tpu.memory_space<hbm>>) target_semaphore(%arg22 : memref<!tpu.dma_semaphore, #tpu.memory_space<semaphore_mem>>)
    %dma_wait3A_761 = arith.constant 0 : i32
    %dma_wait3A_762 = arith.constant 0 : i32
    %dma_wait3A_763 = tpu.memref_slice %arg9[%dma_wait3A_761, %dma_wait3A_762] : memref<64x129xf32, #tpu.memory_space<vmem>> -> memref<64x128xf32, #tpu.memory_space<vmem>>
    %dma_wait3A_764 = arith.constant 0 : i32
    %dma_wait3A_765 = tpu.memref_slice %arg2[%add3A_63, %dma_wait3A_764] : memref<16384x128xf32, #tpu.memory_space<hbm>> -> memref<64x128xf32, #tpu.memory_space<hbm>>
    %dma_wait3A_766 = arith.constant 0 : i32
    %dma_wait3A_767 = arith.constant 0 : i32
    %dma_wait3A_768 = tpu.memref_slice %arg9[%dma_wait3A_766, %dma_wait3A_767] : memref<64x129xf32, #tpu.memory_space<vmem>> -> memref<64x128xf32, #tpu.memory_space<vmem>>
    %dma_wait3A_769 = arith.constant 0 : i32
    %dma_wait3A_770 = tpu.memref_slice %arg2[%add3A_63, %dma_wait3A_769] : memref<16384x128xf32, #tpu.memory_space<hbm>> -> memref<64x128xf32, #tpu.memory_space<hbm>>
    tpu.wait_dma2 semaphore(%arg16 : memref<!tpu.dma_semaphore, #tpu.memory_space<semaphore_mem>>) src(%dma_wait3A_770 : memref<64x128xf32, #tpu.memory_space<hbm>>) dst(%dma_wait3A_768 : memref<64x128xf32, #tpu.memory_space<vmem>>)
    %iota3A_771 = tpu.iota {dimensions = array<i32: 0>} : vector<16xi32>
    %add3A_772 = arith.constant 0 : i32
    %add3A_773 = vector.broadcast %add3A_772 : i32 to vector<16xi32>
    %add3A_774 = arith.addi %iota3A_771, %add3A_773 : vector<16xi32>
    %broadcast_in_dim3A_775 = arith.constant 124 : i32
    %broadcast_in_dim3A_776 = vector.broadcast %broadcast_in_dim3A_775 : i32 to vector<16xi32>
    %gather3A_777 = tpu.vector_load_idx %arg9[%add3A_774, %broadcast_in_dim3A_776] : memref<64x129xf32, #tpu.memory_space<vmem>>[vector<16xi32>, vector<16xi32>], vector<16xf32>,
    %broadcast_in_dim3A_778 = arith.constant 125 : i32
    %broadcast_in_dim3A_779 = vector.broadcast %broadcast_in_dim3A_778 : i32 to vector<16xi32>
    %gather3A_780 = tpu.vector_load_idx %arg9[%add3A_774, %broadcast_in_dim3A_779] : memref<64x129xf32, #tpu.memory_space<vmem>>[vector<16xi32>, vector<16xi32>], vector<16xf32>,
    %broadcast_in_dim3A_781 = arith.constant 126 : i32
    %broadcast_in_dim3A_782 = vector.broadcast %broadcast_in_dim3A_781 : i32 to vector<16xi32>
    %gather3A_783 = tpu.vector_load_idx %arg9[%add3A_774, %broadcast_in_dim3A_782] : memref<64x129xf32, #tpu.memory_space<vmem>>[vector<16xi32>, vector<16xi32>], vector<16xf32>,
    %broadcast_in_dim3A_784 = arith.constant 127 : i32
    %broadcast_in_dim3A_785 = vector.broadcast %broadcast_in_dim3A_784 : i32 to vector<16xi32>
    %gather3A_786 = tpu.vector_load_idx %arg9[%add3A_774, %broadcast_in_dim3A_785] : memref<64x129xf32, #tpu.memory_space<vmem>>[vector<16xi32>, vector<16xi32>], vector<16xf32>,
    %add3A_787 = arith.addf %gather3A_780, %gather3A_777 : vector<16xf32>
    %div3A_788 = arith.divf %gather3A_780, %add3A_787 : vector<16xf32>
    %add3A_789 = arith.addf %gather3A_780, %gather3A_783 : vector<16xf32>
    %add3A_790 = arith.addf %add3A_789, %gather3A_786 : vector<16xf32>
    %div3A_791 = arith.divf %gather3A_780, %add3A_790 : vector<16xf32>
    %add3A_792 = arith.addf %gather3A_786, %gather3A_783 : vector<16xf32>
    %div3A_793 = arith.divf %gather3A_786, %add3A_792 : vector<16xf32>
    %broadcast_in_dim3A_794 = arith.constant 126 : i32
    %broadcast_in_dim3A_795 = vector.broadcast %broadcast_in_dim3A_794 : i32 to vector<16xi32>
    tpu.vector_store_idx %arg9[%add3A_774, %broadcast_in_dim3A_795], %div3A_788 : memref<64x129xf32, #tpu.memory_space<vmem>>[vector<16xi32>, vector<16xi32>], vector<16xf32>,
    %broadcast_in_dim3A_796 = arith.constant 127 : i32
    %broadcast_in_dim3A_797 = vector.broadcast %broadcast_in_dim3A_796 : i32 to vector<16xi32>
    tpu.vector_store_idx %arg9[%add3A_774, %broadcast_in_dim3A_797], %div3A_791 : memref<64x129xf32, #tpu.memory_space<vmem>>[vector<16xi32>, vector<16xi32>], vector<16xf32>,
    %broadcast_in_dim3A_798 = arith.constant 128 : i32
    %broadcast_in_dim3A_799 = vector.broadcast %broadcast_in_dim3A_798 : i32 to vector<16xi32>
    tpu.vector_store_idx %arg9[%add3A_774, %broadcast_in_dim3A_799], %div3A_793 : memref<64x129xf32, #tpu.memory_space<vmem>>[vector<16xi32>, vector<16xi32>], vector<16xf32>,
    %iota3A_800 = tpu.iota {dimensions = array<i32: 0>} : vector<16xi32>
    %add3A_801 = arith.constant 16 : i32
    %add3A_802 = vector.broadcast %add3A_801 : i32 to vector<16xi32>
    %add3A_803 = arith.addi %iota3A_800, %add3A_802 : vector<16xi32>
    %broadcast_in_dim3A_804 = arith.constant 124 : i32
    %broadcast_in_dim3A_805 = vector.broadcast %broadcast_in_dim3A_804 : i32 to vector<16xi32>
    %gather3A_806 = tpu.vector_load_idx %arg9[%add3A_803, %broadcast_in_dim3A_805] : memref<64x129xf32, #tpu.memory_space<vmem>>[vector<16xi32>, vector<16xi32>], vector<16xf32>,
    %broadcast_in_dim3A_807 = arith.constant 125 : i32
    %broadcast_in_dim3A_808 = vector.broadcast %broadcast_in_dim3A_807 : i32 to vector<16xi32>
    %gather3A_809 = tpu.vector_load_idx %arg9[%add3A_803, %broadcast_in_dim3A_808] : memref<64x129xf32, #tpu.memory_space<vmem>>[vector<16xi32>, vector<16xi32>], vector<16xf32>,
    %broadcast_in_dim3A_810 = arith.constant 126 : i32
    %broadcast_in_dim3A_811 = vector.broadcast %broadcast_in_dim3A_810 : i32 to vector<16xi32>
    %gather3A_812 = tpu.vector_load_idx %arg9[%add3A_803, %broadcast_in_dim3A_811] : memref<64x129xf32, #tpu.memory_space<vmem>>[vector<16xi32>, vector<16xi32>], vector<16xf32>,
    %broadcast_in_dim3A_813 = arith.constant 127 : i32
    %broadcast_in_dim3A_814 = vector.broadcast %broadcast_in_dim3A_813 : i32 to vector<16xi32>
    %gather3A_815 = tpu.vector_load_idx %arg9[%add3A_803, %broadcast_in_dim3A_814] : memref<64x129xf32, #tpu.memory_space<vmem>>[vector<16xi32>, vector<16xi32>], vector<16xf32>,
    %add3A_816 = arith.addf %gather3A_809, %gather3A_806 : vector<16xf32>
    %div3A_817 = arith.divf %gather3A_809, %add3A_816 : vector<16xf32>
    %add3A_818 = arith.addf %gather3A_809, %gather3A_812 : vector<16xf32>
    %add3A_819 = arith.addf %add3A_818, %gather3A_815 : vector<16xf32>
    %div3A_820 = arith.divf %gather3A_809, %add3A_819 : vector<16xf32>
    %add3A_821 = arith.addf %gather3A_815, %gather3A_812 : vector<16xf32>
    %div3A_822 = arith.divf %gather3A_815, %add3A_821 : vector<16xf32>
    %broadcast_in_dim3A_823 = arith.constant 126 : i32
    %broadcast_in_dim3A_824 = vector.broadcast %broadcast_in_dim3A_823 : i32 to vector<16xi32>
    tpu.vector_store_idx %arg9[%add3A_803, %broadcast_in_dim3A_824], %div3A_817 : memref<64x129xf32, #tpu.memory_space<vmem>>[vector<16xi32>, vector<16xi32>], vector<16xf32>,
    %broadcast_in_dim3A_825 = arith.constant 127 : i32
    %broadcast_in_dim3A_826 = vector.broadcast %broadcast_in_dim3A_825 : i32 to vector<16xi32>
    tpu.vector_store_idx %arg9[%add3A_803, %broadcast_in_dim3A_826], %div3A_820 : memref<64x129xf32, #tpu.memory_space<vmem>>[vector<16xi32>, vector<16xi32>], vector<16xf32>,
    %broadcast_in_dim3A_827 = arith.constant 128 : i32
    %broadcast_in_dim3A_828 = vector.broadcast %broadcast_in_dim3A_827 : i32 to vector<16xi32>
    tpu.vector_store_idx %arg9[%add3A_803, %broadcast_in_dim3A_828], %div3A_822 : memref<64x129xf32, #tpu.memory_space<vmem>>[vector<16xi32>, vector<16xi32>], vector<16xf32>,
    %iota3A_829 = tpu.iota {dimensions = array<i32: 0>} : vector<16xi32>
    %add3A_830 = arith.constant 32 : i32
    %add3A_831 = vector.broadcast %add3A_830 : i32 to vector<16xi32>
    %add3A_832 = arith.addi %iota3A_829, %add3A_831 : vector<16xi32>
    %broadcast_in_dim3A_833 = arith.constant 124 : i32
    %broadcast_in_dim3A_834 = vector.broadcast %broadcast_in_dim3A_833 : i32 to vector<16xi32>
    %gather3A_835 = tpu.vector_load_idx %arg9[%add3A_832, %broadcast_in_dim3A_834] : memref<64x129xf32, #tpu.memory_space<vmem>>[vector<16xi32>, vector<16xi32>], vector<16xf32>,
    %broadcast_in_dim3A_836 = arith.constant 125 : i32
    %broadcast_in_dim3A_837 = vector.broadcast %broadcast_in_dim3A_836 : i32 to vector<16xi32>
    %gather3A_838 = tpu.vector_load_idx %arg9[%add3A_832, %broadcast_in_dim3A_837] : memref<64x129xf32, #tpu.memory_space<vmem>>[vector<16xi32>, vector<16xi32>], vector<16xf32>,
    %broadcast_in_dim3A_839 = arith.constant 126 : i32
    %broadcast_in_dim3A_840 = vector.broadcast %broadcast_in_dim3A_839 : i32 to vector<16xi32>
    %gather3A_841 = tpu.vector_load_idx %arg9[%add3A_832, %broadcast_in_dim3A_840] : memref<64x129xf32, #tpu.memory_space<vmem>>[vector<16xi32>, vector<16xi32>], vector<16xf32>,
    %broadcast_in_dim3A_842 = arith.constant 127 : i32
    %broadcast_in_dim3A_843 = vector.broadcast %broadcast_in_dim3A_842 : i32 to vector<16xi32>
    %gather3A_844 = tpu.vector_load_idx %arg9[%add3A_832, %broadcast_in_dim3A_843] : memref<64x129xf32, #tpu.memory_space<vmem>>[vector<16xi32>, vector<16xi32>], vector<16xf32>,
    %add3A_845 = arith.addf %gather3A_838, %gather3A_835 : vector<16xf32>
    %div3A_846 = arith.divf %gather3A_838, %add3A_845 : vector<16xf32>
    %add3A_847 = arith.addf %gather3A_838, %gather3A_841 : vector<16xf32>
    %add3A_848 = arith.addf %add3A_847, %gather3A_844 : vector<16xf32>
    %div3A_849 = arith.divf %gather3A_838, %add3A_848 : vector<16xf32>
    %add3A_850 = arith.addf %gather3A_844, %gather3A_841 : vector<16xf32>
    %div3A_851 = arith.divf %gather3A_844, %add3A_850 : vector<16xf32>
    %broadcast_in_dim3A_852 = arith.constant 126 : i32
    %broadcast_in_dim3A_853 = vector.broadcast %broadcast_in_dim3A_852 : i32 to vector<16xi32>
    tpu.vector_store_idx %arg9[%add3A_832, %broadcast_in_dim3A_853], %div3A_846 : memref<64x129xf32, #tpu.memory_space<vmem>>[vector<16xi32>, vector<16xi32>], vector<16xf32>,
    %broadcast_in_dim3A_854 = arith.constant 127 : i32
    %broadcast_in_dim3A_855 = vector.broadcast %broadcast_in_dim3A_854 : i32 to vector<16xi32>
    tpu.vector_store_idx %arg9[%add3A_832, %broadcast_in_dim3A_855], %div3A_849 : memref<64x129xf32, #tpu.memory_space<vmem>>[vector<16xi32>, vector<16xi32>], vector<16xf32>,
    %broadcast_in_dim3A_856 = arith.constant 128 : i32
    %broadcast_in_dim3A_857 = vector.broadcast %broadcast_in_dim3A_856 : i32 to vector<16xi32>
    tpu.vector_store_idx %arg9[%add3A_832, %broadcast_in_dim3A_857], %div3A_851 : memref<64x129xf32, #tpu.memory_space<vmem>>[vector<16xi32>, vector<16xi32>], vector<16xf32>,
    %iota3A_858 = tpu.iota {dimensions = array<i32: 0>} : vector<16xi32>
    %add3A_859 = arith.constant 48 : i32
    %add3A_860 = vector.broadcast %add3A_859 : i32 to vector<16xi32>
    %add3A_861 = arith.addi %iota3A_858, %add3A_860 : vector<16xi32>
    %broadcast_in_dim3A_862 = arith.constant 124 : i32
    %broadcast_in_dim3A_863 = vector.broadcast %broadcast_in_dim3A_862 : i32 to vector<16xi32>
    %gather3A_864 = tpu.vector_load_idx %arg9[%add3A_861, %broadcast_in_dim3A_863] : memref<64x129xf32, #tpu.memory_space<vmem>>[vector<16xi32>, vector<16xi32>], vector<16xf32>,
    %broadcast_in_dim3A_865 = arith.constant 125 : i32
    %broadcast_in_dim3A_866 = vector.broadcast %broadcast_in_dim3A_865 : i32 to vector<16xi32>
    %gather3A_867 = tpu.vector_load_idx %arg9[%add3A_861, %broadcast_in_dim3A_866] : memref<64x129xf32, #tpu.memory_space<vmem>>[vector<16xi32>, vector<16xi32>], vector<16xf32>,
    %broadcast_in_dim3A_868 = arith.constant 126 : i32
    %broadcast_in_dim3A_869 = vector.broadcast %broadcast_in_dim3A_868 : i32 to vector<16xi32>
    %gather3A_870 = tpu.vector_load_idx %arg9[%add3A_861, %broadcast_in_dim3A_869] : memref<64x129xf32, #tpu.memory_space<vmem>>[vector<16xi32>, vector<16xi32>], vector<16xf32>,
    %broadcast_in_dim3A_871 = arith.constant 127 : i32
    %broadcast_in_dim3A_872 = vector.broadcast %broadcast_in_dim3A_871 : i32 to vector<16xi32>
    %gather3A_873 = tpu.vector_load_idx %arg9[%add3A_861, %broadcast_in_dim3A_872] : memref<64x129xf32, #tpu.memory_space<vmem>>[vector<16xi32>, vector<16xi32>], vector<16xf32>,
    %add3A_874 = arith.addf %gather3A_867, %gather3A_864 : vector<16xf32>
    %div3A_875 = arith.divf %gather3A_867, %add3A_874 : vector<16xf32>
    %add3A_876 = arith.addf %gather3A_867, %gather3A_870 : vector<16xf32>
    %add3A_877 = arith.addf %add3A_876, %gather3A_873 : vector<16xf32>
    %div3A_878 = arith.divf %gather3A_867, %add3A_877 : vector<16xf32>
    %add3A_879 = arith.addf %gather3A_873, %gather3A_870 : vector<16xf32>
    %div3A_880 = arith.divf %gather3A_873, %add3A_879 : vector<16xf32>
    %broadcast_in_dim3A_881 = arith.constant 126 : i32
    %broadcast_in_dim3A_882 = vector.broadcast %broadcast_in_dim3A_881 : i32 to vector<16xi32>
    tpu.vector_store_idx %arg9[%add3A_861, %broadcast_in_dim3A_882], %div3A_875 : memref<64x129xf32, #tpu.memory_space<vmem>>[vector<16xi32>, vector<16xi32>], vector<16xf32>,
    %broadcast_in_dim3A_883 = arith.constant 127 : i32
    %broadcast_in_dim3A_884 = vector.broadcast %broadcast_in_dim3A_883 : i32 to vector<16xi32>
    tpu.vector_store_idx %arg9[%add3A_861, %broadcast_in_dim3A_884], %div3A_878 : memref<64x129xf32, #tpu.memory_space<vmem>>[vector<16xi32>, vector<16xi32>], vector<16xf32>,
    %broadcast_in_dim3A_885 = arith.constant 128 : i32
    %broadcast_in_dim3A_886 = vector.broadcast %broadcast_in_dim3A_885 : i32 to vector<16xi32>
    tpu.vector_store_idx %arg9[%add3A_861, %broadcast_in_dim3A_886], %div3A_880 : memref<64x129xf32, #tpu.memory_space<vmem>>[vector<16xi32>, vector<16xi32>], vector<16xf32>,
    %barrier3A_887 = arith.constant 0 : index
    tpu.barrier barrier_id(%barrier3A_887)
    %add3A_888 = arith.constant 320 : i32
    %add3A_889 = arith.addi %mul3A_2, %add3A_888 : i32
    %dma_start3A_890 = arith.constant 0 : i32
    %dma_start3A_891 = tpu.memref_slice %arg3[%add3A_889, %dma_start3A_890] : memref<16384x129xf32, #tpu.memory_space<hbm>> -> memref<64x129xf32, #tpu.memory_space<hbm>>
    %dma_start3A_892 = arith.constant 0 : i32
    %dma_start3A_893 = tpu.memref_slice %arg3[%add3A_889, %dma_start3A_892] : memref<16384x129xf32, #tpu.memory_space<hbm>> -> memref<64x129xf32, #tpu.memory_space<hbm>>
    tpu.enqueue_dma source(%arg9 : memref<64x129xf32, #tpu.memory_space<vmem>>) target(%dma_start3A_893 : memref<64x129xf32, #tpu.memory_space<hbm>>) target_semaphore(%arg23 : memref<!tpu.dma_semaphore, #tpu.memory_space<semaphore_mem>>)
    %dma_wait3A_894 = arith.constant 0 : i32
    %dma_wait3A_895 = arith.constant 0 : i32
    %dma_wait3A_896 = tpu.memref_slice %arg10[%dma_wait3A_894, %dma_wait3A_895] : memref<64x129xf32, #tpu.memory_space<vmem>> -> memref<64x128xf32, #tpu.memory_space<vmem>>
    %dma_wait3A_897 = arith.constant 0 : i32
    %dma_wait3A_898 = tpu.memref_slice %arg2[%add3A_75, %dma_wait3A_897] : memref<16384x128xf32, #tpu.memory_space<hbm>> -> memref<64x128xf32, #tpu.memory_space<hbm>>
    %dma_wait3A_899 = arith.constant 0 : i32
    %dma_wait3A_900 = arith.constant 0 : i32
    %dma_wait3A_901 = tpu.memref_slice %arg10[%dma_wait3A_899, %dma_wait3A_900] : memref<64x129xf32, #tpu.memory_space<vmem>> -> memref<64x128xf32, #tpu.memory_space<vmem>>
    %dma_wait3A_902 = arith.constant 0 : i32
    %dma_wait3A_903 = tpu.memref_slice %arg2[%add3A_75, %dma_wait3A_902] : memref<16384x128xf32, #tpu.memory_space<hbm>> -> memref<64x128xf32, #tpu.memory_space<hbm>>
    tpu.wait_dma2 semaphore(%arg17 : memref<!tpu.dma_semaphore, #tpu.memory_space<semaphore_mem>>) src(%dma_wait3A_903 : memref<64x128xf32, #tpu.memory_space<hbm>>) dst(%dma_wait3A_901 : memref<64x128xf32, #tpu.memory_space<vmem>>)
    %iota3A_904 = tpu.iota {dimensions = array<i32: 0>} : vector<16xi32>
    %add3A_905 = arith.constant 0 : i32
    %add3A_906 = vector.broadcast %add3A_905 : i32 to vector<16xi32>
    %add3A_907 = arith.addi %iota3A_904, %add3A_906 : vector<16xi32>
    %broadcast_in_dim3A_908 = arith.constant 124 : i32
    %broadcast_in_dim3A_909 = vector.broadcast %broadcast_in_dim3A_908 : i32 to vector<16xi32>
    %gather3A_910 = tpu.vector_load_idx %arg10[%add3A_907, %broadcast_in_dim3A_909] : memref<64x129xf32, #tpu.memory_space<vmem>>[vector<16xi32>, vector<16xi32>], vector<16xf32>,
    %broadcast_in_dim3A_911 = arith.constant 125 : i32
    %broadcast_in_dim3A_912 = vector.broadcast %broadcast_in_dim3A_911 : i32 to vector<16xi32>
    %gather3A_913 = tpu.vector_load_idx %arg10[%add3A_907, %broadcast_in_dim3A_912] : memref<64x129xf32, #tpu.memory_space<vmem>>[vector<16xi32>, vector<16xi32>], vector<16xf32>,
    %broadcast_in_dim3A_914 = arith.constant 126 : i32
    %broadcast_in_dim3A_915 = vector.broadcast %broadcast_in_dim3A_914 : i32 to vector<16xi32>
    %gather3A_916 = tpu.vector_load_idx %arg10[%add3A_907, %broadcast_in_dim3A_915] : memref<64x129xf32, #tpu.memory_space<vmem>>[vector<16xi32>, vector<16xi32>], vector<16xf32>,
    %broadcast_in_dim3A_917 = arith.constant 127 : i32
    %broadcast_in_dim3A_918 = vector.broadcast %broadcast_in_dim3A_917 : i32 to vector<16xi32>
    %gather3A_919 = tpu.vector_load_idx %arg10[%add3A_907, %broadcast_in_dim3A_918] : memref<64x129xf32, #tpu.memory_space<vmem>>[vector<16xi32>, vector<16xi32>], vector<16xf32>,
    %add3A_920 = arith.addf %gather3A_913, %gather3A_910 : vector<16xf32>
    %div3A_921 = arith.divf %gather3A_913, %add3A_920 : vector<16xf32>
    %add3A_922 = arith.addf %gather3A_913, %gather3A_916 : vector<16xf32>
    %add3A_923 = arith.addf %add3A_922, %gather3A_919 : vector<16xf32>
    %div3A_924 = arith.divf %gather3A_913, %add3A_923 : vector<16xf32>
    %add3A_925 = arith.addf %gather3A_919, %gather3A_916 : vector<16xf32>
    %div3A_926 = arith.divf %gather3A_919, %add3A_925 : vector<16xf32>
    %broadcast_in_dim3A_927 = arith.constant 126 : i32
    %broadcast_in_dim3A_928 = vector.broadcast %broadcast_in_dim3A_927 : i32 to vector<16xi32>
    tpu.vector_store_idx %arg10[%add3A_907, %broadcast_in_dim3A_928], %div3A_921 : memref<64x129xf32, #tpu.memory_space<vmem>>[vector<16xi32>, vector<16xi32>], vector<16xf32>,
    %broadcast_in_dim3A_929 = arith.constant 127 : i32
    %broadcast_in_dim3A_930 = vector.broadcast %broadcast_in_dim3A_929 : i32 to vector<16xi32>
    tpu.vector_store_idx %arg10[%add3A_907, %broadcast_in_dim3A_930], %div3A_924 : memref<64x129xf32, #tpu.memory_space<vmem>>[vector<16xi32>, vector<16xi32>], vector<16xf32>,
    %broadcast_in_dim3A_931 = arith.constant 128 : i32
    %broadcast_in_dim3A_932 = vector.broadcast %broadcast_in_dim3A_931 : i32 to vector<16xi32>
    tpu.vector_store_idx %arg10[%add3A_907, %broadcast_in_dim3A_932], %div3A_926 : memref<64x129xf32, #tpu.memory_space<vmem>>[vector<16xi32>, vector<16xi32>], vector<16xf32>,
    %iota3A_933 = tpu.iota {dimensions = array<i32: 0>} : vector<16xi32>
    %add3A_934 = arith.constant 16 : i32
    %add3A_935 = vector.broadcast %add3A_934 : i32 to vector<16xi32>
    %add3A_936 = arith.addi %iota3A_933, %add3A_935 : vector<16xi32>
    %broadcast_in_dim3A_937 = arith.constant 124 : i32
    %broadcast_in_dim3A_938 = vector.broadcast %broadcast_in_dim3A_937 : i32 to vector<16xi32>
    %gather3A_939 = tpu.vector_load_idx %arg10[%add3A_936, %broadcast_in_dim3A_938] : memref<64x129xf32, #tpu.memory_space<vmem>>[vector<16xi32>, vector<16xi32>], vector<16xf32>,
    %broadcast_in_dim3A_940 = arith.constant 125 : i32
    %broadcast_in_dim3A_941 = vector.broadcast %broadcast_in_dim3A_940 : i32 to vector<16xi32>
    %gather3A_942 = tpu.vector_load_idx %arg10[%add3A_936, %broadcast_in_dim3A_941] : memref<64x129xf32, #tpu.memory_space<vmem>>[vector<16xi32>, vector<16xi32>], vector<16xf32>,
    %broadcast_in_dim3A_943 = arith.constant 126 : i32
    %broadcast_in_dim3A_944 = vector.broadcast %broadcast_in_dim3A_943 : i32 to vector<16xi32>
    %gather3A_945 = tpu.vector_load_idx %arg10[%add3A_936, %broadcast_in_dim3A_944] : memref<64x129xf32, #tpu.memory_space<vmem>>[vector<16xi32>, vector<16xi32>], vector<16xf32>,
    %broadcast_in_dim3A_946 = arith.constant 127 : i32
    %broadcast_in_dim3A_947 = vector.broadcast %broadcast_in_dim3A_946 : i32 to vector<16xi32>
    %gather3A_948 = tpu.vector_load_idx %arg10[%add3A_936, %broadcast_in_dim3A_947] : memref<64x129xf32, #tpu.memory_space<vmem>>[vector<16xi32>, vector<16xi32>], vector<16xf32>,
    %add3A_949 = arith.addf %gather3A_942, %gather3A_939 : vector<16xf32>
    %div3A_950 = arith.divf %gather3A_942, %add3A_949 : vector<16xf32>
    %add3A_951 = arith.addf %gather3A_942, %gather3A_945 : vector<16xf32>
    %add3A_952 = arith.addf %add3A_951, %gather3A_948 : vector<16xf32>
    %div3A_953 = arith.divf %gather3A_942, %add3A_952 : vector<16xf32>
    %add3A_954 = arith.addf %gather3A_948, %gather3A_945 : vector<16xf32>
    %div3A_955 = arith.divf %gather3A_948, %add3A_954 : vector<16xf32>
    %broadcast_in_dim3A_956 = arith.constant 126 : i32
    %broadcast_in_dim3A_957 = vector.broadcast %broadcast_in_dim3A_956 : i32 to vector<16xi32>
    tpu.vector_store_idx %arg10[%add3A_936, %broadcast_in_dim3A_957], %div3A_950 : memref<64x129xf32, #tpu.memory_space<vmem>>[vector<16xi32>, vector<16xi32>], vector<16xf32>,
    %broadcast_in_dim3A_958 = arith.constant 127 : i32
    %broadcast_in_dim3A_959 = vector.broadcast %broadcast_in_dim3A_958 : i32 to vector<16xi32>
    tpu.vector_store_idx %arg10[%add3A_936, %broadcast_in_dim3A_959], %div3A_953 : memref<64x129xf32, #tpu.memory_space<vmem>>[vector<16xi32>, vector<16xi32>], vector<16xf32>,
    %broadcast_in_dim3A_960 = arith.constant 128 : i32
    %broadcast_in_dim3A_961 = vector.broadcast %broadcast_in_dim3A_960 : i32 to vector<16xi32>
    tpu.vector_store_idx %arg10[%add3A_936, %broadcast_in_dim3A_961], %div3A_955 : memref<64x129xf32, #tpu.memory_space<vmem>>[vector<16xi32>, vector<16xi32>], vector<16xf32>,
    %iota3A_962 = tpu.iota {dimensions = array<i32: 0>} : vector<16xi32>
    %add3A_963 = arith.constant 32 : i32
    %add3A_964 = vector.broadcast %add3A_963 : i32 to vector<16xi32>
    %add3A_965 = arith.addi %iota3A_962, %add3A_964 : vector<16xi32>
    %broadcast_in_dim3A_966 = arith.constant 124 : i32
    %broadcast_in_dim3A_967 = vector.broadcast %broadcast_in_dim3A_966 : i32 to vector<16xi32>
    %gather3A_968 = tpu.vector_load_idx %arg10[%add3A_965, %broadcast_in_dim3A_967] : memref<64x129xf32, #tpu.memory_space<vmem>>[vector<16xi32>, vector<16xi32>], vector<16xf32>,
    %broadcast_in_dim3A_969 = arith.constant 125 : i32
    %broadcast_in_dim3A_970 = vector.broadcast %broadcast_in_dim3A_969 : i32 to vector<16xi32>
    %gather3A_971 = tpu.vector_load_idx %arg10[%add3A_965, %broadcast_in_dim3A_970] : memref<64x129xf32, #tpu.memory_space<vmem>>[vector<16xi32>, vector<16xi32>], vector<16xf32>,
    %broadcast_in_dim3A_972 = arith.constant 126 : i32
    %broadcast_in_dim3A_973 = vector.broadcast %broadcast_in_dim3A_972 : i32 to vector<16xi32>
    %gather3A_974 = tpu.vector_load_idx %arg10[%add3A_965, %broadcast_in_dim3A_973] : memref<64x129xf32, #tpu.memory_space<vmem>>[vector<16xi32>, vector<16xi32>], vector<16xf32>,
    %broadcast_in_dim3A_975 = arith.constant 127 : i32
    %broadcast_in_dim3A_976 = vector.broadcast %broadcast_in_dim3A_975 : i32 to vector<16xi32>
    %gather3A_977 = tpu.vector_load_idx %arg10[%add3A_965, %broadcast_in_dim3A_976] : memref<64x129xf32, #tpu.memory_space<vmem>>[vector<16xi32>, vector<16xi32>], vector<16xf32>,
    %add3A_978 = arith.addf %gather3A_971, %gather3A_968 : vector<16xf32>
    %div3A_979 = arith.divf %gather3A_971, %add3A_978 : vector<16xf32>
    %add3A_980 = arith.addf %gather3A_971, %gather3A_974 : vector<16xf32>
    %add3A_981 = arith.addf %add3A_980, %gather3A_977 : vector<16xf32>
    %div3A_982 = arith.divf %gather3A_971, %add3A_981 : vector<16xf32>
    %add3A_983 = arith.addf %gather3A_977, %gather3A_974 : vector<16xf32>
    %div3A_984 = arith.divf %gather3A_977, %add3A_983 : vector<16xf32>
    %broadcast_in_dim3A_985 = arith.constant 126 : i32
    %broadcast_in_dim3A_986 = vector.broadcast %broadcast_in_dim3A_985 : i32 to vector<16xi32>
    tpu.vector_store_idx %arg10[%add3A_965, %broadcast_in_dim3A_986], %div3A_979 : memref<64x129xf32, #tpu.memory_space<vmem>>[vector<16xi32>, vector<16xi32>], vector<16xf32>,
    %broadcast_in_dim3A_987 = arith.constant 127 : i32
    %broadcast_in_dim3A_988 = vector.broadcast %broadcast_in_dim3A_987 : i32 to vector<16xi32>
    tpu.vector_store_idx %arg10[%add3A_965, %broadcast_in_dim3A_988], %div3A_982 : memref<64x129xf32, #tpu.memory_space<vmem>>[vector<16xi32>, vector<16xi32>], vector<16xf32>,
    %broadcast_in_dim3A_989 = arith.constant 128 : i32
    %broadcast_in_dim3A_990 = vector.broadcast %broadcast_in_dim3A_989 : i32 to vector<16xi32>
    tpu.vector_store_idx %arg10[%add3A_965, %broadcast_in_dim3A_990], %div3A_984 : memref<64x129xf32, #tpu.memory_space<vmem>>[vector<16xi32>, vector<16xi32>], vector<16xf32>,
    %iota3A_991 = tpu.iota {dimensions = array<i32: 0>} : vector<16xi32>
    %add3A_992 = arith.constant 48 : i32
    %add3A_993 = vector.broadcast %add3A_992 : i32 to vector<16xi32>
    %add3A_994 = arith.addi %iota3A_991, %add3A_993 : vector<16xi32>
    %broadcast_in_dim3A_995 = arith.constant 124 : i32
    %broadcast_in_dim3A_996 = vector.broadcast %broadcast_in_dim3A_995 : i32 to vector<16xi32>
    %gather3A_997 = tpu.vector_load_idx %arg10[%add3A_994, %broadcast_in_dim3A_996] : memref<64x129xf32, #tpu.memory_space<vmem>>[vector<16xi32>, vector<16xi32>], vector<16xf32>,
    %broadcast_in_dim3A_998 = arith.constant 125 : i32
    %broadcast_in_dim3A_999 = vector.broadcast %broadcast_in_dim3A_998 : i32 to vector<16xi32>
    %gather3A_1000 = tpu.vector_load_idx %arg10[%add3A_994, %broadcast_in_dim3A_999] : memref<64x129xf32, #tpu.memory_space<vmem>>[vector<16xi32>, vector<16xi32>], vector<16xf32>,
    %broadcast_in_dim3A_1001 = arith.constant 126 : i32
    %broadcast_in_dim3A_1002 = vector.broadcast %broadcast_in_dim3A_1001 : i32 to vector<16xi32>
    %gather3A_1003 = tpu.vector_load_idx %arg10[%add3A_994, %broadcast_in_dim3A_1002] : memref<64x129xf32, #tpu.memory_space<vmem>>[vector<16xi32>, vector<16xi32>], vector<16xf32>,
    %broadcast_in_dim3A_1004 = arith.constant 127 : i32
    %broadcast_in_dim3A_1005 = vector.broadcast %broadcast_in_dim3A_1004 : i32 to vector<16xi32>
    %gather3A_1006 = tpu.vector_load_idx %arg10[%add3A_994, %broadcast_in_dim3A_1005] : memref<64x129xf32, #tpu.memory_space<vmem>>[vector<16xi32>, vector<16xi32>], vector<16xf32>,
    %add3A_1007 = arith.addf %gather3A_1000, %gather3A_997 : vector<16xf32>
    %div3A_1008 = arith.divf %gather3A_1000, %add3A_1007 : vector<16xf32>
    %add3A_1009 = arith.addf %gather3A_1000, %gather3A_1003 : vector<16xf32>
    %add3A_1010 = arith.addf %add3A_1009, %gather3A_1006 : vector<16xf32>
    %div3A_1011 = arith.divf %gather3A_1000, %add3A_1010 : vector<16xf32>
    %add3A_1012 = arith.addf %gather3A_1006, %gather3A_1003 : vector<16xf32>
    %div3A_1013 = arith.divf %gather3A_1006, %add3A_1012 : vector<16xf32>
    %broadcast_in_dim3A_1014 = arith.constant 126 : i32
    %broadcast_in_dim3A_1015 = vector.broadcast %broadcast_in_dim3A_1014 : i32 to vector<16xi32>
    tpu.vector_store_idx %arg10[%add3A_994, %broadcast_in_dim3A_1015], %div3A_1008 : memref<64x129xf32, #tpu.memory_space<vmem>>[vector<16xi32>, vector<16xi32>], vector<16xf32>,
    %broadcast_in_dim3A_1016 = arith.constant 127 : i32
    %broadcast_in_dim3A_1017 = vector.broadcast %broadcast_in_dim3A_1016 : i32 to vector<16xi32>
    tpu.vector_store_idx %arg10[%add3A_994, %broadcast_in_dim3A_1017], %div3A_1011 : memref<64x129xf32, #tpu.memory_space<vmem>>[vector<16xi32>, vector<16xi32>], vector<16xf32>,
    %broadcast_in_dim3A_1018 = arith.constant 128 : i32
    %broadcast_in_dim3A_1019 = vector.broadcast %broadcast_in_dim3A_1018 : i32 to vector<16xi32>
    tpu.vector_store_idx %arg10[%add3A_994, %broadcast_in_dim3A_1019], %div3A_1013 : memref<64x129xf32, #tpu.memory_space<vmem>>[vector<16xi32>, vector<16xi32>], vector<16xf32>,
    %barrier3A_1020 = arith.constant 0 : index
    tpu.barrier barrier_id(%barrier3A_1020)
    %add3A_1021 = arith.constant 384 : i32
    %add3A_1022 = arith.addi %mul3A_2, %add3A_1021 : i32
    %dma_start3A_1023 = arith.constant 0 : i32
    %dma_start3A_1024 = tpu.memref_slice %arg3[%add3A_1022, %dma_start3A_1023] : memref<16384x129xf32, #tpu.memory_space<hbm>> -> memref<64x129xf32, #tpu.memory_space<hbm>>
    %dma_start3A_1025 = arith.constant 0 : i32
    %dma_start3A_1026 = tpu.memref_slice %arg3[%add3A_1022, %dma_start3A_1025] : memref<16384x129xf32, #tpu.memory_space<hbm>> -> memref<64x129xf32, #tpu.memory_space<hbm>>
    tpu.enqueue_dma source(%arg10 : memref<64x129xf32, #tpu.memory_space<vmem>>) target(%dma_start3A_1026 : memref<64x129xf32, #tpu.memory_space<hbm>>) target_semaphore(%arg24 : memref<!tpu.dma_semaphore, #tpu.memory_space<semaphore_mem>>)
    %dma_wait3A_1027 = arith.constant 0 : i32
    %dma_wait3A_1028 = arith.constant 0 : i32
    %dma_wait3A_1029 = tpu.memref_slice %arg4[%dma_wait3A_1027, %dma_wait3A_1028] : memref<64x129xf32, #tpu.memory_space<vmem>> -> memref<64x128xf32, #tpu.memory_space<vmem>>
    %dma_wait3A_1030 = arith.constant 0 : i32
    %dma_wait3A_1031 = tpu.memref_slice %arg2[%add3A_344, %dma_wait3A_1030] : memref<16384x128xf32, #tpu.memory_space<hbm>> -> memref<64x128xf32, #tpu.memory_space<hbm>>
    %dma_wait3A_1032 = arith.constant 0 : i32
    %dma_wait3A_1033 = arith.constant 0 : i32
    %dma_wait3A_1034 = tpu.memref_slice %arg4[%dma_wait3A_1032, %dma_wait3A_1033] : memref<64x129xf32, #tpu.memory_space<vmem>> -> memref<64x128xf32, #tpu.memory_space<vmem>>
    %dma_wait3A_1035 = arith.constant 0 : i32
    %dma_wait3A_1036 = tpu.memref_slice %arg2[%add3A_344, %dma_wait3A_1035] : memref<16384x128xf32, #tpu.memory_space<hbm>> -> memref<64x128xf32, #tpu.memory_space<hbm>>
    tpu.wait_dma2 semaphore(%arg11 : memref<!tpu.dma_semaphore, #tpu.memory_space<semaphore_mem>>) src(%dma_wait3A_1036 : memref<64x128xf32, #tpu.memory_space<hbm>>) dst(%dma_wait3A_1034 : memref<64x128xf32, #tpu.memory_space<vmem>>)
    %iota3A_1037 = tpu.iota {dimensions = array<i32: 0>} : vector<16xi32>
    %add3A_1038 = arith.constant 0 : i32
    %add3A_1039 = vector.broadcast %add3A_1038 : i32 to vector<16xi32>
    %add3A_1040 = arith.addi %iota3A_1037, %add3A_1039 : vector<16xi32>
    %broadcast_in_dim3A_1041 = arith.constant 124 : i32
    %broadcast_in_dim3A_1042 = vector.broadcast %broadcast_in_dim3A_1041 : i32 to vector<16xi32>
    %gather3A_1043 = tpu.vector_load_idx %arg4[%add3A_1040, %broadcast_in_dim3A_1042] : memref<64x129xf32, #tpu.memory_space<vmem>>[vector<16xi32>, vector<16xi32>], vector<16xf32>,
    %broadcast_in_dim3A_1044 = arith.constant 125 : i32
    %broadcast_in_dim3A_1045 = vector.broadcast %broadcast_in_dim3A_1044 : i32 to vector<16xi32>
    %gather3A_1046 = tpu.vector_load_idx %arg4[%add3A_1040, %broadcast_in_dim3A_1045] : memref<64x129xf32, #tpu.memory_space<vmem>>[vector<16xi32>, vector<16xi32>], vector<16xf32>,
    %broadcast_in_dim3A_1047 = arith.constant 126 : i32
    %broadcast_in_dim3A_1048 = vector.broadcast %broadcast_in_dim3A_1047 : i32 to vector<16xi32>
    %gather3A_1049 = tpu.vector_load_idx %arg4[%add3A_1040, %broadcast_in_dim3A_1048] : memref<64x129xf32, #tpu.memory_space<vmem>>[vector<16xi32>, vector<16xi32>], vector<16xf32>,
    %broadcast_in_dim3A_1050 = arith.constant 127 : i32
    %broadcast_in_dim3A_1051 = vector.broadcast %broadcast_in_dim3A_1050 : i32 to vector<16xi32>
    %gather3A_1052 = tpu.vector_load_idx %arg4[%add3A_1040, %broadcast_in_dim3A_1051] : memref<64x129xf32, #tpu.memory_space<vmem>>[vector<16xi32>, vector<16xi32>], vector<16xf32>,
    %add3A_1053 = arith.addf %gather3A_1046, %gather3A_1043 : vector<16xf32>
    %div3A_1054 = arith.divf %gather3A_1046, %add3A_1053 : vector<16xf32>
    %add3A_1055 = arith.addf %gather3A_1046, %gather3A_1049 : vector<16xf32>
    %add3A_1056 = arith.addf %add3A_1055, %gather3A_1052 : vector<16xf32>
    %div3A_1057 = arith.divf %gather3A_1046, %add3A_1056 : vector<16xf32>
    %add3A_1058 = arith.addf %gather3A_1052, %gather3A_1049 : vector<16xf32>
    %div3A_1059 = arith.divf %gather3A_1052, %add3A_1058 : vector<16xf32>
    %broadcast_in_dim3A_1060 = arith.constant 126 : i32
    %broadcast_in_dim3A_1061 = vector.broadcast %broadcast_in_dim3A_1060 : i32 to vector<16xi32>
    tpu.vector_store_idx %arg4[%add3A_1040, %broadcast_in_dim3A_1061], %div3A_1054 : memref<64x129xf32, #tpu.memory_space<vmem>>[vector<16xi32>, vector<16xi32>], vector<16xf32>,
    %broadcast_in_dim3A_1062 = arith.constant 127 : i32
    %broadcast_in_dim3A_1063 = vector.broadcast %broadcast_in_dim3A_1062 : i32 to vector<16xi32>
    tpu.vector_store_idx %arg4[%add3A_1040, %broadcast_in_dim3A_1063], %div3A_1057 : memref<64x129xf32, #tpu.memory_space<vmem>>[vector<16xi32>, vector<16xi32>], vector<16xf32>,
    %broadcast_in_dim3A_1064 = arith.constant 128 : i32
    %broadcast_in_dim3A_1065 = vector.broadcast %broadcast_in_dim3A_1064 : i32 to vector<16xi32>
    tpu.vector_store_idx %arg4[%add3A_1040, %broadcast_in_dim3A_1065], %div3A_1059 : memref<64x129xf32, #tpu.memory_space<vmem>>[vector<16xi32>, vector<16xi32>], vector<16xf32>,
    %iota3A_1066 = tpu.iota {dimensions = array<i32: 0>} : vector<16xi32>
    %add3A_1067 = arith.constant 16 : i32
    %add3A_1068 = vector.broadcast %add3A_1067 : i32 to vector<16xi32>
    %add3A_1069 = arith.addi %iota3A_1066, %add3A_1068 : vector<16xi32>
    %broadcast_in_dim3A_1070 = arith.constant 124 : i32
    %broadcast_in_dim3A_1071 = vector.broadcast %broadcast_in_dim3A_1070 : i32 to vector<16xi32>
    %gather3A_1072 = tpu.vector_load_idx %arg4[%add3A_1069, %broadcast_in_dim3A_1071] : memref<64x129xf32, #tpu.memory_space<vmem>>[vector<16xi32>, vector<16xi32>], vector<16xf32>,
    %broadcast_in_dim3A_1073 = arith.constant 125 : i32
    %broadcast_in_dim3A_1074 = vector.broadcast %broadcast_in_dim3A_1073 : i32 to vector<16xi32>
    %gather3A_1075 = tpu.vector_load_idx %arg4[%add3A_1069, %broadcast_in_dim3A_1074] : memref<64x129xf32, #tpu.memory_space<vmem>>[vector<16xi32>, vector<16xi32>], vector<16xf32>,
    %broadcast_in_dim3A_1076 = arith.constant 126 : i32
    %broadcast_in_dim3A_1077 = vector.broadcast %broadcast_in_dim3A_1076 : i32 to vector<16xi32>
    %gather3A_1078 = tpu.vector_load_idx %arg4[%add3A_1069, %broadcast_in_dim3A_1077] : memref<64x129xf32, #tpu.memory_space<vmem>>[vector<16xi32>, vector<16xi32>], vector<16xf32>,
    %broadcast_in_dim3A_1079 = arith.constant 127 : i32
    %broadcast_in_dim3A_1080 = vector.broadcast %broadcast_in_dim3A_1079 : i32 to vector<16xi32>
    %gather3A_1081 = tpu.vector_load_idx %arg4[%add3A_1069, %broadcast_in_dim3A_1080] : memref<64x129xf32, #tpu.memory_space<vmem>>[vector<16xi32>, vector<16xi32>], vector<16xf32>,
    %add3A_1082 = arith.addf %gather3A_1075, %gather3A_1072 : vector<16xf32>
    %div3A_1083 = arith.divf %gather3A_1075, %add3A_1082 : vector<16xf32>
    %add3A_1084 = arith.addf %gather3A_1075, %gather3A_1078 : vector<16xf32>
    %add3A_1085 = arith.addf %add3A_1084, %gather3A_1081 : vector<16xf32>
    %div3A_1086 = arith.divf %gather3A_1075, %add3A_1085 : vector<16xf32>
    %add3A_1087 = arith.addf %gather3A_1081, %gather3A_1078 : vector<16xf32>
    %div3A_1088 = arith.divf %gather3A_1081, %add3A_1087 : vector<16xf32>
    %broadcast_in_dim3A_1089 = arith.constant 126 : i32
    %broadcast_in_dim3A_1090 = vector.broadcast %broadcast_in_dim3A_1089 : i32 to vector<16xi32>
    tpu.vector_store_idx %arg4[%add3A_1069, %broadcast_in_dim3A_1090], %div3A_1083 : memref<64x129xf32, #tpu.memory_space<vmem>>[vector<16xi32>, vector<16xi32>], vector<16xf32>,
    %broadcast_in_dim3A_1091 = arith.constant 127 : i32
    %broadcast_in_dim3A_1092 = vector.broadcast %broadcast_in_dim3A_1091 : i32 to vector<16xi32>
    tpu.vector_store_idx %arg4[%add3A_1069, %broadcast_in_dim3A_1092], %div3A_1086 : memref<64x129xf32, #tpu.memory_space<vmem>>[vector<16xi32>, vector<16xi32>], vector<16xf32>,
    %broadcast_in_dim3A_1093 = arith.constant 128 : i32
    %broadcast_in_dim3A_1094 = vector.broadcast %broadcast_in_dim3A_1093 : i32 to vector<16xi32>
    tpu.vector_store_idx %arg4[%add3A_1069, %broadcast_in_dim3A_1094], %div3A_1088 : memref<64x129xf32, #tpu.memory_space<vmem>>[vector<16xi32>, vector<16xi32>], vector<16xf32>,
    %iota3A_1095 = tpu.iota {dimensions = array<i32: 0>} : vector<16xi32>
    %add3A_1096 = arith.constant 32 : i32
    %add3A_1097 = vector.broadcast %add3A_1096 : i32 to vector<16xi32>
    %add3A_1098 = arith.addi %iota3A_1095, %add3A_1097 : vector<16xi32>
    %broadcast_in_dim3A_1099 = arith.constant 124 : i32
    %broadcast_in_dim3A_1100 = vector.broadcast %broadcast_in_dim3A_1099 : i32 to vector<16xi32>
    %gather3A_1101 = tpu.vector_load_idx %arg4[%add3A_1098, %broadcast_in_dim3A_1100] : memref<64x129xf32, #tpu.memory_space<vmem>>[vector<16xi32>, vector<16xi32>], vector<16xf32>,
    %broadcast_in_dim3A_1102 = arith.constant 125 : i32
    %broadcast_in_dim3A_1103 = vector.broadcast %broadcast_in_dim3A_1102 : i32 to vector<16xi32>
    %gather3A_1104 = tpu.vector_load_idx %arg4[%add3A_1098, %broadcast_in_dim3A_1103] : memref<64x129xf32, #tpu.memory_space<vmem>>[vector<16xi32>, vector<16xi32>], vector<16xf32>,
    %broadcast_in_dim3A_1105 = arith.constant 126 : i32
    %broadcast_in_dim3A_1106 = vector.broadcast %broadcast_in_dim3A_1105 : i32 to vector<16xi32>
    %gather3A_1107 = tpu.vector_load_idx %arg4[%add3A_1098, %broadcast_in_dim3A_1106] : memref<64x129xf32, #tpu.memory_space<vmem>>[vector<16xi32>, vector<16xi32>], vector<16xf32>,
    %broadcast_in_dim3A_1108 = arith.constant 127 : i32
    %broadcast_in_dim3A_1109 = vector.broadcast %broadcast_in_dim3A_1108 : i32 to vector<16xi32>
    %gather3A_1110 = tpu.vector_load_idx %arg4[%add3A_1098, %broadcast_in_dim3A_1109] : memref<64x129xf32, #tpu.memory_space<vmem>>[vector<16xi32>, vector<16xi32>], vector<16xf32>,
    %add3A_1111 = arith.addf %gather3A_1104, %gather3A_1101 : vector<16xf32>
    %div3A_1112 = arith.divf %gather3A_1104, %add3A_1111 : vector<16xf32>
    %add3A_1113 = arith.addf %gather3A_1104, %gather3A_1107 : vector<16xf32>
    %add3A_1114 = arith.addf %add3A_1113, %gather3A_1110 : vector<16xf32>
    %div3A_1115 = arith.divf %gather3A_1104, %add3A_1114 : vector<16xf32>
    %add3A_1116 = arith.addf %gather3A_1110, %gather3A_1107 : vector<16xf32>
    %div3A_1117 = arith.divf %gather3A_1110, %add3A_1116 : vector<16xf32>
    %broadcast_in_dim3A_1118 = arith.constant 126 : i32
    %broadcast_in_dim3A_1119 = vector.broadcast %broadcast_in_dim3A_1118 : i32 to vector<16xi32>
    tpu.vector_store_idx %arg4[%add3A_1098, %broadcast_in_dim3A_1119], %div3A_1112 : memref<64x129xf32, #tpu.memory_space<vmem>>[vector<16xi32>, vector<16xi32>], vector<16xf32>,
    %broadcast_in_dim3A_1120 = arith.constant 127 : i32
    %broadcast_in_dim3A_1121 = vector.broadcast %broadcast_in_dim3A_1120 : i32 to vector<16xi32>
    tpu.vector_store_idx %arg4[%add3A_1098, %broadcast_in_dim3A_1121], %div3A_1115 : memref<64x129xf32, #tpu.memory_space<vmem>>[vector<16xi32>, vector<16xi32>], vector<16xf32>,
    %broadcast_in_dim3A_1122 = arith.constant 128 : i32
    %broadcast_in_dim3A_1123 = vector.broadcast %broadcast_in_dim3A_1122 : i32 to vector<16xi32>
    tpu.vector_store_idx %arg4[%add3A_1098, %broadcast_in_dim3A_1123], %div3A_1117 : memref<64x129xf32, #tpu.memory_space<vmem>>[vector<16xi32>, vector<16xi32>], vector<16xf32>,
    %iota3A_1124 = tpu.iota {dimensions = array<i32: 0>} : vector<16xi32>
    %add3A_1125 = arith.constant 48 : i32
    %add3A_1126 = vector.broadcast %add3A_1125 : i32 to vector<16xi32>
    %add3A_1127 = arith.addi %iota3A_1124, %add3A_1126 : vector<16xi32>
    %broadcast_in_dim3A_1128 = arith.constant 124 : i32
    %broadcast_in_dim3A_1129 = vector.broadcast %broadcast_in_dim3A_1128 : i32 to vector<16xi32>
    %gather3A_1130 = tpu.vector_load_idx %arg4[%add3A_1127, %broadcast_in_dim3A_1129] : memref<64x129xf32, #tpu.memory_space<vmem>>[vector<16xi32>, vector<16xi32>], vector<16xf32>,
    %broadcast_in_dim3A_1131 = arith.constant 125 : i32
    %broadcast_in_dim3A_1132 = vector.broadcast %broadcast_in_dim3A_1131 : i32 to vector<16xi32>
    %gather3A_1133 = tpu.vector_load_idx %arg4[%add3A_1127, %broadcast_in_dim3A_1132] : memref<64x129xf32, #tpu.memory_space<vmem>>[vector<16xi32>, vector<16xi32>], vector<16xf32>,
    %broadcast_in_dim3A_1134 = arith.constant 126 : i32
    %broadcast_in_dim3A_1135 = vector.broadcast %broadcast_in_dim3A_1134 : i32 to vector<16xi32>
    %gather3A_1136 = tpu.vector_load_idx %arg4[%add3A_1127, %broadcast_in_dim3A_1135] : memref<64x129xf32, #tpu.memory_space<vmem>>[vector<16xi32>, vector<16xi32>], vector<16xf32>,
    %broadcast_in_dim3A_1137 = arith.constant 127 : i32
    %broadcast_in_dim3A_1138 = vector.broadcast %broadcast_in_dim3A_1137 : i32 to vector<16xi32>
    %gather3A_1139 = tpu.vector_load_idx %arg4[%add3A_1127, %broadcast_in_dim3A_1138] : memref<64x129xf32, #tpu.memory_space<vmem>>[vector<16xi32>, vector<16xi32>], vector<16xf32>,
    %add3A_1140 = arith.addf %gather3A_1133, %gather3A_1130 : vector<16xf32>
    %div3A_1141 = arith.divf %gather3A_1133, %add3A_1140 : vector<16xf32>
    %add3A_1142 = arith.addf %gather3A_1133, %gather3A_1136 : vector<16xf32>
    %add3A_1143 = arith.addf %add3A_1142, %gather3A_1139 : vector<16xf32>
    %div3A_1144 = arith.divf %gather3A_1133, %add3A_1143 : vector<16xf32>
    %add3A_1145 = arith.addf %gather3A_1139, %gather3A_1136 : vector<16xf32>
    %div3A_1146 = arith.divf %gather3A_1139, %add3A_1145 : vector<16xf32>
    %broadcast_in_dim3A_1147 = arith.constant 126 : i32
    %broadcast_in_dim3A_1148 = vector.broadcast %broadcast_in_dim3A_1147 : i32 to vector<16xi32>
    tpu.vector_store_idx %arg4[%add3A_1127, %broadcast_in_dim3A_1148], %div3A_1141 : memref<64x129xf32, #tpu.memory_space<vmem>>[vector<16xi32>, vector<16xi32>], vector<16xf32>,
    %broadcast_in_dim3A_1149 = arith.constant 127 : i32
    %broadcast_in_dim3A_1150 = vector.broadcast %broadcast_in_dim3A_1149 : i32 to vector<16xi32>
    tpu.vector_store_idx %arg4[%add3A_1127, %broadcast_in_dim3A_1150], %div3A_1144 : memref<64x129xf32, #tpu.memory_space<vmem>>[vector<16xi32>, vector<16xi32>], vector<16xf32>,
    %broadcast_in_dim3A_1151 = arith.constant 128 : i32
    %broadcast_in_dim3A_1152 = vector.broadcast %broadcast_in_dim3A_1151 : i32 to vector<16xi32>
    tpu.vector_store_idx %arg4[%add3A_1127, %broadcast_in_dim3A_1152], %div3A_1146 : memref<64x129xf32, #tpu.memory_space<vmem>>[vector<16xi32>, vector<16xi32>], vector<16xf32>,
    %barrier3A_1153 = arith.constant 0 : index
    tpu.barrier barrier_id(%barrier3A_1153)
    %add3A_1154 = arith.constant 448 : i32
    %add3A_1155 = arith.addi %mul3A_2, %add3A_1154 : i32
    %dma_start3A_1156 = arith.constant 0 : i32
    %dma_start3A_1157 = tpu.memref_slice %arg3[%add3A_1155, %dma_start3A_1156] : memref<16384x129xf32, #tpu.memory_space<hbm>> -> memref<64x129xf32, #tpu.memory_space<hbm>>
    %dma_start3A_1158 = arith.constant 0 : i32
    %dma_start3A_1159 = tpu.memref_slice %arg3[%add3A_1155, %dma_start3A_1158] : memref<16384x129xf32, #tpu.memory_space<hbm>> -> memref<64x129xf32, #tpu.memory_space<hbm>>
    tpu.enqueue_dma source(%arg4 : memref<64x129xf32, #tpu.memory_space<vmem>>) target(%dma_start3A_1159 : memref<64x129xf32, #tpu.memory_space<hbm>>) target_semaphore(%arg18 : memref<!tpu.dma_semaphore, #tpu.memory_space<semaphore_mem>>)
    %dma_wait3A_1160 = arith.constant 0 : i32
    %dma_wait3A_1161 = tpu.memref_slice %arg3[%add3A_357, %dma_wait3A_1160] : memref<16384x129xf32, #tpu.memory_space<hbm>> -> memref<64x129xf32, #tpu.memory_space<hbm>>
    %dma_wait3A_1162 = arith.constant 0 : i32
    %dma_wait3A_1163 = tpu.memref_slice %arg3[%add3A_357, %dma_wait3A_1162] : memref<16384x129xf32, #tpu.memory_space<hbm>> -> memref<64x129xf32, #tpu.memory_space<hbm>>
    tpu.wait_dma2 semaphore(%arg19 : memref<!tpu.dma_semaphore, #tpu.memory_space<semaphore_mem>>) src(%arg5 : memref<64x129xf32, #tpu.memory_space<vmem>>) dst(%dma_wait3A_1163 : memref<64x129xf32, #tpu.memory_space<hbm>>)
    %dma_wait3A_1164 = arith.constant 0 : i32
    %dma_wait3A_1165 = tpu.memref_slice %arg3[%add3A_490, %dma_wait3A_1164] : memref<16384x129xf32, #tpu.memory_space<hbm>> -> memref<64x129xf32, #tpu.memory_space<hbm>>
    %dma_wait3A_1166 = arith.constant 0 : i32
    %dma_wait3A_1167 = tpu.memref_slice %arg3[%add3A_490, %dma_wait3A_1166] : memref<16384x129xf32, #tpu.memory_space<hbm>> -> memref<64x129xf32, #tpu.memory_space<hbm>>
    tpu.wait_dma2 semaphore(%arg20 : memref<!tpu.dma_semaphore, #tpu.memory_space<semaphore_mem>>) src(%arg6 : memref<64x129xf32, #tpu.memory_space<vmem>>) dst(%dma_wait3A_1167 : memref<64x129xf32, #tpu.memory_space<hbm>>)
    %dma_wait3A_1168 = arith.constant 0 : i32
    %dma_wait3A_1169 = tpu.memref_slice %arg3[%add3A_623, %dma_wait3A_1168] : memref<16384x129xf32, #tpu.memory_space<hbm>> -> memref<64x129xf32, #tpu.memory_space<hbm>>
    %dma_wait3A_1170 = arith.constant 0 : i32
    %dma_wait3A_1171 = tpu.memref_slice %arg3[%add3A_623, %dma_wait3A_1170] : memref<16384x129xf32, #tpu.memory_space<hbm>> -> memref<64x129xf32, #tpu.memory_space<hbm>>
    tpu.wait_dma2 semaphore(%arg21 : memref<!tpu.dma_semaphore, #tpu.memory_space<semaphore_mem>>) src(%arg7 : memref<64x129xf32, #tpu.memory_space<vmem>>) dst(%dma_wait3A_1171 : memref<64x129xf32, #tpu.memory_space<hbm>>)
    %dma_wait3A_1172 = arith.constant 0 : i32
    %dma_wait3A_1173 = tpu.memref_slice %arg3[%add3A_756, %dma_wait3A_1172] : memref<16384x129xf32, #tpu.memory_space<hbm>> -> memref<64x129xf32, #tpu.memory_space<hbm>>
    %dma_wait3A_1174 = arith.constant 0 : i32
    %dma_wait3A_1175 = tpu.memref_slice %arg3[%add3A_756, %dma_wait3A_1174] : memref<16384x129xf32, #tpu.memory_space<hbm>> -> memref<64x129xf32, #tpu.memory_space<hbm>>
    tpu.wait_dma2 semaphore(%arg22 : memref<!tpu.dma_semaphore, #tpu.memory_space<semaphore_mem>>) src(%arg8 : memref<64x129xf32, #tpu.memory_space<vmem>>) dst(%dma_wait3A_1175 : memref<64x129xf32, #tpu.memory_space<hbm>>)
    %dma_wait3A_1176 = arith.constant 0 : i32
    %dma_wait3A_1177 = tpu.memref_slice %arg3[%add3A_889, %dma_wait3A_1176] : memref<16384x129xf32, #tpu.memory_space<hbm>> -> memref<64x129xf32, #tpu.memory_space<hbm>>
    %dma_wait3A_1178 = arith.constant 0 : i32
    %dma_wait3A_1179 = tpu.memref_slice %arg3[%add3A_889, %dma_wait3A_1178] : memref<16384x129xf32, #tpu.memory_space<hbm>> -> memref<64x129xf32, #tpu.memory_space<hbm>>
    tpu.wait_dma2 semaphore(%arg23 : memref<!tpu.dma_semaphore, #tpu.memory_space<semaphore_mem>>) src(%arg9 : memref<64x129xf32, #tpu.memory_space<vmem>>) dst(%dma_wait3A_1179 : memref<64x129xf32, #tpu.memory_space<hbm>>)
    %dma_wait3A_1180 = arith.constant 0 : i32
    %dma_wait3A_1181 = tpu.memref_slice %arg3[%add3A_1022, %dma_wait3A_1180] : memref<16384x129xf32, #tpu.memory_space<hbm>> -> memref<64x129xf32, #tpu.memory_space<hbm>>
    %dma_wait3A_1182 = arith.constant 0 : i32
    %dma_wait3A_1183 = tpu.memref_slice %arg3[%add3A_1022, %dma_wait3A_1182] : memref<16384x129xf32, #tpu.memory_space<hbm>> -> memref<64x129xf32, #tpu.memory_space<hbm>>
    tpu.wait_dma2 semaphore(%arg24 : memref<!tpu.dma_semaphore, #tpu.memory_space<semaphore_mem>>) src(%arg10 : memref<64x129xf32, #tpu.memory_space<vmem>>) dst(%dma_wait3A_1183 : memref<64x129xf32, #tpu.memory_space<hbm>>)
    %dma_wait3A_1184 = arith.constant 0 : i32
    %dma_wait3A_1185 = tpu.memref_slice %arg3[%add3A_1155, %dma_wait3A_1184] : memref<16384x129xf32, #tpu.memory_space<hbm>> -> memref<64x129xf32, #tpu.memory_space<hbm>>
    %dma_wait3A_1186 = arith.constant 0 : i32
    %dma_wait3A_1187 = tpu.memref_slice %arg3[%add3A_1155, %dma_wait3A_1186] : memref<16384x129xf32, #tpu.memory_space<hbm>> -> memref<64x129xf32, #tpu.memory_space<hbm>>
    tpu.wait_dma2 semaphore(%arg18 : memref<!tpu.dma_semaphore, #tpu.memory_space<semaphore_mem>>) src(%arg4 : memref<64x129xf32, #tpu.memory_space<vmem>>) dst(%dma_wait3A_1187 : memref<64x129xf32, #tpu.memory_space<hbm>>)
    return
  }
}

</mosaic_0001>

<sc_bundles>
// kernel: kernel.3.cloned.1.call-start
scs
__scs_entry_jumppad:
0x0: {  	(pc) =	sbr.rel $0x88, $3  }
0x1: {  	(tag) =	ssettag $0x0;
	lr =	simm.s32 $0x1  }
0x2: {  	[smem:$0x3FA0] =	sst lr;
	_ =	strace $0xD0000000  }
0x3: {  	_ = 	snop  }
0x4: {  	_ = 	snop  }
0x5: {  	_ = 	snop  }
0x6: {  	_ = 	snop  }
0x7: {  	_ = 	snop  }
__scs_overlays_trampoline_lowered:
0x8: {  	[smem:$0x3FAF] =	sst s0  }
0x9: {  	[smem:$0x3FB0] =	sst s1  }
0xa: {  	[smem:$0x3FB1] =	sst s2  }
0xb: {  	[smem:$0x3FB2] =	sst s3  }
0xc: {  	[smem:$0x3FB3] =	sst s4  }
0xd: {  	[smem:$0x3FB4] =	sst s5  }
0xe: {  	[smem:$0x3FB5] =	sst s6  }
0xf: {  	[smem:$0x3FB6] =	sst s7  }
0x10: {  	[smem:$0x3FB7] =	sst s8  }
0x11: {  	[smem:$0x3FB8] =	sst s9;
	s0 =	simm.s32 @!p0 $0x0  }
0x12: {  	s1 =	sld [smem:$0x3F9E];
	s0 =	simm.s32 @p0 $0x1  }
0x13: {  	[smem:$0x3FB9] =	sst s0;
	s0 =	simm.s32 @!p1 $0x0  }
0x14: {  	s2 =	sld [smem:$0x3F9D];
	s0 =	simm.s32 @p1 $0x1  }
0x15: {  	[smem:$0x3FBA] =	sst s0;
	s0 =	simm.s32 @!p2 $0x0  }
0x16: {  	s3 =	sld [smem:$0x3FDB];
	s0 =	simm.s32 @p2 $0x1  }
0x17: {  	s4 =	simm.s32 $0x1BF5;
	[smem:$0x3FBC] =	sst s0  }
0x18: {  	s0 =	sld [smem:$0x3F9F];
	_ =	swait.ge [sflag:s4], $0x0  }
0x19: {  	s7 =	sld [smem:$0x3FA0]  }
0x1a: {  	s8 =	sadd.s32 $0xFFFFE003, lr  }
0x1b: {  	s9 =	sadd.s32 $0xFFFFFEF7, lr;
	s5 =	simm.s32 $0xFFFFFFFF;
	p2 =	slt.u32 s8, $0xFFFFF086  }
0x1c: {  	p1 =	slt.u32 s9, $0xF7A;
	s5 =	simm.s32 @!p2 $0x0  }
0x1d: {  	s5 =	simm.s32 @p1 $0x1;
	p0 =	seq.s32 s7, s2  }
0x1e: {  	s7 =	smul.u32 @!p0 $0xF7A, s2;
	p2 =	seq.s32 @!p0 s5, $0x0  }
0x1f: {  	s9 =	smul.u32 $0xF7A, s1;
	s8 =	simm.s32 @!p0 $0x1BF5;
	p2 =	por !p2, p0  }
0x20: {  	[sflag:s8] =	ssyncset.s32 @!p0 $0xFFFFF086;
	s6 =	sadd.s32 @!p0 s3, s7;
	s7 =	simm.s32 @!p0 $0x108  }
0x21: {  	s3 =	sadd.s32 s3, s9;
	s6 =	sadd.s32 @!p0 $0x88, s6;
	s7 =	simm.s32 @p2 $0x1082  }
0x22: {  	[simem:s7], [sflag:s8] =	dma.local @!p0 [hbm:s6], $0xF7A  }
0x23: {  	s9 =	sor.u32 $0xD0000000, s2;
	s6 =	simm.s32 $0x108;
	_ =	swait.ge @!p0 [sflag:s8], $0x0  }
0x24: {  	s3 =	sadd.s32 $0x88, s3;
	s6 =	simm.s32 @!p1 $0x1082;
	[sflag:s4] =	ssyncset.s32 $0xFFFFF086  }
0x25: {  	[simem:s6], [sflag:s4] =	dma.local [hbm:s3], $0xF7A  }
0x26: {  	[smem:$0x3FA0] =	sst s1;
	(tag) =	ssettag s2;
	_ =	strace s9  }
0x27: {  	s1 =	sld [smem:$0x3FB0]  }
0x28: {  	s2 =	sld [smem:$0x3FB1]  }
0x29: {  	s4 =	sld [smem:$0x3FB3]  }
0x2a: {  	p0 =	seq.s32 s5, $0x0;
	s5 =	sld [smem:$0x3FB4]  }
0x2b: {  	s6 =	sld [smem:$0x3FB5]  }
0x2c: {  	s7 =	sld [smem:$0x3FB6]  }
0x2d: {  	s3 =	simm.s32 $0x108;
	s8 =	sld [smem:$0x3FB7]  }
0x2e: {  	s3 =	simm.s32 @!p0 $0x1082;
	s9 =	sld [smem:$0x3FB8]  }
0x2f: {  	lr =	sadd.s32 s0, s3;
	s0 =	sld [smem:$0x3FAF]  }
0x30: {  	s3 =	sld [smem:$0x3FB2]  }
0x31: {  	[smem:$0x3FBB] =	sst s10  }
0x32: {  	s10 =	sld [smem:$0x3FB9];
	_ =	sdelay $0x3  }
0x33: {  	p0 =	seq.s32 s10, $0x1;
	s10 =	sld [smem:$0x3FBB];
	_ =	sdelay $0x3  }
0x34: {  	[smem:$0x3FBB] =	sst s10  }
0x35: {  	s10 =	sld [smem:$0x3FBA];
	_ =	sdelay $0x3  }
0x36: {  	p1 =	seq.s32 s10, $0x1;
	s10 =	sld [smem:$0x3FBB];
	_ =	sdelay $0x3  }
0x37: {  	[smem:$0x3FBB] =	sst s10  }
0x38: {  	s10 =	sld [smem:$0x3FBC]  }
0x39: {  	_ = 	snop;
	(pc) =	sbr.ind lr, $3  }
0x3a: {  	_ = 	snop  }
0x3b: {  	_ = 	snop  }
0x3c: {  	p2 =	seq.s32 s10, $0x1;
	s10 =	sld [smem:$0x3FBB]  }
0x3d: {  	_ =	shalt  }
0x3e: {  	_ =	shalt  }
0x3f: {  	_ =	shalt  }
0x40: {  	_ =	shalt  }
0x41: {  	_ =	shalt  }
0x42: {  	_ =	shalt  }
0x43: {  	_ =	shalt  }
0x44: {  	_ =	shalt  }
0x45: {  	_ =	shalt  }
0x46: {  	_ =	shalt  }
0x47: {  	_ =	shalt  }
0x48: {  	_ =	shalt  }
0x49: {  	_ =	shalt  }
0x4a: {  	_ =	shalt  }
0x4b: {  	_ =	shalt  }
0x4c: {  	_ =	shalt  }
0x4d: {  	_ =	shalt  }
0x4e: {  	_ =	shalt  }
0x4f: {  	_ =	shalt  }
0x50: {  	_ =	shalt  }
0x51: {  	_ =	shalt  }
0x52: {  	_ =	shalt  }
0x53: {  	_ =	shalt  }
0x54: {  	_ =	shalt  }
0x55: {  	_ =	shalt  }
0x56: {  	_ =	shalt  }
0x57: {  	_ =	shalt  }
0x58: {  	_ =	shalt  }
0x59: {  	_ =	shalt  }
0x5a: {  	_ =	shalt  }
0x5b: {  	_ =	shalt  }
0x5c: {  	_ =	shalt  }
0x5d: {  	_ =	shalt  }
0x5e: {  	_ =	shalt  }
0x5f: {  	_ =	shalt  }
0x60: {  	_ =	shalt  }
0x61: {  	_ =	shalt  }
0x62: {  	_ =	shalt  }
0x63: {  	_ =	shalt  }
0x64: {  	_ =	shalt  }
0x65: {  	_ =	shalt  }
0x66: {  	_ =	shalt  }
0x67: {  	_ =	shalt  }
0x68: {  	_ =	shalt  }
0x69: {  	_ =	shalt  }
0x6a: {  	_ =	shalt  }
0x6b: {  	_ =	shalt  }
0x6c: {  	_ =	shalt  }
0x6d: {  	_ =	shalt  }
0x6e: {  	_ =	shalt  }
0x6f: {  	_ =	shalt  }
0x70: {  	_ =	shalt  }
0x71: {  	_ =	shalt  }
0x72: {  	_ =	shalt  }
0x73: {  	_ =	shalt  }
0x74: {  	_ =	shalt  }
0x75: {  	_ =	shalt  }
0x76: {  	_ =	shalt  }
0x77: {  	_ =	shalt  }
0x78: {  	_ =	shalt  }
0x79: {  	_ =	shalt  }
0x7a: {  	_ =	shalt  }
0x7b: {  	_ =	shalt  }
0x7c: {  	_ =	shalt  }
0x7d: {  	_ =	shalt  }
0x7e: {  	_ =	shalt  }
0x7f: {  	_ =	shalt  }
0x80: {  	_ =	shalt  }
0x81: {  	_ =	shalt  }
0x82: {  	_ =	shalt  }
0x83: {  	_ =	shalt  }
0x84: {  	_ =	shalt  }
0x85: {  	_ =	shalt  }
0x86: {  	_ =	shalt  }
0x87: {  	_ =	shalt  }
.Lfunc_end0:
.L_simem_size_0:
called_computation_lowered:
.L_overlay_start_0:
0x88: {  	s2 =	sld [smem:$0x3FD9]  }
0x89: {  	s3 =	sld [smem:$0x3FFE];
	_ =	sdelay $0x1  }
0x8a: {  	s1 =	srdreg.scid  }
0x8b: {  	s0 =	sand.u32 $0x1, s1  }
0x8c: {  	s17 =	sshll.u32 s0, $0xA;
	s2 =	sadd.s32 s3, s2  }
0x8d: {  	s2 =	sadd.s32 s2, s17  }
0x8e: {  	[smem:$0x3FC7] =	sst s2  }
0x8f: {  	_ = 	snop  }
0x90: {  	s2 =	sld [smem:$0x3FC9];
	(tm) =	ssettm $0x1  }
0x91: {  	s18 =	sld [smem:$0x3FFB];
	_ =	sdelay $0x3  }
0x92: {  	_ =	strace s18  }
0x93: {  	s3 =	sld [smem:$0x3FFC];
	_ =	sdelay $0x3  }
0x94: {  	_ =	strace s3  }
0x95: {  	s3 =	sld [smem:$0x3FFD];
	_ =	sdelay $0x3  }
0x96: {  	_ =	strace s3  }
0x97: {  	_ =	strace $0x8FFFFFFF  }
0x98: {  	s19 =	sld [smem:$0x3FDB];
	_ =	sdelay $0x1  }
0x99: {  	s4 =	simm.s32 $_scs_section_size  }
0x9a: {  	s5 =	simm.s32 $_size__tile_overlayer_lowered;
	s6 =	simm.s32 $_tile_overlayer_lowered  }
0x9b: {  	s22 =	simm.s32 $0x1BFF;
	s21 =	sshll.u32 s6, $0x1;
	s3 =	sadd.s32 s4, s19  }
0x9c: {  	s7 =	simm.s32 $0x0;
	s20 =	sshll.u32 s5, $0x1;
	s5 =	sadd.s32 s21, s3  }
0x9d: {  	[timem:s7], [sflag:s22] =	dma.local [hbm:s5], s20  }
0x9e: {  	_ =	swait.ge [sflag:s22], s20  }
0x9f: {  	s4 =	ssub.s32 $0x0, s20;
	[sflag:s22] =	ssyncset.done $0x0  }
0xa0: {  	[sflag:s22] =	ssyncadd.s32 s4;
	_ =	sdelay $0x1  }
0xa1: {  	s23 =	simm.s32 $0x1B8B  }
0xa2: {  	_ =	swait.ge [sflag:s23], $0x1  }
0xa3: {  	[sflag:s23] =	ssyncset.done $0x0  }
0xa4: {  	s25 =	simm.s32 $0x1B8E;
	s24 =	sld [smem:$0x3FFE];
	[sflag:s23] =	ssyncadd.s32 $0xFFFFFFFF  }
0xa5: {  	s26 =	simm.s32 $execute0_lowered;
	[smem:$0x3FD2] =	sst s25  }
0xa6: {  	s5 =	sshll.u32 s26, $0x1;
	_ =	strace $0x80000046;
	[dreg:$0x1] =	wrdreg $0xFFFFFFFF  }
0xa7: {  	s28 =	simm.s32 $_size_execute0_lowered;
	s3 =	sadd.s32 s3, s5;
	[dreg:$0x0] =	wrdreg $0x0  }
0xa8: {  	s5 =	sshll.u32 s28, $0x1;
	[dreg:$0x2] =	wrdreg s3  }
0xa9: {  	[dreg:$0x3] =	wrdreg s5  }
0xaa: {  	[dreg:$0x4] =	wrdreg $0xC0  }
0xab: {  	_ =	task [dreg:s7], $0x5FFFF  }
0xac: {  	[dreg:$0x1] =	wrdreg $0xFFFFFFFF  }
0xad: {  	[dreg:$0x0] =	wrdreg $0x60  }
0xae: {  	[dreg:$0x2] =	wrdreg s2  }
0xaf: {  	[dreg:$0x3] =	wrdreg s24  }
0xb0: {  	[dreg:$0x4] =	wrdreg $0x9  }
0xb1: {  	_ =	task.clear_ibuf [dreg:s7], $0x5FFFF;
	_ =	strace $0x90000046  }
0xb2: {  	s29 =	simm.s32 $0x9;
	_ =	strace $0x80000048  }
0xb3: {  	_ =	swait.ge [sflag:s29], $0x1  }
0xb4: {  	[sflag:s29] =	ssyncadd.s32 $0xFFFFFFFF  }
0xb5: {  	_ =	strace $0x90000048  }
0xb6: {  	_ =	sfence  }
0xb7: {  	s30 =	sld [smem:$0x0];
	_ =	sdelay $0x2  }
0xb8: {  	s31 =	sshll.u32 s1, $0xD;
	s1 =	sshrl.u32 s1, $0x2  }
0xb9: {  	s3 =	sand.u32 $0x4000, s31;
	s1 =	sadd.s32 s1, s30  }
0xba: {  	s0 =	sor.u32 s3, s0;
	s1 =	sshll.u32 s1, $0x11  }
0xbb: {  	s0 =	sor.u32 s1, s0  }
0xbc: {  	s0 =	sadd.s32 $0x8F2B, s0  }
0xbd: {  	[sflag:s0] =	ssyncadd.remote.s32 $0x1  }
0xbe: {  	_ =	sfence.sel $0xFFFF  }
0xbf: {  	[dreg:$0x0] =	wrdreg $0xFFFFFFFF;
	(pc) =	sbr.abs _section_cstart, $3  }
0xc0: {  	[dreg:$0x1] =	wrdreg $0xFFFFFFFF  }
0xc1: {  	_ =	task.clear_ibuf [dreg:s7], $0x2FFFF;
	_ =	strace $0x9FFFFFFF  }
0xc2: {  	(tm) =	ssettm $0x7FFFFFFF  }
0xc3: {  	_ =	shalt  }
tec
execute0_lowered:
.L_overlay_start_1:
0x0: {  	(tag) =	ssettag $0x1  }
0x1: {  	s0 =	rddreg [dreg:$0x0]  }
0x2: {  	s3 =	rddreg [dreg:$0x1];
	s1 =	srdreg.scid  }
0x3: {  	s4 =	stileid.u32;
	s2 =	simm.s32 $0x0;
	s1 =	sand.u32 $0x1, s1  }
0x4: {  	v0 =	vimm.s32 $0xBFC;
	vm8 =	vcmask $0x300;
	s4 =	sshll.u32 s4, $0xA;
	[smem:$0x7FF] =	sst s2;
	s5 =	sshll.u32 s1, $0x9  }
0x5: {  	v1 =	vimm.s32 $0xBFD;
	vm9 =	vcmask $0x704;
	vm10 =	vcmask $0xB08;
	s11 =	sadd.s32 $0x400, s3;
	_ =	strace $0x80000047;
	s4 =	sor.u32 s5, s4  }
0x6: {  	vm6 =	vcmask $0xF0C;
	vm0 =	vcmask $0x1310;
	vm1 =	vcmask $0x1714;
	s10 =	sshrl.u32 s4, $0x3;
	s12 =	sshll.u32 s4, $0x4;
	s24 =	sshll.u32 s4, $0x5  }
0x7: {  	vm2 =	vcmask $0x1B18;
	vm3 =	vcmask $0x1F1C;
	vm4 =	vcmask $0x2320;
	s9 =	sor.u32 $0x8, s10;
	s8 =	sor.u32 $0x10, s10;
	s7 =	sor.u32 $0x18, s10  }
0x8: {  	vm5 =	vcmask $0x2724;
	vm7 =	vcmask $0x2B28;
	vm11 =	vcmask $0x2F2C;
	s6 =	sor.u32 $0x20, s10;
	s5 =	sor.u32 $0x28, s10;
	s3 =	sadd.s32 s11, s24  }
0x9: {  	vm12 =	vcmask $0x3330;
	vm13 =	vcmask $0x3734;
	vm14 =	vcmask $0x3B38;
	s4 =	sor.u32 $0x30, s10;
	s12 =	sadd.s32 s0, s12;
	[dreg:$0x3] =	wrdreg s3  }
0xa: {  	v2 =	vimm.s32 $0xBFE;
	v3 =	vimm.s32 $0xBFF;
	v4 =	vimm.s32 $0xF80;
	s13 =	sshll.u32 s9, $0x8;
	s24 =	sadd.s32 $0x80, s12;
	[smem:$0x7B1] =	sst s12  }
0xb: {  	v5 =	vimm.s32 $0x1BFC;
	v6 =	vimm.s32 $0x1BFD;
	v7 =	vimm.s32 $0x1BFE;
	s26 =	sshll.u32 s8, $0x8;
	s25 =	sadd.s32 s11, s13;
	[dreg:$0xb] =	wrdreg s24  }
0xc: {  	v8 =	vimm.s32 $0x1BFF;
	v9 =	vimm.s32 $0x1F80;
	v10 =	vimm.s32 $0x2BFC;
	s14 =	sshll.u32 s7, $0x8;
	s13 =	sadd.s32 s11, s26;
	[dreg:$0x4] =	wrdreg s25  }
0xd: {  	v11 =	vimm.s32 $0x2BFD;
	v12 =	vimm.s32 $0x2BFE;
	v13 =	vimm.s32 $0x2BFF;
	s16 =	sshll.u32 s6, $0x8;
	s15 =	sadd.s32 s11, s14;
	[dreg:$0x5] =	wrdreg s13  }
0xe: {  	v14 =	vimm.s32 $0x2F80;
	v15 =	vimm.s32 $0x3BFC;
	v16 =	vimm.s32 $0x3BFD;
	s18 =	sshll.u32 s5, $0x8;
	s17 =	sadd.s32 s11, s16;
	[dreg:$0x6] =	wrdreg s15  }
0xf: {  	v17 =	vimm.s32 $0x3BFE;
	v18 =	vimm.s32 $0x3BFF;
	v19 =	vimm.s32 $0x3F80;
	s20 =	sshll.u32 s4, $0x8;
	s19 =	sadd.s32 s11, s18;
	[dreg:$0x7] =	wrdreg s17  }
0x10: {  	v0 =	vsel vm8, $0x7C, v0;
	v1 =	vsel vm8, $0x7D, v1;
	v2 =	vsel vm8, $0x7E, v2;
	s21 =	sadd.s32 s11, s20;
	[dreg:$0x8] =	wrdreg s19  }
0x11: {  	v3 =	vsel vm8, $0x7F, v3;
	v4 =	vsel vm8, $0x400, v4;
	v5 =	vsel vm8, $0x107C, v5;
	s26 =	sadd.s32 $0x180, s12;
	[dreg:$0x9] =	wrdreg s21  }
0x12: {  	v6 =	vsel vm8, $0x107D, v6;
	v7 =	vsel vm8, $0x107E, v7;
	v8 =	vsel vm8, $0x107F, v8;
	s3 =	sor.u32 $0x38, s10;
	s14 =	sadd.s32 $0x300, s12;
	[dreg:$0xd] =	wrdreg s26  }
0x13: {  	v9 =	vsel vm8, $0x1400, v9;
	v10 =	vsel vm8, $0x207C, v10;
	v11 =	vsel vm8, $0x207D, v11;
	s22 =	sshll.u32 s3, $0x8;
	s16 =	sadd.s32 $0x380, s12;
	[dreg:$0x10] =	wrdreg s14  }
0x14: {  	v12 =	vsel vm8, $0x207E, v12;
	v13 =	vsel vm8, $0x207F, v13;
	v14 =	vsel vm8, $0x2400, v14;
	s23 =	sadd.s32 s11, s22;
	[dreg:$0x11] =	wrdreg s16  }
0x15: {  	v15 =	vsel vm8, $0x307C, v15;
	v16 =	vsel vm8, $0x307D, v16;
	v17 =	vsel vm8, $0x307E, v17;
	s25 =	sadd.s32 $0x100, s12;
	[dreg:$0xa] =	wrdreg s23  }
0x16: {  	v18 =	vsel vm8, $0x307F, v18;
	v19 =	vsel vm8, $0x3400, v19;
	v0 =	vsel vm9, $0xFC, v0;
	s11 =	sadd.s32 $0x200, s12;
	[dreg:$0xc] =	wrdreg s25  }
0x17: {  	v1 =	vsel vm9, $0xFD, v1;
	v2 =	vsel vm9, $0xFE, v2;
	v3 =	vsel vm9, $0xFF, v3;
	s9 =	sshll.u32 s9, $0x7;
	s13 =	sadd.s32 $0x280, s12;
	[dreg:$0xe] =	wrdreg s11  }
0x18: {  	v4 =	vsel vm9, $0x480, v4;
	v5 =	vsel vm9, $0x10FC, v5;
	v6 =	vsel vm9, $0x10FD, v6;
	s7 =	sshll.u32 s7, $0x7;
	s15 =	sadd.s32 s0, s9;
	[dreg:$0xf] =	wrdreg s13  }
0x19: {  	v7 =	vsel vm9, $0x10FE, v7;
	v8 =	vsel vm9, $0x10FF, v8;
	v9 =	vsel vm9, $0x1480, v9;
	s14 =	sadd.s32 s0, s7;
	[smem:$0x7B2] =	sst s15  }
0x1a: {  	v10 =	vsel vm9, $0x20FC, v10;
	v11 =	vsel vm9, $0x20FD, v11;
	v12 =	vsel vm9, $0x20FE, v12;
	s17 =	sadd.s32 $0x80, s15;
	[smem:$0x7BA] =	sst s14  }
0x1b: {  	v13 =	vsel vm9, $0x20FF, v13;
	v14 =	vsel vm9, $0x2480, v14;
	v15 =	vsel vm9, $0x30FC, v15;
	s18 =	sadd.s32 $0x100, s15;
	[dreg:$0x12] =	wrdreg s17  }
0x1c: {  	v16 =	vsel vm9, $0x30FD, v16;
	v17 =	vsel vm9, $0x30FE, v17;
	v18 =	vsel vm9, $0x30FF, v18;
	s19 =	sadd.s32 $0x180, s15;
	[dreg:$0x13] =	wrdreg s18  }
0x1d: {  	v19 =	vsel vm9, $0x3480, v19;
	v0 =	vsel vm10, $0x17C, v0;
	v1 =	vsel vm10, $0x17D, v1;
	s20 =	sadd.s32 $0x200, s15;
	[dreg:$0x14] =	wrdreg s19  }
0x1e: {  	v2 =	vsel vm10, $0x17E, v2;
	v3 =	vsel vm10, $0x17F, v3;
	v4 =	vsel vm10, $0x500, v4;
	s21 =	sadd.s32 $0x280, s15;
	[dreg:$0x15] =	wrdreg s20  }
0x1f: {  	v5 =	vsel vm10, $0x117C, v5;
	v6 =	vsel vm10, $0x117D, v6;
	v7 =	vsel vm10, $0x117E, v7;
	s22 =	sadd.s32 $0x300, s15;
	[dreg:$0x16] =	wrdreg s21  }
0x20: {  	v8 =	vsel vm10, $0x117F, v8;
	v9 =	vsel vm10, $0x1500, v9;
	v10 =	vsel vm10, $0x217C, v10;
	s8 =	sshll.u32 s8, $0x7;
	s24 =	sadd.s32 $0x380, s15;
	[dreg:$0x17] =	wrdreg s22  }
0x21: {  	v11 =	vsel vm10, $0x217D, v11;
	v12 =	vsel vm10, $0x217E, v12;
	v13 =	vsel vm10, $0x217F, v13;
	s23 =	sadd.s32 s0, s8;
	[dreg:$0x18] =	wrdreg s24  }
0x22: {  	v14 =	vsel vm10, $0x2500, v14;
	v15 =	vsel vm10, $0x317C, v15;
	v16 =	vsel vm10, $0x317D, v16;
	s16 =	sadd.s32 $0x80, s14;
	[smem:$0x7B3] =	sst s23  }
0x23: {  	v17 =	vsel vm10, $0x317E, v17;
	v18 =	vsel vm10, $0x317F, v18;
	v19 =	vsel vm10, $0x3500, v19;
	s8 =	simm.s32 $0x5800;
	[smem:$0x7B4] =	sst s16  }
0x24: {  	v0 =	vsel vm6, $0x1FC, v0;
	v1 =	vsel vm6, $0x1FD, v1;
	v2 =	vsel vm6, $0x1FE, v2;
	s25 =	sadd.s32 $0x80, s23;
	[smem:$0x7D6] =	sst s8  }
0x25: {  	v3 =	vsel vm6, $0x1FF, v3;
	v4 =	vsel vm6, $0x580, v4;
	v5 =	vsel vm6, $0x11FC, v5;
	s26 =	sadd.s32 $0x100, s23;
	[dreg:$0x19] =	wrdreg s25  }
0x26: {  	v6 =	vsel vm6, $0x11FD, v6;
	v7 =	vsel vm6, $0x11FE, v7;
	v8 =	vsel vm6, $0x11FF, v8;
	s9 =	sadd.s32 $0x180, s23;
	[dreg:$0x1a] =	wrdreg s26  }
0x27: {  	v9 =	vsel vm6, $0x1580, v9;
	v10 =	vsel vm6, $0x21FC, v10;
	v11 =	vsel vm6, $0x21FD, v11;
	s11 =	sadd.s32 $0x200, s23;
	[dreg:$0x1b] =	wrdreg s9  }
0x28: {  	v12 =	vsel vm6, $0x21FE, v12;
	v13 =	vsel vm6, $0x21FF, v13;
	v14 =	vsel vm6, $0x2580, v14;
	s12 =	sadd.s32 $0x280, s23;
	[dreg:$0x1c] =	wrdreg s11  }
0x29: {  	v15 =	vsel vm6, $0x31FC, v15;
	v16 =	vsel vm6, $0x31FD, v16;
	v17 =	vsel vm6, $0x31FE, v17;
	s13 =	sadd.s32 $0x300, s23;
	[dreg:$0x1d] =	wrdreg s12  }
0x2a: {  	v18 =	vsel vm6, $0x31FF, v18;
	v19 =	vsel vm6, $0x3580, v19;
	v0 =	vsel vm0, $0x27C, v0;
	s15 =	sadd.s32 $0x380, s23;
	[dreg:$0x1e] =	wrdreg s13  }
0x2b: {  	v1 =	vsel vm0, $0x27D, v1;
	v2 =	vsel vm0, $0x27E, v2;
	v3 =	vsel vm0, $0x27F, v3;
	s17 =	sadd.s32 $0x100, s14;
	[dreg:$0x1f] =	wrdreg s15  }
0x2c: {  	v4 =	vsel vm0, $0x600, v4;
	v5 =	vsel vm0, $0x127C, v5;
	v6 =	vsel vm0, $0x127D, v6;
	s18 =	sadd.s32 $0x180, s14;
	[smem:$0x7B5] =	sst s17  }
0x2d: {  	v7 =	vsel vm0, $0x127E, v7;
	v8 =	vsel vm0, $0x127F, v8;
	v9 =	vsel vm0, $0x1600, v9;
	s19 =	sadd.s32 $0x200, s14;
	[smem:$0x7B6] =	sst s18  }
0x2e: {  	v10 =	vsel vm0, $0x227C, v10;
	v11 =	vsel vm0, $0x227D, v11;
	v12 =	vsel vm0, $0x227E, v12;
	s20 =	sadd.s32 $0x280, s14;
	[smem:$0x7B7] =	sst s19  }
0x2f: {  	v13 =	vsel vm0, $0x227F, v13;
	v14 =	vsel vm0, $0x2600, v14;
	v15 =	vsel vm0, $0x327C, v15;
	s21 =	sadd.s32 $0x300, s14;
	[smem:$0x7B8] =	sst s20  }
0x30: {  	v16 =	vsel vm0, $0x327D, v16;
	v17 =	vsel vm0, $0x327E, v17;
	v18 =	vsel vm0, $0x327F, v18;
	s6 =	sshll.u32 s6, $0x7;
	s23 =	sadd.s32 $0x380, s14;
	[smem:$0x7B9] =	sst s21  }
0x31: {  	v19 =	vsel vm0, $0x3600, v19;
	v0 =	vsel vm1, $0x2FC, v0;
	v1 =	vsel vm1, $0x2FD, v1;
	s22 =	sadd.s32 s0, s6;
	[smem:$0x7BB] =	sst s23  }
0x32: {  	v2 =	vsel vm1, $0x2FE, v2;
	v3 =	vsel vm1, $0x2FF, v3;
	v4 =	vsel vm1, $0x680, v4;
	s6 =	simm.s32 $0x4800;
	[smem:$0x7C2] =	sst s22  }
0x33: {  	v5 =	vsel vm1, $0x12FC, v5;
	v6 =	vsel vm1, $0x12FD, v6;
	v7 =	vsel vm1, $0x12FE, v7;
	s24 =	sadd.s32 $0x80, s22;
	[smem:$0x7D4] =	sst s6  }
0x34: {  	v8 =	vsel vm1, $0x12FF, v8;
	v9 =	vsel vm1, $0x1680, v9;
	v10 =	vsel vm1, $0x22FC, v10;
	s25 =	sadd.s32 $0x100, s22;
	[smem:$0x7BC] =	sst s24  }
0x35: {  	v11 =	vsel vm1, $0x22FD, v11;
	v12 =	vsel vm1, $0x22FE, v12;
	v13 =	vsel vm1, $0x22FF, v13;
	s26 =	sadd.s32 $0x180, s22;
	[smem:$0x7BD] =	sst s25  }
0x36: {  	v14 =	vsel vm1, $0x2680, v14;
	v15 =	vsel vm1, $0x32FC, v15;
	v16 =	vsel vm1, $0x32FD, v16;
	s7 =	sadd.s32 $0x200, s22;
	[smem:$0x7BE] =	sst s26  }
0x37: {  	v17 =	vsel vm1, $0x32FE, v17;
	v18 =	vsel vm1, $0x32FF, v18;
	v19 =	vsel vm1, $0x3680, v19;
	s9 =	sadd.s32 $0x280, s22;
	[smem:$0x7BF] =	sst s7  }
0x38: {  	v0 =	vsel vm2, $0x37C, v0;
	v1 =	vsel vm2, $0x37D, v1;
	v2 =	vsel vm2, $0x37E, v2;
	s10 =	sadd.s32 $0x300, s22;
	[smem:$0x7C0] =	sst s9  }
0x39: {  	s5 =	sshll.u32 s5, $0x7;
	v3 =	vsel vm2, $0x37F, v3;
	v4 =	vsel vm2, $0x700, v4;
	v5 =	vsel vm2, $0x137C, v5;
	s12 =	sadd.s32 $0x380, s22;
	[smem:$0x7C1] =	sst s10  }
0x3a: {  	s4 =	sshll.u32 s4, $0x7;
	v6 =	vsel vm2, $0x137D, v6;
	v7 =	vsel vm2, $0x137E, v7;
	v8 =	vsel vm2, $0x137F, v8;
	s11 =	sadd.s32 s0, s5;
	[smem:$0x7C3] =	sst s12  }
0x3b: {  	v9 =	vsel vm2, $0x1700, v9;
	v10 =	vsel vm2, $0x237C, v10;
	v11 =	vsel vm2, $0x237D, v11;
	s19 =	sadd.s32 s0, s4;
	[smem:$0x7CA] =	sst s11  }
0x3c: {  	v12 =	vsel vm2, $0x237E, v12;
	v13 =	vsel vm2, $0x237F, v13;
	v14 =	vsel vm2, $0x2700, v14;
	s6 =	simm.s32 $0x11000;
	[smem:$0x7D2] =	sst s19  }
0x3d: {  	v15 =	vsel vm2, $0x337C, v15;
	v16 =	vsel vm2, $0x337D, v16;
	v17 =	vsel vm2, $0x337E, v17;
	s13 =	sadd.s32 $0x80, s11;
	[smem:$0x7EA] =	sst s6  }
0x3e: {  	v18 =	vsel vm2, $0x337F, v18;
	v19 =	vsel vm2, $0x3700, v19;
	v0 =	vsel vm3, $0x3FC, v0;
	s14 =	sadd.s32 $0x100, s11;
	[smem:$0x7C4] =	sst s13  }
0x3f: {  	v1 =	vsel vm3, $0x3FD, v1;
	v2 =	vsel vm3, $0x3FE, v2;
	v3 =	vsel vm3, $0x3FF, v3;
	s15 =	sadd.s32 $0x180, s11;
	[smem:$0x7C5] =	sst s14  }
0x40: {  	v4 =	vsel vm3, $0x780, v4;
	v5 =	vsel vm3, $0x13FC, v5;
	v6 =	vsel vm3, $0x13FD, v6;
	s16 =	sadd.s32 $0x200, s11;
	[smem:$0x7C6] =	sst s15  }
0x41: {  	v7 =	vsel vm3, $0x13FE, v7;
	v8 =	vsel vm3, $0x13FF, v8;
	v9 =	vsel vm3, $0x1780, v9;
	s17 =	sadd.s32 $0x280, s11;
	[smem:$0x7C7] =	sst s16  }
0x42: {  	v10 =	vsel vm3, $0x23FC, v10;
	v11 =	vsel vm3, $0x23FD, v11;
	v12 =	vsel vm3, $0x23FE, v12;
	s18 =	sadd.s32 $0x300, s11;
	[smem:$0x7C8] =	sst s17  }
0x43: {  	v13 =	vsel vm3, $0x23FF, v13;
	v14 =	vsel vm3, $0x2780, v14;
	v15 =	vsel vm3, $0x33FC, v15;
	s20 =	sadd.s32 $0x380, s11;
	[smem:$0x7C9] =	sst s18  }
0x44: {  	v16 =	vsel vm3, $0x33FD, v16;
	v17 =	vsel vm3, $0x33FE, v17;
	v18 =	vsel vm3, $0x33FF, v18;
	s21 =	sadd.s32 $0x80, s19;
	[smem:$0x7CB] =	sst s20  }
0x45: {  	v19 =	vsel vm3, $0x3780, v19;
	v0 =	vsel vm4, $0x87C, v0;
	v1 =	vsel vm4, $0x87D, v1;
	s22 =	sadd.s32 $0x100, s19;
	[smem:$0x7CC] =	sst s21  }
0x46: {  	v2 =	vsel vm4, $0x87E, v2;
	v3 =	vsel vm4, $0x87F, v3;
	v4 =	vsel vm4, $0xC00, v4;
	s23 =	sadd.s32 $0x180, s19;
	[smem:$0x7CD] =	sst s22  }
0x47: {  	v5 =	vsel vm4, $0x187C, v5;
	v6 =	vsel vm4, $0x187D, v6;
	v7 =	vsel vm4, $0x187E, v7;
	s24 =	sadd.s32 $0x200, s19;
	[smem:$0x7CE] =	sst s23  }
0x48: {  	v8 =	vsel vm4, $0x187F, v8;
	v9 =	vsel vm4, $0x1C00, v9;
	v10 =	vsel vm4, $0x287C, v10;
	s25 =	sadd.s32 $0x280, s19;
	[smem:$0x7CF] =	sst s24  }
0x49: {  	v11 =	vsel vm4, $0x287D, v11;
	v12 =	vsel vm4, $0x287E, v12;
	v13 =	vsel vm4, $0x287F, v13;
	s26 =	sadd.s32 $0x300, s19;
	[smem:$0x7D0] =	sst s25  }
0x4a: {  	v14 =	vsel vm4, $0x2C00, v14;
	v15 =	vsel vm4, $0x387C, v15;
	v16 =	vsel vm4, $0x387D, v16;
	s5 =	sadd.s32 $0x380, s19;
	[smem:$0x7D1] =	sst s26  }
0x4b: {  	v17 =	vsel vm4, $0x387E, v17;
	v18 =	vsel vm4, $0x387F, v18;
	v19 =	vsel vm4, $0x3C00, v19;
	s7 =	simm.s32 $0x5000;
	[smem:$0x7D3] =	sst s5  }
0x4c: {  	v0 =	vsel vm5, $0x8FC, v0;
	v1 =	vsel vm5, $0x8FD, v1;
	v2 =	vsel vm5, $0x8FE, v2;
	s9 =	simm.s32 $0x6000;
	[smem:$0x7D5] =	sst s7  }
0x4d: {  	v3 =	vsel vm5, $0x8FF, v3;
	v4 =	vsel vm5, $0xC80, v4;
	v5 =	vsel vm5, $0x18FC, v5;
	s10 =	simm.s32 $0x6800;
	[smem:$0x7D7] =	sst s9  }
0x4e: {  	v6 =	vsel vm5, $0x18FD, v6;
	v7 =	vsel vm5, $0x18FE, v7;
	v8 =	vsel vm5, $0x18FF, v8;
	s11 =	simm.s32 $0x7000;
	[smem:$0x7D8] =	sst s10  }
0x4f: {  	v9 =	vsel vm5, $0x1C80, v9;
	v10 =	vsel vm5, $0x28FC, v10;
	v11 =	vsel vm5, $0x28FD, v11;
	s12 =	simm.s32 $0x7800;
	[smem:$0x7D9] =	sst s11  }
0x50: {  	v12 =	vsel vm5, $0x28FE, v12;
	v13 =	vsel vm5, $0x28FF, v13;
	v14 =	vsel vm5, $0x2C80, v14;
	s19 =	simm.s32 $0xB800;
	[smem:$0x7DA] =	sst s12  }
0x51: {  	v15 =	vsel vm5, $0x38FC, v15;
	v16 =	vsel vm5, $0x38FD, v16;
	v17 =	vsel vm5, $0x38FE, v17;
	s13 =	simm.s32 $0x8800;
	[smem:$0x7E1] =	sst s19  }
0x52: {  	v18 =	vsel vm5, $0x38FF, v18;
	v19 =	vsel vm5, $0x3C80, v19;
	v0 =	vsel vm7, $0x97C, v0;
	s14 =	simm.s32 $0x9000;
	[smem:$0x7DB] =	sst s13  }
0x53: {  	v1 =	vsel vm7, $0x97D, v1;
	v2 =	vsel vm7, $0x97E, v2;
	v3 =	vsel vm7, $0x97F, v3;
	s15 =	simm.s32 $0x9800;
	[smem:$0x7DC] =	sst s14  }
0x54: {  	v4 =	vsel vm7, $0xD00, v4;
	v5 =	vsel vm7, $0x197C, v5;
	v6 =	vsel vm7, $0x197D, v6;
	s16 =	simm.s32 $0xA000;
	[smem:$0x7DD] =	sst s15  }
0x55: {  	v7 =	vsel vm7, $0x197E, v7;
	v8 =	vsel vm7, $0x197F, v8;
	v9 =	vsel vm7, $0x1D00, v9;
	s17 =	simm.s32 $0xA800;
	[smem:$0x7DE] =	sst s16  }
0x56: {  	v10 =	vsel vm7, $0x297C, v10;
	v11 =	vsel vm7, $0x297D, v11;
	v12 =	vsel vm7, $0x297E, v12;
	s18 =	simm.s32 $0xB000;
	[smem:$0x7DF] =	sst s17  }
0x57: {  	v13 =	vsel vm7, $0x297F, v13;
	v14 =	vsel vm7, $0x2D00, v14;
	v15 =	vsel vm7, $0x397C, v15;
	s20 =	simm.s32 $0xC800;
	[smem:$0x7E0] =	sst s18  }
0x58: {  	v16 =	vsel vm7, $0x397D, v16;
	v17 =	vsel vm7, $0x397E, v17;
	v18 =	vsel vm7, $0x397F, v18;
	s21 =	simm.s32 $0xD000;
	[smem:$0x7E2] =	sst s20  }
0x59: {  	s28 =	simm.s32 $0x8;
	v19 =	vsel vm7, $0x3D00, v19;
	v0 =	vsel vm11, $0x9FC, v0;
	v1 =	vsel vm11, $0x9FD, v1;
	s22 =	simm.s32 $0xD800;
	[smem:$0x7E3] =	sst s21  }
0x5a: {  	s31 =	simm.s32 $0x5;
	v2 =	vsel vm11, $0x9FE, v2;
	v3 =	vsel vm11, $0x9FF, v3;
	v4 =	vsel vm11, $0xD80, v4;
	s23 =	simm.s32 $0xE000;
	[smem:$0x7E4] =	sst s22  }
0x5b: {  	s29 =	simm.s32 $0x3000;
	v5 =	vsel vm11, $0x19FC, v5;
	v6 =	vsel vm11, $0x19FD, v6;
	v7 =	vsel vm11, $0x19FE, v7;
	s24 =	simm.s32 $0xE800;
	[smem:$0x7E5] =	sst s23  }
0x5c: {  	s30 =	simm.s32 $0x3800;
	v8 =	vsel vm11, $0x19FF, v8;
	v9 =	vsel vm11, $0x1D80, v9;
	v10 =	vsel vm11, $0x29FC, v10;
	s25 =	simm.s32 $0xF000;
	[smem:$0x7E6] =	sst s24  }
0x5d: {  	s1 =	ssub.s32 $0x2, s1;
	v11 =	vsel vm11, $0x29FD, v11;
	v12 =	vsel vm11, $0x29FE, v12;
	v13 =	vsel vm11, $0x29FF, v13;
	s26 =	simm.s32 $0xF800;
	[smem:$0x7E7] =	sst s25  }
0x5e: {  	s3 =	sshll.u32 s3, $0x7;
	v14 =	vsel vm11, $0x2D80, v14;
	v15 =	vsel vm11, $0x39FC, v15;
	v16 =	vsel vm11, $0x39FD, v16;
	s5 =	simm.s32 $0x10800;
	[smem:$0x7E8] =	sst s26  }
0x5f: {  	s8 =	sshrl.u32 s1, $0x1;
	v17 =	vsel vm11, $0x39FE, v17;
	v18 =	vsel vm11, $0x39FF, v18;
	v19 =	vsel vm11, $0x3D80, v19;
	s7 =	simm.s32 $0x11800;
	[smem:$0x7E9] =	sst s5  }
0x60: {  	s1 =	ssub.s32 s1, s8;
	v0 =	vsel vm12, $0xA7C, v0;
	v1 =	vsel vm12, $0xA7D, v1;
	v2 =	vsel vm12, $0xA7E, v2;
	s9 =	simm.s32 $0x12000;
	[smem:$0x7EB] =	sst s7  }
0x61: {  	s4 =	simm.s32 $0xA;
	v3 =	vsel vm12, $0xA7F, v3;
	v4 =	vsel vm12, $0xE00, v4;
	v5 =	vsel vm12, $0x1A7C, v5;
	s10 =	simm.s32 $0x12800;
	[smem:$0x7EC] =	sst s9  }
0x62: {  	s6 =	simm.s32 $0xC;
	v6 =	vsel vm12, $0x1A7D, v6;
	v7 =	vsel vm12, $0x1A7E, v7;
	v8 =	vsel vm12, $0x1A7F, v8;
	s11 =	simm.s32 $0x13000;
	[smem:$0x7ED] =	sst s10  }
0x63: {  	v9 =	vsel vm12, $0x1E00, v9;
	v10 =	vsel vm12, $0x2A7C, v10;
	v11 =	vsel vm12, $0x2A7D, v11;
	s12 =	simm.s32 $0x13800;
	s19 =	simm.s32 $0x17800;
	[smem:$0x7EE] =	sst s11  }
0x64: {  	v12 =	vsel vm12, $0x2A7E, v12;
	v13 =	vsel vm12, $0x2A7F, v13;
	v14 =	vsel vm12, $0x2E00, v14;
	s10 =	sadd.s32 s0, s3;
	s11 =	smax.u32 s1, $0x1;
	[smem:$0x7EF] =	sst s12  }
0x65: {  	v15 =	vsel vm12, $0x3A7C, v15;
	v16 =	vsel vm12, $0x3A7D, v16;
	v17 =	vsel vm12, $0x3A7E, v17;
	s13 =	simm.s32 $0x14800;
	s14 =	simm.s32 $0x15000;
	[smem:$0x7F6] =	sst s19  }
0x66: {  	v18 =	vsel vm12, $0x3A7F, v18;
	v19 =	vsel vm12, $0x3E00, v19;
	v0 =	vsel vm13, $0xAFC, v0;
	s15 =	simm.s32 $0x15800;
	s16 =	simm.s32 $0x16000;
	[smem:$0x7F0] =	sst s13  }
0x67: {  	v1 =	vsel vm13, $0xAFD, v1;
	v2 =	vsel vm13, $0xAFE, v2;
	v3 =	vsel vm13, $0xAFF, v3;
	s17 =	simm.s32 $0x16800;
	s18 =	simm.s32 $0x17000;
	[smem:$0x7F1] =	sst s14  }
0x68: {  	v4 =	vsel vm13, $0xE80, v4;
	v5 =	vsel vm13, $0x1AFC, v5;
	v6 =	vsel vm13, $0x1AFD, v6;
	s20 =	simm.s32 $0x18800;
	s19 =	simm.s32 $0x4000;
	[smem:$0x7F2] =	sst s15  }
0x69: {  	v7 =	vsel vm13, $0x1AFE, v7;
	v8 =	vsel vm13, $0x1AFF, v8;
	v9 =	vsel vm13, $0x1E80, v9;
	s21 =	simm.s32 $0x19000;
	s22 =	simm.s32 $0x19800;
	[smem:$0x7F3] =	sst s16  }
0x6a: {  	v10 =	vsel vm13, $0x2AFC, v10;
	v11 =	vsel vm13, $0x2AFD, v11;
	v12 =	vsel vm13, $0x2AFE, v12;
	s23 =	simm.s32 $0x1A000;
	s24 =	simm.s32 $0x1A800;
	[smem:$0x7F4] =	sst s17  }
0x6b: {  	v13 =	vsel vm13, $0x2AFF, v13;
	v14 =	vsel vm13, $0x2E80, v14;
	v15 =	vsel vm13, $0x3AFC, v15;
	s25 =	simm.s32 $0x1B000;
	s26 =	simm.s32 $0x1B800;
	[smem:$0x7F5] =	sst s18  }
0x6c: {  	v16 =	vsel vm13, $0x3AFD, v16;
	s0 =	simm.s32 $0x6;
	s1 =	simm.s32 $0x7;
	v17 =	vsel vm13, $0x3AFE, v17;
	v18 =	vsel vm13, $0x3AFF, v18;
	[smem:$0x7F7] =	sst s20  }
0x6d: {  	v19 =	vsel vm13, $0x3E80, v19;
	s3 =	simm.s32 $0x9;
	s5 =	simm.s32 $0xB;
	v0 =	vsel vm14, $0xB7C, v0;
	v1 =	vsel vm14, $0xB7D, v1;
	[smem:$0x7F8] =	sst s21  }
0x6e: {  	s7 =	simm.s32 $0xD;
	s12 =	simm.s32 $0xE;
	v2 =	vsel vm14, $0xB7E, v2;
	v3 =	vsel vm14, $0xB7F, v3;
	v4 =	vsel vm14, $0xF00, v4;
	[smem:$0x7F9] =	sst s22  }
0x6f: {  	s9 =	simm.s32 $0x1800;
	v5 =	vsel vm14, $0x1B7C, v5;
	v6 =	vsel vm14, $0x1B7D, v6;
	v7 =	vsel vm14, $0x1B7E, v7;
	s20 =	simm.s32 $0x8000;
	[smem:$0x7FA] =	sst s23  }
0x70: {  	v8 =	vsel vm14, $0x1B7F, v8;
	v9 =	vsel vm14, $0x1F00, v9;
	v10 =	vsel vm14, $0x2B7C, v10;
	s21 =	simm.s32 $0xC000;
	s22 =	simm.s32 $0x10000;
	[smem:$0x7FB] =	sst s24  }
0x71: {  	v11 =	vsel vm14, $0x2B7D, v11;
	v12 =	vsel vm14, $0x2B7E, v12;
	v13 =	vsel vm14, $0x2B7F, v13;
	s23 =	simm.s32 $0x14000;
	s24 =	simm.s32 $0x18000;
	[smem:$0x7FC] =	sst s25  }
0x72: {  	v14 =	vsel vm14, $0x2F00, v14;
	v15 =	vsel vm14, $0x3B7C, v15;
	v16 =	vsel vm14, $0x3B7D, v16;
	[smem:$0x7FD] =	sst s26;
	s25 =	simm.s32 $0x1;
	s16 =	simm.s32 $0x800  }
0x73: {  	v17 =	vsel vm14, $0x3B7E, v17;
	v18 =	vsel vm14, $0x3B7F, v18;
	v19 =	vsel vm14, $0x3F00, v19;
	s17 =	simm.s32 $0x1000;
	s18 =	simm.s32 $0x2000;
	s26 =	simm.s32 $0x2800  }
.LBB2_1:
0x74: {  	s13 =	sld [smem:$0x7B1]  }
0x75: {  	s8 =	rddreg [dreg:$0xb]  }
0x76: {  	s14 =	rddreg [dreg:$0xc]  }
0x77: {  	[tilespmem:s2], [sflag:$0x1] =	stream.linear.gather [hbm4b:s13+s2], $0x400, $0x38;
	[tilespmem:$0x1C000] =	vst v63  }
0x78: {  	s15 =	rddreg [dreg:$0xd]  }
0x79: {  	[tilespmem:s16], [sflag:$0x1] =	stream.linear.gather [hbm4b:s8+s2], $0x400, $0x38;
	[tilespmem:$0x1C000] =	vst v63  }
0x7a: {  	s13 =	rddreg [dreg:$0x12]  }
0x7b: {  	[tilespmem:s17], [sflag:$0x1] =	stream.linear.gather [hbm4b:s14+s2], $0x400, $0x38;
	[tilespmem:$0x1C000] =	vst v63  }
0x7c: {  	s14 =	rddreg [dreg:$0xe]  }
0x7d: {  	[tilespmem:s9], [sflag:$0x1] =	stream.linear.gather [hbm4b:s15+s2], $0x400, $0x38;
	[tilespmem:$0x1C000] =	vst v63  }
0x7e: {  	s15 =	rddreg [dreg:$0xf]  }
0x7f: {  	[tilespmem:s18], [sflag:$0x1] =	stream.linear.gather [hbm4b:s14+s2], $0x400, $0x38;
	[tilespmem:$0x1C000] =	vst v63  }
0x80: {  	s14 =	rddreg [dreg:$0x10]  }
0x81: {  	[tilespmem:s26], [sflag:$0x1] =	stream.linear.gather [hbm4b:s15+s2], $0x400, $0x38;
	[tilespmem:$0x1C000] =	vst v63  }
0x82: {  	s15 =	rddreg [dreg:$0x11]  }
0x83: {  	[tilespmem:s29], [sflag:$0x1] =	stream.linear.gather [hbm4b:s14+s2], $0x400, $0x38;
	[tilespmem:$0x1C000] =	vst v63  }
0x84: {  	s14 =	sld [smem:$0x7B2]  }
0x85: {  	[tilespmem:s30], [sflag:$0x1] =	stream.linear.gather [hbm4b:s15+s2], $0x400, $0x38;
	[tilespmem:$0x1C000] =	vst v63  }
0x86: {  	s15 =	sld [smem:$0x7D4]  }
0x87: {  	[tilespmem:s19], [sflag:$0x2] =	stream.linear.gather [hbm4b:s14+s2], $0x400, $0x38;
	[tilespmem:$0x1C000] =	vst v63  }
0x88: {  	s8 =	rddreg [dreg:$0x13]  }
0x89: {  	[tilespmem:s15], [sflag:$0x2] =	stream.linear.gather [hbm4b:s13+s2], $0x400, $0x38;
	[tilespmem:$0x1C000] =	vst v63  }
0x8a: {  	s13 =	sld [smem:$0x7D5]  }
0x8b: {  	s14 =	rddreg [dreg:$0x14]  }
0x8c: {  	s15 =	sld [smem:$0x7D6]  }
0x8d: {  	[tilespmem:s13], [sflag:$0x2] =	stream.linear.gather [hbm4b:s8+s2], $0x400, $0x38;
	[tilespmem:$0x1C000] =	vst v63  }
0x8e: {  	s8 =	rddreg [dreg:$0x15]  }
0x8f: {  	s13 =	sld [smem:$0x7D7]  }
0x90: {  	[tilespmem:s15], [sflag:$0x2] =	stream.linear.gather [hbm4b:s14+s2], $0x400, $0x38;
	[tilespmem:$0x1C000] =	vst v63  }
0x91: {  	s14 =	rddreg [dreg:$0x16]  }
0x92: {  	s15 =	sld [smem:$0x7D8]  }
0x93: {  	[tilespmem:s13], [sflag:$0x2] =	stream.linear.gather [hbm4b:s8+s2], $0x400, $0x38;
	[tilespmem:$0x1C000] =	vst v63  }
0x94: {  	s8 =	rddreg [dreg:$0x17]  }
0x95: {  	s13 =	sld [smem:$0x7D9]  }
0x96: {  	[tilespmem:s15], [sflag:$0x2] =	stream.linear.gather [hbm4b:s14+s2], $0x400, $0x38;
	[tilespmem:$0x1C000] =	vst v63  }
0x97: {  	s15 =	sld [smem:$0x7DA]  }
0x98: {  	[tilespmem:s13], [sflag:$0x2] =	stream.linear.gather [hbm4b:s8+s2], $0x400, $0x38;
	[tilespmem:$0x1C000] =	vst v63  }
0x99: {  	s14 =	rddreg [dreg:$0x18]  }
0x9a: {  	[tilespmem:s15], [sflag:$0x2] =	stream.linear.gather [hbm4b:s14+s2], $0x400, $0x38;
	[tilespmem:$0x1C000] =	vst v63  }
0x9b: {  	s15 =	sld [smem:$0x7B3]  }
0x9c: {  	s8 =	rddreg [dreg:$0x19]  }
0x9d: {  	s13 =	sld [smem:$0x7DB]  }
0x9e: {  	[tilespmem:s20], [sflag:$0x3] =	stream.linear.gather [hbm4b:s15+s2], $0x400, $0x38;
	[tilespmem:$0x1C000] =	vst v63  }
0x9f: {  	s14 =	rddreg [dreg:$0x1b]  }
0xa0: {  	[tilespmem:s13], [sflag:$0x3] =	stream.linear.gather [hbm4b:s8+s2], $0x400, $0x38;
	[tilespmem:$0x1C000] =	vst v63  }
0xa1: {  	s13 =	sld [smem:$0x7DC]  }
0xa2: {  	s15 =	sld [smem:$0x7DD]  }
0xa3: {  	s8 =	rddreg [dreg:$0x1a]  }
0xa4: {  	[tilespmem:s13], [sflag:$0x3] =	stream.linear.gather [hbm4b:s8+s2], $0x400, $0x38;
	[tilespmem:$0x1C000] =	vst v63  }
0xa5: {  	s8 =	rddreg [dreg:$0x1c]  }
0xa6: {  	s13 =	sld [smem:$0x7DE]  }
0xa7: {  	[tilespmem:s15], [sflag:$0x3] =	stream.linear.gather [hbm4b:s14+s2], $0x400, $0x38;
	[tilespmem:$0x1C000] =	vst v63  }
0xa8: {  	s14 =	rddreg [dreg:$0x1d]  }
0xa9: {  	s15 =	sld [smem:$0x7DF]  }
0xaa: {  	[tilespmem:s13], [sflag:$0x3] =	stream.linear.gather [hbm4b:s8+s2], $0x400, $0x38;
	[tilespmem:$0x1C000] =	vst v63  }
0xab: {  	s8 =	rddreg [dreg:$0x1e]  }
0xac: {  	s13 =	sld [smem:$0x7E0]  }
0xad: {  	[tilespmem:s15], [sflag:$0x3] =	stream.linear.gather [hbm4b:s14+s2], $0x400, $0x38;
	[tilespmem:$0x1C000] =	vst v63  }
0xae: {  	s15 =	sld [smem:$0x7E1]  }
0xaf: {  	[tilespmem:s13], [sflag:$0x3] =	stream.linear.gather [hbm4b:s8+s2], $0x400, $0x38;
	[tilespmem:$0x1C000] =	vst v63  }
0xb0: {  	s14 =	rddreg [dreg:$0x1f]  }
0xb1: {  	[tilespmem:s15], [sflag:$0x3] =	stream.linear.gather [hbm4b:s14+s2], $0x400, $0x38;
	[tilespmem:$0x1C000] =	vst v63  }
0xb2: {  	s15 =	sld [smem:$0x7BA]  }
0xb3: {  	s8 =	sld [smem:$0x7B4]  }
0xb4: {  	s13 =	sld [smem:$0x7E2]  }
0xb5: {  	[tilespmem:s21], [sflag:$0x4] =	stream.linear.gather [hbm4b:s15+s2], $0x400, $0x38;
	[tilespmem:$0x1C000] =	vst v63  }
0xb6: {  	_ = 	snop  }
0xb7: {  	[tilespmem:s13], [sflag:$0x4] =	stream.linear.gather [hbm4b:s8+s2], $0x400, $0x38;
	[tilespmem:$0x1C000] =	vst v63  }
0xb8: {  	s8 =	sld [smem:$0x7B5]  }
0xb9: {  	s13 =	sld [smem:$0x7E3]  }
0xba: {  	s14 =	sld [smem:$0x7B6]  }
0xbb: {  	s15 =	sld [smem:$0x7E4]  }
0xbc: {  	[tilespmem:s13], [sflag:$0x4] =	stream.linear.gather [hbm4b:s8+s2], $0x400, $0x38;
	[tilespmem:$0x1C000] =	vst v63  }
0xbd: {  	s8 =	sld [smem:$0x7B7]  }
0xbe: {  	s13 =	sld [smem:$0x7E5]  }
0xbf: {  	[tilespmem:s15], [sflag:$0x4] =	stream.linear.gather [hbm4b:s14+s2], $0x400, $0x38;
	[tilespmem:$0x1C000] =	vst v63  }
0xc0: {  	s14 =	sld [smem:$0x7B8]  }
0xc1: {  	s15 =	sld [smem:$0x7E6]  }
0xc2: {  	[tilespmem:s13], [sflag:$0x4] =	stream.linear.gather [hbm4b:s8+s2], $0x400, $0x38;
	[tilespmem:$0x1C000] =	vst v63  }
0xc3: {  	s8 =	sld [smem:$0x7B9]  }
0xc4: {  	s13 =	sld [smem:$0x7E7]  }
0xc5: {  	[tilespmem:s15], [sflag:$0x4] =	stream.linear.gather [hbm4b:s14+s2], $0x400, $0x38;
	[tilespmem:$0x1C000] =	vst v63  }
0xc6: {  	s14 =	sld [smem:$0x7BB]  }
0xc7: {  	s15 =	sld [smem:$0x7E8]  }
0xc8: {  	[tilespmem:s13], [sflag:$0x4] =	stream.linear.gather [hbm4b:s8+s2], $0x400, $0x38;
	[tilespmem:$0x1C000] =	vst v63  }
0xc9: {  	_ = 	snop  }
0xca: {  	[tilespmem:s15], [sflag:$0x4] =	stream.linear.gather [hbm4b:s14+s2], $0x400, $0x38;
	[tilespmem:$0x1C000] =	vst v63  }
0xcb: {  	s15 =	sld [smem:$0x7C2]  }
0xcc: {  	s8 =	sld [smem:$0x7BC]  }
0xcd: {  	s13 =	sld [smem:$0x7E9]  }
0xce: {  	[tilespmem:s22], [sflag:$0x5] =	stream.linear.gather [hbm4b:s15+s2], $0x400, $0x38;
	[tilespmem:$0x1C000] =	vst v63  }
0xcf: {  	_ = 	snop  }
0xd0: {  	[tilespmem:s13], [sflag:$0x5] =	stream.linear.gather [hbm4b:s8+s2], $0x400, $0x38;
	[tilespmem:$0x1C000] =	vst v63  }
0xd1: {  	s8 =	sld [smem:$0x7BD]  }
0xd2: {  	s13 =	sld [smem:$0x7EA]  }
0xd3: {  	s14 =	sld [smem:$0x7BE]  }
0xd4: {  	s15 =	sld [smem:$0x7EB]  }
0xd5: {  	[tilespmem:s13], [sflag:$0x5] =	stream.linear.gather [hbm4b:s8+s2], $0x400, $0x38;
	[tilespmem:$0x1C000] =	vst v63  }
0xd6: {  	s8 =	sld [smem:$0x7BF]  }
0xd7: {  	s13 =	sld [smem:$0x7EC]  }
0xd8: {  	[tilespmem:s15], [sflag:$0x5] =	stream.linear.gather [hbm4b:s14+s2], $0x400, $0x38;
	[tilespmem:$0x1C000] =	vst v63  }
0xd9: {  	s14 =	sld [smem:$0x7C0]  }
0xda: {  	s15 =	sld [smem:$0x7ED]  }
0xdb: {  	[tilespmem:s13], [sflag:$0x5] =	stream.linear.gather [hbm4b:s8+s2], $0x400, $0x38;
	[tilespmem:$0x1C000] =	vst v63  }
0xdc: {  	s8 =	sld [smem:$0x7C1]  }
0xdd: {  	s13 =	sld [smem:$0x7EE]  }
0xde: {  	[tilespmem:s15], [sflag:$0x5] =	stream.linear.gather [hbm4b:s14+s2], $0x400, $0x38;
	[tilespmem:$0x1C000] =	vst v63  }
0xdf: {  	s14 =	sld [smem:$0x7C3]  }
0xe0: {  	s15 =	sld [smem:$0x7EF]  }
0xe1: {  	[tilespmem:s13], [sflag:$0x5] =	stream.linear.gather [hbm4b:s8+s2], $0x400, $0x38;
	[tilespmem:$0x1C000] =	vst v63  }
0xe2: {  	_ = 	snop  }
0xe3: {  	[tilespmem:s15], [sflag:$0x5] =	stream.linear.gather [hbm4b:s14+s2], $0x400, $0x38;
	[tilespmem:$0x1C000] =	vst v63  }
0xe4: {  	s15 =	sld [smem:$0x7CA]  }
0xe5: {  	s8 =	sld [smem:$0x7C4]  }
0xe6: {  	s13 =	sld [smem:$0x7F0]  }
0xe7: {  	[tilespmem:s23], [sflag:$0x6] =	stream.linear.gather [hbm4b:s15+s2], $0x400, $0x38;
	[tilespmem:$0x1C000] =	vst v63  }
0xe8: {  	_ = 	snop  }
0xe9: {  	[tilespmem:s13], [sflag:$0x6] =	stream.linear.gather [hbm4b:s8+s2], $0x400, $0x38;
	[tilespmem:$0x1C000] =	vst v63  }
0xea: {  	s8 =	sld [smem:$0x7C5]  }
0xeb: {  	s13 =	sld [smem:$0x7F1]  }
0xec: {  	s14 =	sld [smem:$0x7C6]  }
0xed: {  	s15 =	sld [smem:$0x7F2]  }
0xee: {  	[tilespmem:s13], [sflag:$0x6] =	stream.linear.gather [hbm4b:s8+s2], $0x400, $0x38;
	[tilespmem:$0x1C000] =	vst v63  }
0xef: {  	s8 =	sld [smem:$0x7C7]  }
0xf0: {  	s13 =	sld [smem:$0x7F3]  }
0xf1: {  	[tilespmem:s15], [sflag:$0x6] =	stream.linear.gather [hbm4b:s14+s2], $0x400, $0x38;
	[tilespmem:$0x1C000] =	vst v63  }
0xf2: {  	s14 =	sld [smem:$0x7C8]  }
0xf3: {  	s15 =	sld [smem:$0x7F4]  }
0xf4: {  	[tilespmem:s13], [sflag:$0x6] =	stream.linear.gather [hbm4b:s8+s2], $0x400, $0x38;
	[tilespmem:$0x1C000] =	vst v63  }
0xf5: {  	s8 =	sld [smem:$0x7C9]  }
0xf6: {  	[tilespmem:s15], [sflag:$0x6] =	stream.linear.gather [hbm4b:s14+s2], $0x400, $0x38;
	[tilespmem:$0x1C000] =	vst v63  }
0xf7: {  	s13 =	sld [smem:$0x7F5]  }
0xf8: {  	s14 =	sld [smem:$0x7CB]  }
0xf9: {  	s15 =	sld [smem:$0x7F6]  }
0xfa: {  	[tilespmem:s13], [sflag:$0x6] =	stream.linear.gather [hbm4b:s8+s2], $0x400, $0x38;
	[tilespmem:$0x1C000] =	vst v63  }
0xfb: {  	_ = 	snop  }
0xfc: {  	[tilespmem:s15], [sflag:$0x6] =	stream.linear.gather [hbm4b:s14+s2], $0x400, $0x38;
	[tilespmem:$0x1C000] =	vst v63  }
0xfd: {  	s15 =	sld [smem:$0x7D2]  }
0xfe: {  	s8 =	sld [smem:$0x7CC]  }
0xff: {  	s13 =	sld [smem:$0x7F7]  }
0x100: {  	[tilespmem:s24], [sflag:$0x7] =	stream.linear.gather [hbm4b:s15+s2], $0x400, $0x38;
	[tilespmem:$0x1C000] =	vst v63  }
0x101: {  	_ = 	snop  }
0x102: {  	[tilespmem:s13], [sflag:$0x7] =	stream.linear.gather [hbm4b:s8+s2], $0x400, $0x38;
	[tilespmem:$0x1C000] =	vst v63  }
0x103: {  	s8 =	sld [smem:$0x7CD]  }
0x104: {  	s13 =	sld [smem:$0x7F8]  }
0x105: {  	s14 =	sld [smem:$0x7CE]  }
0x106: {  	s15 =	sld [smem:$0x7F9]  }
0x107: {  	[tilespmem:s13], [sflag:$0x7] =	stream.linear.gather [hbm4b:s8+s2], $0x400, $0x38;
	[tilespmem:$0x1C000] =	vst v63  }
0x108: {  	s8 =	sld [smem:$0x7CF]  }
0x109: {  	s13 =	sld [smem:$0x7FA]  }
0x10a: {  	[tilespmem:s15], [sflag:$0x7] =	stream.linear.gather [hbm4b:s14+s2], $0x400, $0x38;
	[tilespmem:$0x1C000] =	vst v63  }
0x10b: {  	s14 =	sld [smem:$0x7D0]  }
0x10c: {  	s15 =	sld [smem:$0x7FB]  }
0x10d: {  	[tilespmem:s13], [sflag:$0x7] =	stream.linear.gather [hbm4b:s8+s2], $0x400, $0x38;
	[tilespmem:$0x1C000] =	vst v63  }
0x10e: {  	s8 =	sld [smem:$0x7D1]  }
0x10f: {  	s13 =	sld [smem:$0x7FC]  }
0x110: {  	[tilespmem:s15], [sflag:$0x7] =	stream.linear.gather [hbm4b:s14+s2], $0x400, $0x38;
	[tilespmem:$0x1C000] =	vst v63  }
0x111: {  	s14 =	sld [smem:$0x7D3]  }
0x112: {  	s15 =	sld [smem:$0x7FD]  }
0x113: {  	[tilespmem:s13], [sflag:$0x7] =	stream.linear.gather [hbm4b:s8+s2], $0x400, $0x38;
	[tilespmem:$0x1C000] =	vst v63  }
0x114: {  	_ = 	snop  }
0x115: {  	[tilespmem:s15], [sflag:$0x7] =	stream.linear.gather [hbm4b:s14+s2], $0x400, $0x38;
	[tilespmem:$0x1C000] =	vst v63  }
0x116: {  	_ =	swait.ge [sflag:s25], $0x2000  }
0x117: {  	[sflag:s25] =	ssyncset.done $0x0  }
0x118: {  	[sflag:s25] =	ssyncadd.s32 $0xFFFFE000  }
0x119: {  	v20 =	vld.idx.msk [tilespmem:v1+s2+$0x0], $0xffff  }
0x11a: {  	v21 =	vld.idx.msk [tilespmem:v2+s2+$0x0], $0xffff  }
0x11b: {  	v22 =	vld.idx.msk [tilespmem:v0+s2+$0x0], $0xffff  }
0x11c: {  	v23 =	vld.idx.msk [tilespmem:v3+s2+$0x0], $0xffff;
	_ =	sdelay $0x2  }
0x11d: {  	v24 =	vadd.f32 v21, v20  }
0x11e: {  	v22 =	vadd.f32 v20, v22  }
0x11f: {  	v24 =	vadd.f32 v23, v24  }
0x120: {  	v21 =	vadd.f32 v23, v21;
	(erf) = vrcp.f32 v22  }
0x121: {  	(erf) = vrcp.f32 v24  }
0x122: {  	(erf) = vrcp.f32 v21;
	_ =	sdelay $0x6  }
0x123: {  	v42 =	vpop (erf)  }
0x124: {  	v21 =	vmul.f32 v42, v20;
	v43 =	vpop (erf)  }
0x125: {  	v20 =	vmul.f32 v43, v20;
	v44 =	vpop (erf)  }
0x126: {  	[tilespmem:v2+s2+$0x0] =	vst.idx.msk $0xffff, v21;
	v22 =	vmul.f32 v44, v23  }
0x127: {  	[tilespmem:v3+s2+$0x0] =	vst.idx.msk $0xffff, v20  }
0x128: {  	[tilespmem:v4+s2+$0x0] =	vst.idx.msk $0xffff, v22  }
0x129: {  	v20 =	vld.idx.msk [tilespmem:v6+s2+$0x0], $0xffff  }
0x12a: {  	v21 =	vld.idx.msk [tilespmem:v7+s2+$0x0], $0xffff  }
0x12b: {  	v22 =	vld.idx.msk [tilespmem:v5+s2+$0x0], $0xffff  }
0x12c: {  	v45 =	vld.idx.msk [tilespmem:v8+s2+$0x0], $0xffff;
	_ =	sdelay $0x2  }
0x12d: {  	v46 =	vadd.f32 v21, v20  }
0x12e: {  	v22 =	vadd.f32 v20, v22  }
0x12f: {  	v24 =	vadd.f32 v45, v46  }
0x130: {  	v21 =	vadd.f32 v45, v21;
	(erf) = vrcp.f32 v22  }
0x131: {  	(erf) = vrcp.f32 v24  }
0x132: {  	(erf) = vrcp.f32 v21;
	_ =	sdelay $0x6  }
0x133: {  	v47 =	vpop (erf)  }
0x134: {  	v21 =	vmul.f32 v47, v20;
	v48 =	vpop (erf)  }
0x135: {  	v20 =	vmul.f32 v48, v20;
	v49 =	vpop (erf)  }
0x136: {  	[tilespmem:v7+s2+$0x0] =	vst.idx.msk $0xffff, v21;
	v22 =	vmul.f32 v49, v45  }
0x137: {  	[tilespmem:v8+s2+$0x0] =	vst.idx.msk $0xffff, v20  }
0x138: {  	[tilespmem:v9+s2+$0x0] =	vst.idx.msk $0xffff, v22  }
0x139: {  	v20 =	vld.idx.msk [tilespmem:v11+s2+$0x0], $0xffff  }
0x13a: {  	v21 =	vld.idx.msk [tilespmem:v12+s2+$0x0], $0xffff  }
0x13b: {  	v22 =	vld.idx.msk [tilespmem:v10+s2+$0x0], $0xffff  }
0x13c: {  	v50 =	vld.idx.msk [tilespmem:v13+s2+$0x0], $0xffff;
	_ =	sdelay $0x2  }
0x13d: {  	v51 =	vadd.f32 v21, v20  }
0x13e: {  	v22 =	vadd.f32 v20, v22  }
0x13f: {  	v24 =	vadd.f32 v50, v51  }
0x140: {  	v21 =	vadd.f32 v50, v21;
	(erf) = vrcp.f32 v22  }
0x141: {  	(erf) = vrcp.f32 v24  }
0x142: {  	(erf) = vrcp.f32 v21;
	_ =	sdelay $0x6  }
0x143: {  	v52 =	vpop (erf)  }
0x144: {  	v21 =	vmul.f32 v52, v20;
	v53 =	vpop (erf)  }
0x145: {  	v20 =	vmul.f32 v53, v20;
	v54 =	vpop (erf)  }
0x146: {  	[tilespmem:v12+s2+$0x0] =	vst.idx.msk $0xffff, v21;
	v22 =	vmul.f32 v54, v50  }
0x147: {  	[tilespmem:v13+s2+$0x0] =	vst.idx.msk $0xffff, v20  }
0x148: {  	[tilespmem:v14+s2+$0x0] =	vst.idx.msk $0xffff, v22  }
0x149: {  	v20 =	vld.idx.msk [tilespmem:v16+s2+$0x0], $0xffff  }
0x14a: {  	v21 =	vld.idx.msk [tilespmem:v17+s2+$0x0], $0xffff  }
0x14b: {  	v22 =	vld.idx.msk [tilespmem:v15+s2+$0x0], $0xffff  }
0x14c: {  	v55 =	vld.idx.msk [tilespmem:v18+s2+$0x0], $0xffff;
	_ =	sdelay $0x2  }
0x14d: {  	v56 =	vadd.f32 v21, v20  }
0x14e: {  	v22 =	vadd.f32 v20, v22  }
0x14f: {  	v24 =	vadd.f32 v55, v56  }
0x150: {  	v21 =	vadd.f32 v55, v21;
	(erf) = vrcp.f32 v22  }
0x151: {  	(erf) = vrcp.f32 v24  }
0x152: {  	(erf) = vrcp.f32 v21;
	_ =	sdelay $0x6  }
0x153: {  	v57 =	vpop (erf)  }
0x154: {  	v21 =	vmul.f32 v57, v20;
	v58 =	vpop (erf)  }
0x155: {  	v20 =	vmul.f32 v58, v20;
	v59 =	vpop (erf)  }
0x156: {  	[tilespmem:v17+s2+$0x0] =	vst.idx.msk $0xffff, v21;
	v22 =	vmul.f32 v59, v55  }
0x157: {  	[tilespmem:v18+s2+$0x0] =	vst.idx.msk $0xffff, v20  }
0x158: {  	[tilespmem:v19+s2+$0x0] =	vst.idx.msk $0xffff, v22  }
0x159: {  	[bflag:$0x0] =	sbarrier.arrive $0xFFFF  }
0x15a: {  	s14 =	simm.s32 $0x2;
	s13 =	rddreg [dreg:$0x3]  }
0x15b: {  	[hbm4b:s13+s2] =	stream.linear.scatter [tilespmem:s2], [sflag:$0x8], $0x4000, $0x38;
	[tilespmem:$0x1C000] =	vst v63  }
0x15c: {  	_ =	swait.ge [sflag:s14], $0x2000  }
0x15d: {  	[sflag:s14] =	ssyncset.done $0x0  }
0x15e: {  	[sflag:s14] =	ssyncadd.s32 $0xFFFFE000  }
0x15f: {  	v20 =	vld.idx.msk [tilespmem:v1+s19+$0x0], $0xffff  }
0x160: {  	v60 =	vld.idx.msk [tilespmem:v2+s19+$0x0], $0xffff  }
0x161: {  	v61 =	vld.idx.msk [tilespmem:v0+s19+$0x0], $0xffff  }
0x162: {  	v62 =	vld.idx.msk [tilespmem:v3+s19+$0x0], $0xffff;
	_ =	sdelay $0x2  }
0x163: {  	v63 =	vadd.f32 v60, v20  }
0x164: {  	v22 =	vadd.f32 v20, v61  }
0x165: {  	v24 =	vadd.f32 v62, v63  }
0x166: {  	v21 =	vadd.f32 v62, v60;
	(erf) = vrcp.f32 v22  }
0x167: {  	(erf) = vrcp.f32 v24  }
0x168: {  	(erf) = vrcp.f32 v21;
	_ =	sdelay $0x6  }
0x169: {  	v27 =	vpop (erf)  }
0x16a: {  	v21 =	vmul.f32 v27, v20;
	v28 =	vpop (erf)  }
0x16b: {  	v20 =	vmul.f32 v28, v20;
	v29 =	vpop (erf)  }
0x16c: {  	[tilespmem:v2+s19+$0x0] =	vst.idx.msk $0xffff, v21;
	v22 =	vmul.f32 v29, v62  }
0x16d: {  	[tilespmem:v3+s19+$0x0] =	vst.idx.msk $0xffff, v20  }
0x16e: {  	[tilespmem:v4+s19+$0x0] =	vst.idx.msk $0xffff, v22  }
0x16f: {  	v20 =	vld.idx.msk [tilespmem:v6+s19+$0x0], $0xffff  }
0x170: {  	v21 =	vld.idx.msk [tilespmem:v7+s19+$0x0], $0xffff  }
0x171: {  	v22 =	vld.idx.msk [tilespmem:v5+s19+$0x0], $0xffff  }
0x172: {  	v30 =	vld.idx.msk [tilespmem:v8+s19+$0x0], $0xffff;
	_ =	sdelay $0x2  }
0x173: {  	v31 =	vadd.f32 v21, v20  }
0x174: {  	v22 =	vadd.f32 v20, v22  }
0x175: {  	v24 =	vadd.f32 v30, v31  }
0x176: {  	v21 =	vadd.f32 v30, v21;
	(erf) = vrcp.f32 v22  }
0x177: {  	(erf) = vrcp.f32 v24  }
0x178: {  	(erf) = vrcp.f32 v21;
	_ =	sdelay $0x6  }
0x179: {  	v32 =	vpop (erf)  }
0x17a: {  	v21 =	vmul.f32 v32, v20;
	v33 =	vpop (erf)  }
0x17b: {  	v20 =	vmul.f32 v33, v20;
	v34 =	vpop (erf)  }
0x17c: {  	[tilespmem:v7+s19+$0x0] =	vst.idx.msk $0xffff, v21;
	v22 =	vmul.f32 v34, v30  }
0x17d: {  	[tilespmem:v8+s19+$0x0] =	vst.idx.msk $0xffff, v20  }
0x17e: {  	[tilespmem:v9+s19+$0x0] =	vst.idx.msk $0xffff, v22  }
0x17f: {  	v20 =	vld.idx.msk [tilespmem:v11+s19+$0x0], $0xffff  }
0x180: {  	v21 =	vld.idx.msk [tilespmem:v12+s19+$0x0], $0xffff  }
0x181: {  	v22 =	vld.idx.msk [tilespmem:v10+s19+$0x0], $0xffff  }
0x182: {  	v35 =	vld.idx.msk [tilespmem:v13+s19+$0x0], $0xffff;
	_ =	sdelay $0x2  }
0x183: {  	v36 =	vadd.f32 v21, v20  }
0x184: {  	v22 =	vadd.f32 v20, v22  }
0x185: {  	v24 =	vadd.f32 v35, v36  }
0x186: {  	v21 =	vadd.f32 v35, v21;
	(erf) = vrcp.f32 v22  }
0x187: {  	(erf) = vrcp.f32 v24  }
0x188: {  	(erf) = vrcp.f32 v21;
	_ =	sdelay $0x6  }
0x189: {  	v37 =	vpop (erf)  }
0x18a: {  	v21 =	vmul.f32 v37, v20;
	v38 =	vpop (erf)  }
0x18b: {  	v20 =	vmul.f32 v38, v20;
	v39 =	vpop (erf)  }
0x18c: {  	[tilespmem:v12+s19+$0x0] =	vst.idx.msk $0xffff, v21;
	v22 =	vmul.f32 v39, v35  }
0x18d: {  	[tilespmem:v13+s19+$0x0] =	vst.idx.msk $0xffff, v20  }
0x18e: {  	[tilespmem:v14+s19+$0x0] =	vst.idx.msk $0xffff, v22  }
0x18f: {  	v20 =	vld.idx.msk [tilespmem:v16+s19+$0x0], $0xffff  }
0x190: {  	v21 =	vld.idx.msk [tilespmem:v17+s19+$0x0], $0xffff  }
0x191: {  	v22 =	vld.idx.msk [tilespmem:v15+s19+$0x0], $0xffff  }
0x192: {  	v40 =	vld.idx.msk [tilespmem:v18+s19+$0x0], $0xffff;
	_ =	sdelay $0x2  }
0x193: {  	v41 =	vadd.f32 v21, v20  }
0x194: {  	v22 =	vadd.f32 v20, v22  }
0x195: {  	v24 =	vadd.f32 v40, v41  }
0x196: {  	v21 =	vadd.f32 v40, v21;
	(erf) = vrcp.f32 v22  }
0x197: {  	(erf) = vrcp.f32 v24  }
0x198: {  	(erf) = vrcp.f32 v21;
	_ =	sdelay $0x6  }
0x199: {  	v42 =	vpop (erf)  }
0x19a: {  	v21 =	vmul.f32 v42, v20;
	v43 =	vpop (erf)  }
0x19b: {  	v20 =	vmul.f32 v43, v20;
	v44 =	vpop (erf)  }
0x19c: {  	[tilespmem:v17+s19+$0x0] =	vst.idx.msk $0xffff, v21;
	v22 =	vmul.f32 v44, v40  }
0x19d: {  	[tilespmem:v18+s19+$0x0] =	vst.idx.msk $0xffff, v20  }
0x19e: {  	[tilespmem:v19+s19+$0x0] =	vst.idx.msk $0xffff, v22  }
0x19f: {  	_ =	swait.ge [sflag:s28], $0x4000  }
0x1a0: {  	[sflag:s28] =	ssyncset.done $0x0  }
0x1a1: {  	[sflag:s28] =	ssyncadd.s32 $0xFFFFC000  }
0x1a2: {  	[tilespmem:s2], [sflag:$0x1] =	stream.linear.gather [hbm4b:s10+s2], $0x400, $0x38;
	[tilespmem:$0x1C000] =	vst v63  }
0x1a3: {  	s15 =	sadd.s32 $0x80, s10  }
0x1a4: {  	[tilespmem:s16], [sflag:$0x1] =	stream.linear.gather [hbm4b:s15+s2], $0x400, $0x38;
	[tilespmem:$0x1C000] =	vst v63  }
0x1a5: {  	s13 =	sadd.s32 $0x100, s10  }
0x1a6: {  	[tilespmem:s17], [sflag:$0x1] =	stream.linear.gather [hbm4b:s13+s2], $0x400, $0x38;
	[tilespmem:$0x1C000] =	vst v63  }
0x1a7: {  	s14 =	sadd.s32 $0x180, s10  }
0x1a8: {  	[tilespmem:s9], [sflag:$0x1] =	stream.linear.gather [hbm4b:s14+s2], $0x400, $0x38;
	[tilespmem:$0x1C000] =	vst v63  }
0x1a9: {  	s15 =	sadd.s32 $0x200, s10  }
0x1aa: {  	[tilespmem:s18], [sflag:$0x1] =	stream.linear.gather [hbm4b:s15+s2], $0x400, $0x38;
	[tilespmem:$0x1C000] =	vst v63  }
0x1ab: {  	s13 =	sadd.s32 $0x280, s10  }
0x1ac: {  	[tilespmem:s26], [sflag:$0x1] =	stream.linear.gather [hbm4b:s13+s2], $0x400, $0x38;
	[tilespmem:$0x1C000] =	vst v63  }
0x1ad: {  	s14 =	sadd.s32 $0x300, s10  }
0x1ae: {  	[tilespmem:s29], [sflag:$0x1] =	stream.linear.gather [hbm4b:s14+s2], $0x400, $0x38;
	[tilespmem:$0x1C000] =	vst v63  }
0x1af: {  	s15 =	sadd.s32 $0x380, s10  }
0x1b0: {  	[tilespmem:s30], [sflag:$0x1] =	stream.linear.gather [hbm4b:s15+s2], $0x400, $0x38;
	[tilespmem:$0x1C000] =	vst v63  }
0x1b1: {  	[bflag:$0x0] =	sbarrier.arrive $0xFFFF  }
0x1b2: {  	s14 =	simm.s32 $0x3;
	s13 =	rddreg [dreg:$0x4]  }
0x1b3: {  	[hbm4b:s13+s2] =	stream.linear.scatter [tilespmem:s19], [sflag:$0x9], $0x4000, $0x38;
	[tilespmem:$0x1C000] =	vst v63  }
0x1b4: {  	_ =	swait.ge [sflag:s14], $0x2000  }
0x1b5: {  	[sflag:s14] =	ssyncset.done $0x0  }
0x1b6: {  	[sflag:s14] =	ssyncadd.s32 $0xFFFFE000  }
0x1b7: {  	v20 =	vld.idx.msk [tilespmem:v1+s20+$0x0], $0xffff  }
0x1b8: {  	v45 =	vld.idx.msk [tilespmem:v2+s20+$0x0], $0xffff  }
0x1b9: {  	v46 =	vld.idx.msk [tilespmem:v0+s20+$0x0], $0xffff  }
0x1ba: {  	v47 =	vld.idx.msk [tilespmem:v3+s20+$0x0], $0xffff;
	_ =	sdelay $0x2  }
0x1bb: {  	v48 =	vadd.f32 v45, v20  }
0x1bc: {  	v22 =	vadd.f32 v20, v46  }
0x1bd: {  	v24 =	vadd.f32 v47, v48  }
0x1be: {  	v21 =	vadd.f32 v47, v45;
	(erf) = vrcp.f32 v22  }
0x1bf: {  	(erf) = vrcp.f32 v24  }
0x1c0: {  	(erf) = vrcp.f32 v21;
	_ =	sdelay $0x6  }
0x1c1: {  	v49 =	vpop (erf)  }
0x1c2: {  	v21 =	vmul.f32 v49, v20;
	v50 =	vpop (erf)  }
0x1c3: {  	v20 =	vmul.f32 v50, v20;
	v51 =	vpop (erf)  }
0x1c4: {  	[tilespmem:v2+s20+$0x0] =	vst.idx.msk $0xffff, v21;
	v22 =	vmul.f32 v51, v47  }
0x1c5: {  	[tilespmem:v3+s20+$0x0] =	vst.idx.msk $0xffff, v20  }
0x1c6: {  	[tilespmem:v4+s20+$0x0] =	vst.idx.msk $0xffff, v22  }
0x1c7: {  	v20 =	vld.idx.msk [tilespmem:v6+s20+$0x0], $0xffff  }
0x1c8: {  	v21 =	vld.idx.msk [tilespmem:v7+s20+$0x0], $0xffff  }
0x1c9: {  	v22 =	vld.idx.msk [tilespmem:v5+s20+$0x0], $0xffff  }
0x1ca: {  	v52 =	vld.idx.msk [tilespmem:v8+s20+$0x0], $0xffff;
	_ =	sdelay $0x2  }
0x1cb: {  	v53 =	vadd.f32 v21, v20  }
0x1cc: {  	v22 =	vadd.f32 v20, v22  }
0x1cd: {  	v24 =	vadd.f32 v52, v53  }
0x1ce: {  	v21 =	vadd.f32 v52, v21;
	(erf) = vrcp.f32 v22  }
0x1cf: {  	(erf) = vrcp.f32 v24  }
0x1d0: {  	(erf) = vrcp.f32 v21;
	_ =	sdelay $0x6  }
0x1d1: {  	v54 =	vpop (erf)  }
0x1d2: {  	v21 =	vmul.f32 v54, v20;
	v55 =	vpop (erf)  }
0x1d3: {  	v20 =	vmul.f32 v55, v20;
	v56 =	vpop (erf)  }
0x1d4: {  	[tilespmem:v7+s20+$0x0] =	vst.idx.msk $0xffff, v21;
	v22 =	vmul.f32 v56, v52  }
0x1d5: {  	[tilespmem:v8+s20+$0x0] =	vst.idx.msk $0xffff, v20  }
0x1d6: {  	[tilespmem:v9+s20+$0x0] =	vst.idx.msk $0xffff, v22  }
0x1d7: {  	v20 =	vld.idx.msk [tilespmem:v11+s20+$0x0], $0xffff  }
0x1d8: {  	v21 =	vld.idx.msk [tilespmem:v12+s20+$0x0], $0xffff  }
0x1d9: {  	v22 =	vld.idx.msk [tilespmem:v10+s20+$0x0], $0xffff  }
0x1da: {  	v57 =	vld.idx.msk [tilespmem:v13+s20+$0x0], $0xffff;
	_ =	sdelay $0x2  }
0x1db: {  	v58 =	vadd.f32 v21, v20  }
0x1dc: {  	v22 =	vadd.f32 v20, v22  }
0x1dd: {  	v24 =	vadd.f32 v57, v58  }
0x1de: {  	v21 =	vadd.f32 v57, v21;
	(erf) = vrcp.f32 v22  }
0x1df: {  	(erf) = vrcp.f32 v24  }
0x1e0: {  	(erf) = vrcp.f32 v21;
	_ =	sdelay $0x6  }
0x1e1: {  	v59 =	vpop (erf)  }
0x1e2: {  	v21 =	vmul.f32 v59, v20;
	v60 =	vpop (erf)  }
0x1e3: {  	v20 =	vmul.f32 v60, v20;
	v61 =	vpop (erf)  }
0x1e4: {  	[tilespmem:v12+s20+$0x0] =	vst.idx.msk $0xffff, v21;
	v22 =	vmul.f32 v61, v57  }
0x1e5: {  	[tilespmem:v13+s20+$0x0] =	vst.idx.msk $0xffff, v20  }
0x1e6: {  	[tilespmem:v14+s20+$0x0] =	vst.idx.msk $0xffff, v22  }
0x1e7: {  	v20 =	vld.idx.msk [tilespmem:v16+s20+$0x0], $0xffff  }
0x1e8: {  	v21 =	vld.idx.msk [tilespmem:v17+s20+$0x0], $0xffff  }
0x1e9: {  	v22 =	vld.idx.msk [tilespmem:v15+s20+$0x0], $0xffff  }
0x1ea: {  	v62 =	vld.idx.msk [tilespmem:v18+s20+$0x0], $0xffff;
	_ =	sdelay $0x2  }
0x1eb: {  	v63 =	vadd.f32 v21, v20  }
0x1ec: {  	v22 =	vadd.f32 v20, v22  }
0x1ed: {  	v24 =	vadd.f32 v62, v63  }
0x1ee: {  	v21 =	vadd.f32 v62, v21;
	(erf) = vrcp.f32 v22  }
0x1ef: {  	(erf) = vrcp.f32 v24  }
0x1f0: {  	(erf) = vrcp.f32 v21;
	_ =	sdelay $0x6  }
0x1f1: {  	v25 =	vpop (erf)  }
0x1f2: {  	v21 =	vmul.f32 v25, v20;
	v26 =	vpop (erf)  }
0x1f3: {  	v20 =	vmul.f32 v26, v20;
	v27 =	vpop (erf)  }
0x1f4: {  	[tilespmem:v17+s20+$0x0] =	vst.idx.msk $0xffff, v21;
	v22 =	vmul.f32 v27, v62  }
0x1f5: {  	[tilespmem:v18+s20+$0x0] =	vst.idx.msk $0xffff, v20  }
0x1f6: {  	[tilespmem:v19+s20+$0x0] =	vst.idx.msk $0xffff, v22  }
0x1f7: {  	[bflag:$0x0] =	sbarrier.arrive $0xFFFF  }
0x1f8: {  	s13 =	simm.s32 $0x4;
	s15 =	rddreg [dreg:$0x5]  }
0x1f9: {  	[hbm4b:s15+s2] =	stream.linear.scatter [tilespmem:s20], [sflag:$0xA], $0x4000, $0x38;
	[tilespmem:$0x1C000] =	vst v63  }
0x1fa: {  	_ =	swait.ge [sflag:s13], $0x2000  }
0x1fb: {  	[sflag:s13] =	ssyncset.done $0x0  }
0x1fc: {  	[sflag:s13] =	ssyncadd.s32 $0xFFFFE000  }
0x1fd: {  	v20 =	vld.idx.msk [tilespmem:v1+s21+$0x0], $0xffff  }
0x1fe: {  	v28 =	vld.idx.msk [tilespmem:v2+s21+$0x0], $0xffff  }
0x1ff: {  	v29 =	vld.idx.msk [tilespmem:v0+s21+$0x0], $0xffff  }
0x200: {  	v30 =	vld.idx.msk [tilespmem:v3+s21+$0x0], $0xffff;
	_ =	sdelay $0x2  }
0x201: {  	v31 =	vadd.f32 v28, v20  }
0x202: {  	v22 =	vadd.f32 v20, v29  }
0x203: {  	v24 =	vadd.f32 v30, v31  }
0x204: {  	v21 =	vadd.f32 v30, v28;
	(erf) = vrcp.f32 v22  }
0x205: {  	(erf) = vrcp.f32 v24  }
0x206: {  	(erf) = vrcp.f32 v21;
	_ =	sdelay $0x6  }
0x207: {  	v32 =	vpop (erf)  }
0x208: {  	v21 =	vmul.f32 v32, v20;
	v33 =	vpop (erf)  }
0x209: {  	v20 =	vmul.f32 v33, v20;
	v34 =	vpop (erf)  }
0x20a: {  	[tilespmem:v2+s21+$0x0] =	vst.idx.msk $0xffff, v21;
	v22 =	vmul.f32 v34, v30  }
0x20b: {  	[tilespmem:v3+s21+$0x0] =	vst.idx.msk $0xffff, v20  }
0x20c: {  	[tilespmem:v4+s21+$0x0] =	vst.idx.msk $0xffff, v22  }
0x20d: {  	v20 =	vld.idx.msk [tilespmem:v6+s21+$0x0], $0xffff  }
0x20e: {  	v21 =	vld.idx.msk [tilespmem:v7+s21+$0x0], $0xffff  }
0x20f: {  	v22 =	vld.idx.msk [tilespmem:v5+s21+$0x0], $0xffff  }
0x210: {  	v35 =	vld.idx.msk [tilespmem:v8+s21+$0x0], $0xffff;
	_ =	sdelay $0x2  }
0x211: {  	v36 =	vadd.f32 v21, v20  }
0x212: {  	v22 =	vadd.f32 v20, v22  }
0x213: {  	v24 =	vadd.f32 v35, v36  }
0x214: {  	v21 =	vadd.f32 v35, v21;
	(erf) = vrcp.f32 v22  }
0x215: {  	(erf) = vrcp.f32 v24  }
0x216: {  	(erf) = vrcp.f32 v21;
	_ =	sdelay $0x6  }
0x217: {  	v37 =	vpop (erf)  }
0x218: {  	v21 =	vmul.f32 v37, v20;
	v38 =	vpop (erf)  }
0x219: {  	v20 =	vmul.f32 v38, v20;
	v39 =	vpop (erf)  }
0x21a: {  	[tilespmem:v7+s21+$0x0] =	vst.idx.msk $0xffff, v21;
	v22 =	vmul.f32 v39, v35  }
0x21b: {  	[tilespmem:v8+s21+$0x0] =	vst.idx.msk $0xffff, v20  }
0x21c: {  	[tilespmem:v9+s21+$0x0] =	vst.idx.msk $0xffff, v22  }
0x21d: {  	v20 =	vld.idx.msk [tilespmem:v11+s21+$0x0], $0xffff  }
0x21e: {  	v21 =	vld.idx.msk [tilespmem:v12+s21+$0x0], $0xffff  }
0x21f: {  	v22 =	vld.idx.msk [tilespmem:v10+s21+$0x0], $0xffff  }
0x220: {  	v40 =	vld.idx.msk [tilespmem:v13+s21+$0x0], $0xffff;
	_ =	sdelay $0x2  }
0x221: {  	v41 =	vadd.f32 v21, v20  }
0x222: {  	v22 =	vadd.f32 v20, v22  }
0x223: {  	v24 =	vadd.f32 v40, v41  }
0x224: {  	v21 =	vadd.f32 v40, v21;
	(erf) = vrcp.f32 v22  }
0x225: {  	(erf) = vrcp.f32 v24  }
0x226: {  	(erf) = vrcp.f32 v21;
	_ =	sdelay $0x6  }
0x227: {  	v42 =	vpop (erf)  }
0x228: {  	v21 =	vmul.f32 v42, v20;
	v43 =	vpop (erf)  }
0x229: {  	v20 =	vmul.f32 v43, v20;
	v44 =	vpop (erf)  }
0x22a: {  	[tilespmem:v12+s21+$0x0] =	vst.idx.msk $0xffff, v21;
	v22 =	vmul.f32 v44, v40  }
0x22b: {  	[tilespmem:v13+s21+$0x0] =	vst.idx.msk $0xffff, v20  }
0x22c: {  	[tilespmem:v14+s21+$0x0] =	vst.idx.msk $0xffff, v22  }
0x22d: {  	v20 =	vld.idx.msk [tilespmem:v16+s21+$0x0], $0xffff  }
0x22e: {  	v21 =	vld.idx.msk [tilespmem:v17+s21+$0x0], $0xffff  }
0x22f: {  	v22 =	vld.idx.msk [tilespmem:v15+s21+$0x0], $0xffff  }
0x230: {  	v45 =	vld.idx.msk [tilespmem:v18+s21+$0x0], $0xffff;
	_ =	sdelay $0x2  }
0x231: {  	v46 =	vadd.f32 v21, v20  }
0x232: {  	v22 =	vadd.f32 v20, v22  }
0x233: {  	v24 =	vadd.f32 v45, v46  }
0x234: {  	v21 =	vadd.f32 v45, v21;
	(erf) = vrcp.f32 v22  }
0x235: {  	(erf) = vrcp.f32 v24  }
0x236: {  	(erf) = vrcp.f32 v21;
	_ =	sdelay $0x6  }
0x237: {  	v47 =	vpop (erf)  }
0x238: {  	v21 =	vmul.f32 v47, v20;
	v48 =	vpop (erf)  }
0x239: {  	v20 =	vmul.f32 v48, v20;
	v49 =	vpop (erf)  }
0x23a: {  	[tilespmem:v17+s21+$0x0] =	vst.idx.msk $0xffff, v21;
	v22 =	vmul.f32 v49, v45  }
0x23b: {  	[tilespmem:v18+s21+$0x0] =	vst.idx.msk $0xffff, v20  }
0x23c: {  	[tilespmem:v19+s21+$0x0] =	vst.idx.msk $0xffff, v22  }
0x23d: {  	[bflag:$0x0] =	sbarrier.arrive $0xFFFF  }
0x23e: {  	s14 =	rddreg [dreg:$0x6]  }
0x23f: {  	[hbm4b:s14+s2] =	stream.linear.scatter [tilespmem:s21], [sflag:$0xB], $0x4000, $0x38;
	[tilespmem:$0x1C000] =	vst v63  }
0x240: {  	_ =	swait.ge [sflag:s31], $0x2000  }
0x241: {  	[sflag:s31] =	ssyncset.done $0x0  }
0x242: {  	[sflag:s31] =	ssyncadd.s32 $0xFFFFE000  }
0x243: {  	v20 =	vld.idx.msk [tilespmem:v1+s22+$0x0], $0xffff  }
0x244: {  	v50 =	vld.idx.msk [tilespmem:v2+s22+$0x0], $0xffff  }
0x245: {  	v51 =	vld.idx.msk [tilespmem:v0+s22+$0x0], $0xffff  }
0x246: {  	v52 =	vld.idx.msk [tilespmem:v3+s22+$0x0], $0xffff;
	_ =	sdelay $0x2  }
0x247: {  	v53 =	vadd.f32 v50, v20  }
0x248: {  	v22 =	vadd.f32 v20, v51  }
0x249: {  	v24 =	vadd.f32 v52, v53  }
0x24a: {  	v21 =	vadd.f32 v52, v50;
	(erf) = vrcp.f32 v22  }
0x24b: {  	(erf) = vrcp.f32 v24  }
0x24c: {  	(erf) = vrcp.f32 v21;
	_ =	sdelay $0x6  }
0x24d: {  	v54 =	vpop (erf)  }
0x24e: {  	v21 =	vmul.f32 v54, v20;
	v55 =	vpop (erf)  }
0x24f: {  	v20 =	vmul.f32 v55, v20;
	v56 =	vpop (erf)  }
0x250: {  	[tilespmem:v2+s22+$0x0] =	vst.idx.msk $0xffff, v21;
	v22 =	vmul.f32 v56, v52  }
0x251: {  	[tilespmem:v3+s22+$0x0] =	vst.idx.msk $0xffff, v20  }
0x252: {  	[tilespmem:v4+s22+$0x0] =	vst.idx.msk $0xffff, v22  }
0x253: {  	v20 =	vld.idx.msk [tilespmem:v6+s22+$0x0], $0xffff  }
0x254: {  	v21 =	vld.idx.msk [tilespmem:v7+s22+$0x0], $0xffff  }
0x255: {  	v22 =	vld.idx.msk [tilespmem:v5+s22+$0x0], $0xffff  }
0x256: {  	v57 =	vld.idx.msk [tilespmem:v8+s22+$0x0], $0xffff;
	_ =	sdelay $0x2  }
0x257: {  	v58 =	vadd.f32 v21, v20  }
0x258: {  	v22 =	vadd.f32 v20, v22  }
0x259: {  	v24 =	vadd.f32 v57, v58  }
0x25a: {  	v21 =	vadd.f32 v57, v21;
	(erf) = vrcp.f32 v22  }
0x25b: {  	(erf) = vrcp.f32 v24  }
0x25c: {  	(erf) = vrcp.f32 v21;
	_ =	sdelay $0x6  }
0x25d: {  	v59 =	vpop (erf)  }
0x25e: {  	v21 =	vmul.f32 v59, v20;
	v60 =	vpop (erf)  }
0x25f: {  	v20 =	vmul.f32 v60, v20;
	v61 =	vpop (erf)  }
0x260: {  	[tilespmem:v7+s22+$0x0] =	vst.idx.msk $0xffff, v21;
	v22 =	vmul.f32 v61, v57  }
0x261: {  	[tilespmem:v8+s22+$0x0] =	vst.idx.msk $0xffff, v20  }
0x262: {  	[tilespmem:v9+s22+$0x0] =	vst.idx.msk $0xffff, v22  }
0x263: {  	v20 =	vld.idx.msk [tilespmem:v11+s22+$0x0], $0xffff  }
0x264: {  	v21 =	vld.idx.msk [tilespmem:v12+s22+$0x0], $0xffff  }
0x265: {  	v22 =	vld.idx.msk [tilespmem:v10+s22+$0x0], $0xffff  }
0x266: {  	v62 =	vld.idx.msk [tilespmem:v13+s22+$0x0], $0xffff;
	_ =	sdelay $0x2  }
0x267: {  	v63 =	vadd.f32 v21, v20  }
0x268: {  	v22 =	vadd.f32 v20, v22  }
0x269: {  	v24 =	vadd.f32 v62, v63  }
0x26a: {  	v21 =	vadd.f32 v62, v21;
	(erf) = vrcp.f32 v22  }
0x26b: {  	(erf) = vrcp.f32 v24  }
0x26c: {  	(erf) = vrcp.f32 v21;
	_ =	sdelay $0x6  }
0x26d: {  	v26 =	vpop (erf)  }
0x26e: {  	v21 =	vmul.f32 v26, v20;
	v27 =	vpop (erf)  }
0x26f: {  	v20 =	vmul.f32 v27, v20;
	v28 =	vpop (erf)  }
0x270: {  	[tilespmem:v12+s22+$0x0] =	vst.idx.msk $0xffff, v21;
	v22 =	vmul.f32 v28, v62  }
0x271: {  	[tilespmem:v13+s22+$0x0] =	vst.idx.msk $0xffff, v20  }
0x272: {  	[tilespmem:v14+s22+$0x0] =	vst.idx.msk $0xffff, v22  }
0x273: {  	v20 =	vld.idx.msk [tilespmem:v16+s22+$0x0], $0xffff  }
0x274: {  	v21 =	vld.idx.msk [tilespmem:v17+s22+$0x0], $0xffff  }
0x275: {  	v22 =	vld.idx.msk [tilespmem:v15+s22+$0x0], $0xffff  }
0x276: {  	v29 =	vld.idx.msk [tilespmem:v18+s22+$0x0], $0xffff;
	_ =	sdelay $0x2  }
0x277: {  	v30 =	vadd.f32 v21, v20  }
0x278: {  	v22 =	vadd.f32 v20, v22  }
0x279: {  	v24 =	vadd.f32 v29, v30  }
0x27a: {  	v21 =	vadd.f32 v29, v21;
	(erf) = vrcp.f32 v22  }
0x27b: {  	(erf) = vrcp.f32 v24  }
0x27c: {  	(erf) = vrcp.f32 v21;
	_ =	sdelay $0x6  }
0x27d: {  	v31 =	vpop (erf)  }
0x27e: {  	v21 =	vmul.f32 v31, v20;
	v32 =	vpop (erf)  }
0x27f: {  	v20 =	vmul.f32 v32, v20;
	v33 =	vpop (erf)  }
0x280: {  	[tilespmem:v17+s22+$0x0] =	vst.idx.msk $0xffff, v21;
	v22 =	vmul.f32 v33, v29  }
0x281: {  	[tilespmem:v18+s22+$0x0] =	vst.idx.msk $0xffff, v20  }
0x282: {  	[tilespmem:v19+s22+$0x0] =	vst.idx.msk $0xffff, v22  }
0x283: {  	[bflag:$0x0] =	sbarrier.arrive $0xFFFF  }
0x284: {  	s15 =	rddreg [dreg:$0x7]  }
0x285: {  	[hbm4b:s15+s2] =	stream.linear.scatter [tilespmem:s22], [sflag:$0xC], $0x4000, $0x38;
	[tilespmem:$0x1C000] =	vst v63  }
0x286: {  	_ =	swait.ge [sflag:s0], $0x2000  }
0x287: {  	[sflag:s0] =	ssyncset.done $0x0  }
0x288: {  	[sflag:s0] =	ssyncadd.s32 $0xFFFFE000  }
0x289: {  	v20 =	vld.idx.msk [tilespmem:v1+s23+$0x0], $0xffff  }
0x28a: {  	v34 =	vld.idx.msk [tilespmem:v2+s23+$0x0], $0xffff  }
0x28b: {  	v35 =	vld.idx.msk [tilespmem:v0+s23+$0x0], $0xffff  }
0x28c: {  	v36 =	vld.idx.msk [tilespmem:v3+s23+$0x0], $0xffff;
	_ =	sdelay $0x2  }
0x28d: {  	v37 =	vadd.f32 v34, v20  }
0x28e: {  	v22 =	vadd.f32 v20, v35  }
0x28f: {  	v24 =	vadd.f32 v36, v37  }
0x290: {  	v21 =	vadd.f32 v36, v34;
	(erf) = vrcp.f32 v22  }
0x291: {  	(erf) = vrcp.f32 v24  }
0x292: {  	(erf) = vrcp.f32 v21;
	_ =	sdelay $0x6  }
0x293: {  	v38 =	vpop (erf)  }
0x294: {  	v21 =	vmul.f32 v38, v20;
	v39 =	vpop (erf)  }
0x295: {  	v20 =	vmul.f32 v39, v20;
	v40 =	vpop (erf)  }
0x296: {  	[tilespmem:v2+s23+$0x0] =	vst.idx.msk $0xffff, v21;
	v22 =	vmul.f32 v40, v36  }
0x297: {  	[tilespmem:v3+s23+$0x0] =	vst.idx.msk $0xffff, v20  }
0x298: {  	[tilespmem:v4+s23+$0x0] =	vst.idx.msk $0xffff, v22  }
0x299: {  	v20 =	vld.idx.msk [tilespmem:v6+s23+$0x0], $0xffff  }
0x29a: {  	v21 =	vld.idx.msk [tilespmem:v7+s23+$0x0], $0xffff  }
0x29b: {  	v22 =	vld.idx.msk [tilespmem:v5+s23+$0x0], $0xffff  }
0x29c: {  	v41 =	vld.idx.msk [tilespmem:v8+s23+$0x0], $0xffff;
	_ =	sdelay $0x2  }
0x29d: {  	v42 =	vadd.f32 v21, v20  }
0x29e: {  	v22 =	vadd.f32 v20, v22  }
0x29f: {  	v24 =	vadd.f32 v41, v42  }
0x2a0: {  	v21 =	vadd.f32 v41, v21;
	(erf) = vrcp.f32 v22  }
0x2a1: {  	(erf) = vrcp.f32 v24  }
0x2a2: {  	(erf) = vrcp.f32 v21;
	_ =	sdelay $0x6  }
0x2a3: {  	v43 =	vpop (erf)  }
0x2a4: {  	v21 =	vmul.f32 v43, v20;
	v44 =	vpop (erf)  }
0x2a5: {  	v20 =	vmul.f32 v44, v20;
	v45 =	vpop (erf)  }
0x2a6: {  	[tilespmem:v7+s23+$0x0] =	vst.idx.msk $0xffff, v21;
	v22 =	vmul.f32 v45, v41  }
0x2a7: {  	[tilespmem:v8+s23+$0x0] =	vst.idx.msk $0xffff, v20  }
0x2a8: {  	[tilespmem:v9+s23+$0x0] =	vst.idx.msk $0xffff, v22  }
0x2a9: {  	v20 =	vld.idx.msk [tilespmem:v11+s23+$0x0], $0xffff  }
0x2aa: {  	v21 =	vld.idx.msk [tilespmem:v12+s23+$0x0], $0xffff  }
0x2ab: {  	v22 =	vld.idx.msk [tilespmem:v10+s23+$0x0], $0xffff  }
0x2ac: {  	v46 =	vld.idx.msk [tilespmem:v13+s23+$0x0], $0xffff;
	_ =	sdelay $0x2  }
0x2ad: {  	v47 =	vadd.f32 v21, v20  }
0x2ae: {  	v22 =	vadd.f32 v20, v22  }
0x2af: {  	v24 =	vadd.f32 v46, v47  }
0x2b0: {  	v21 =	vadd.f32 v46, v21;
	(erf) = vrcp.f32 v22  }
0x2b1: {  	(erf) = vrcp.f32 v24  }
0x2b2: {  	(erf) = vrcp.f32 v21;
	_ =	sdelay $0x6  }
0x2b3: {  	v48 =	vpop (erf)  }
0x2b4: {  	v21 =	vmul.f32 v48, v20;
	v49 =	vpop (erf)  }
0x2b5: {  	v20 =	vmul.f32 v49, v20;
	v50 =	vpop (erf)  }
0x2b6: {  	[tilespmem:v12+s23+$0x0] =	vst.idx.msk $0xffff, v21;
	v22 =	vmul.f32 v50, v46  }
0x2b7: {  	[tilespmem:v13+s23+$0x0] =	vst.idx.msk $0xffff, v20  }
0x2b8: {  	[tilespmem:v14+s23+$0x0] =	vst.idx.msk $0xffff, v22  }
0x2b9: {  	v20 =	vld.idx.msk [tilespmem:v16+s23+$0x0], $0xffff  }
0x2ba: {  	v21 =	vld.idx.msk [tilespmem:v17+s23+$0x0], $0xffff  }
0x2bb: {  	v22 =	vld.idx.msk [tilespmem:v15+s23+$0x0], $0xffff  }
0x2bc: {  	v51 =	vld.idx.msk [tilespmem:v18+s23+$0x0], $0xffff;
	_ =	sdelay $0x2  }
0x2bd: {  	v52 =	vadd.f32 v21, v20  }
0x2be: {  	v22 =	vadd.f32 v20, v22  }
0x2bf: {  	v24 =	vadd.f32 v51, v52  }
0x2c0: {  	v21 =	vadd.f32 v51, v21;
	(erf) = vrcp.f32 v22  }
0x2c1: {  	(erf) = vrcp.f32 v24  }
0x2c2: {  	(erf) = vrcp.f32 v21;
	_ =	sdelay $0x6  }
0x2c3: {  	v53 =	vpop (erf)  }
0x2c4: {  	v21 =	vmul.f32 v53, v20;
	v54 =	vpop (erf)  }
0x2c5: {  	v20 =	vmul.f32 v54, v20;
	v55 =	vpop (erf)  }
0x2c6: {  	[tilespmem:v17+s23+$0x0] =	vst.idx.msk $0xffff, v21;
	v22 =	vmul.f32 v55, v51  }
0x2c7: {  	[tilespmem:v18+s23+$0x0] =	vst.idx.msk $0xffff, v20  }
0x2c8: {  	[tilespmem:v19+s23+$0x0] =	vst.idx.msk $0xffff, v22  }
0x2c9: {  	[bflag:$0x0] =	sbarrier.arrive $0xFFFF  }
0x2ca: {  	s13 =	rddreg [dreg:$0x8]  }
0x2cb: {  	[hbm4b:s13+s2] =	stream.linear.scatter [tilespmem:s23], [sflag:$0xD], $0x4000, $0x38;
	[tilespmem:$0x1C000] =	vst v63  }
0x2cc: {  	_ =	swait.ge [sflag:s1], $0x2000  }
0x2cd: {  	[sflag:s1] =	ssyncset.done $0x0  }
0x2ce: {  	[sflag:s1] =	ssyncadd.s32 $0xFFFFE000  }
0x2cf: {  	v20 =	vld.idx.msk [tilespmem:v1+s24+$0x0], $0xffff  }
0x2d0: {  	v56 =	vld.idx.msk [tilespmem:v2+s24+$0x0], $0xffff  }
0x2d1: {  	v57 =	vld.idx.msk [tilespmem:v0+s24+$0x0], $0xffff  }
0x2d2: {  	v58 =	vld.idx.msk [tilespmem:v3+s24+$0x0], $0xffff;
	_ =	sdelay $0x2  }
0x2d3: {  	v59 =	vadd.f32 v56, v20  }
0x2d4: {  	v22 =	vadd.f32 v20, v57  }
0x2d5: {  	v24 =	vadd.f32 v58, v59  }
0x2d6: {  	v21 =	vadd.f32 v58, v56;
	(erf) = vrcp.f32 v22  }
0x2d7: {  	(erf) = vrcp.f32 v24  }
0x2d8: {  	(erf) = vrcp.f32 v21;
	_ =	sdelay $0x6  }
0x2d9: {  	v60 =	vpop (erf)  }
0x2da: {  	v21 =	vmul.f32 v60, v20;
	v61 =	vpop (erf)  }
0x2db: {  	v20 =	vmul.f32 v61, v20;
	v62 =	vpop (erf)  }
0x2dc: {  	[tilespmem:v2+s24+$0x0] =	vst.idx.msk $0xffff, v21;
	v22 =	vmul.f32 v62, v58  }
0x2dd: {  	[tilespmem:v3+s24+$0x0] =	vst.idx.msk $0xffff, v20  }
0x2de: {  	[tilespmem:v4+s24+$0x0] =	vst.idx.msk $0xffff, v22  }
0x2df: {  	v20 =	vld.idx.msk [tilespmem:v6+s24+$0x0], $0xffff  }
0x2e0: {  	v21 =	vld.idx.msk [tilespmem:v7+s24+$0x0], $0xffff  }
0x2e1: {  	v22 =	vld.idx.msk [tilespmem:v5+s24+$0x0], $0xffff  }
0x2e2: {  	v63 =	vld.idx.msk [tilespmem:v8+s24+$0x0], $0xffff;
	_ =	sdelay $0x2  }
0x2e3: {  	v28 =	vadd.f32 v21, v20  }
0x2e4: {  	v22 =	vadd.f32 v20, v22  }
0x2e5: {  	v24 =	vadd.f32 v63, v28  }
0x2e6: {  	v21 =	vadd.f32 v63, v21;
	(erf) = vrcp.f32 v22  }
0x2e7: {  	(erf) = vrcp.f32 v24  }
0x2e8: {  	(erf) = vrcp.f32 v21;
	_ =	sdelay $0x6  }
0x2e9: {  	v29 =	vpop (erf)  }
0x2ea: {  	v21 =	vmul.f32 v29, v20;
	v30 =	vpop (erf)  }
0x2eb: {  	v20 =	vmul.f32 v30, v20;
	v31 =	vpop (erf)  }
0x2ec: {  	[tilespmem:v7+s24+$0x0] =	vst.idx.msk $0xffff, v21;
	v22 =	vmul.f32 v31, v63  }
0x2ed: {  	[tilespmem:v8+s24+$0x0] =	vst.idx.msk $0xffff, v20  }
0x2ee: {  	[tilespmem:v9+s24+$0x0] =	vst.idx.msk $0xffff, v22  }
0x2ef: {  	v20 =	vld.idx.msk [tilespmem:v11+s24+$0x0], $0xffff  }
0x2f0: {  	v21 =	vld.idx.msk [tilespmem:v12+s24+$0x0], $0xffff  }
0x2f1: {  	v22 =	vld.idx.msk [tilespmem:v10+s24+$0x0], $0xffff  }
0x2f2: {  	v32 =	vld.idx.msk [tilespmem:v13+s24+$0x0], $0xffff;
	_ =	sdelay $0x2  }
0x2f3: {  	v33 =	vadd.f32 v21, v20  }
0x2f4: {  	v22 =	vadd.f32 v20, v22  }
0x2f5: {  	v24 =	vadd.f32 v32, v33  }
0x2f6: {  	v21 =	vadd.f32 v32, v21;
	(erf) = vrcp.f32 v22  }
0x2f7: {  	(erf) = vrcp.f32 v24  }
0x2f8: {  	(erf) = vrcp.f32 v21;
	_ =	sdelay $0x6  }
0x2f9: {  	v34 =	vpop (erf)  }
0x2fa: {  	v21 =	vmul.f32 v34, v20;
	v35 =	vpop (erf)  }
0x2fb: {  	v20 =	vmul.f32 v35, v20;
	v36 =	vpop (erf)  }
0x2fc: {  	[tilespmem:v12+s24+$0x0] =	vst.idx.msk $0xffff, v21;
	v22 =	vmul.f32 v36, v32  }
0x2fd: {  	[tilespmem:v13+s24+$0x0] =	vst.idx.msk $0xffff, v20  }
0x2fe: {  	[tilespmem:v14+s24+$0x0] =	vst.idx.msk $0xffff, v22  }
0x2ff: {  	v20 =	vld.idx.msk [tilespmem:v16+s24+$0x0], $0xffff  }
0x300: {  	v21 =	vld.idx.msk [tilespmem:v17+s24+$0x0], $0xffff  }
0x301: {  	v22 =	vld.idx.msk [tilespmem:v15+s24+$0x0], $0xffff  }
0x302: {  	v37 =	vld.idx.msk [tilespmem:v18+s24+$0x0], $0xffff;
	_ =	sdelay $0x2  }
0x303: {  	v38 =	vadd.f32 v21, v20  }
0x304: {  	v22 =	vadd.f32 v20, v22  }
0x305: {  	v24 =	vadd.f32 v37, v38  }
0x306: {  	v21 =	vadd.f32 v37, v21;
	(erf) = vrcp.f32 v22  }
0x307: {  	(erf) = vrcp.f32 v24  }
0x308: {  	(erf) = vrcp.f32 v21;
	_ =	sdelay $0x6  }
0x309: {  	v39 =	vpop (erf)  }
0x30a: {  	v21 =	vmul.f32 v39, v20;
	v40 =	vpop (erf)  }
0x30b: {  	v20 =	vmul.f32 v40, v20;
	v41 =	vpop (erf)  }
0x30c: {  	[tilespmem:v17+s24+$0x0] =	vst.idx.msk $0xffff, v21;
	v22 =	vmul.f32 v41, v37  }
0x30d: {  	[tilespmem:v18+s24+$0x0] =	vst.idx.msk $0xffff, v20  }
0x30e: {  	[tilespmem:v19+s24+$0x0] =	vst.idx.msk $0xffff, v22  }
0x30f: {  	[bflag:$0x0] =	sbarrier.arrive $0xFFFF  }
0x310: {  	s14 =	rddreg [dreg:$0x9]  }
0x311: {  	[hbm4b:s14+s2] =	stream.linear.scatter [tilespmem:s24], [sflag:$0xE], $0x4000, $0x38;
	[tilespmem:$0x1C000] =	vst v63  }
0x312: {  	_ =	swait.ge [sflag:s25], $0x2000  }
0x313: {  	[sflag:s25] =	ssyncset.done $0x0  }
0x314: {  	[sflag:s25] =	ssyncadd.s32 $0xFFFFE000  }
0x315: {  	v20 =	vld.idx.msk [tilespmem:v1+s2+$0x0], $0xffff  }
0x316: {  	v42 =	vld.idx.msk [tilespmem:v2+s2+$0x0], $0xffff  }
0x317: {  	v43 =	vld.idx.msk [tilespmem:v0+s2+$0x0], $0xffff  }
0x318: {  	v44 =	vld.idx.msk [tilespmem:v3+s2+$0x0], $0xffff;
	_ =	sdelay $0x2  }
0x319: {  	v45 =	vadd.f32 v42, v20  }
0x31a: {  	v22 =	vadd.f32 v20, v43  }
0x31b: {  	v24 =	vadd.f32 v44, v45  }
0x31c: {  	v21 =	vadd.f32 v44, v42;
	(erf) = vrcp.f32 v22  }
0x31d: {  	(erf) = vrcp.f32 v24  }
0x31e: {  	(erf) = vrcp.f32 v21;
	_ =	sdelay $0x6  }
0x31f: {  	v46 =	vpop (erf)  }
0x320: {  	v21 =	vmul.f32 v46, v20;
	v47 =	vpop (erf)  }
0x321: {  	v20 =	vmul.f32 v47, v20;
	v48 =	vpop (erf)  }
0x322: {  	[tilespmem:v2+s2+$0x0] =	vst.idx.msk $0xffff, v21;
	v22 =	vmul.f32 v48, v44  }
0x323: {  	[tilespmem:v3+s2+$0x0] =	vst.idx.msk $0xffff, v20  }
0x324: {  	[tilespmem:v4+s2+$0x0] =	vst.idx.msk $0xffff, v22  }
0x325: {  	v20 =	vld.idx.msk [tilespmem:v6+s2+$0x0], $0xffff  }
0x326: {  	v21 =	vld.idx.msk [tilespmem:v7+s2+$0x0], $0xffff  }
0x327: {  	v22 =	vld.idx.msk [tilespmem:v5+s2+$0x0], $0xffff  }
0x328: {  	v49 =	vld.idx.msk [tilespmem:v8+s2+$0x0], $0xffff;
	_ =	sdelay $0x2  }
0x329: {  	v50 =	vadd.f32 v21, v20  }
0x32a: {  	v22 =	vadd.f32 v20, v22  }
0x32b: {  	v24 =	vadd.f32 v49, v50  }
0x32c: {  	v21 =	vadd.f32 v49, v21;
	(erf) = vrcp.f32 v22  }
0x32d: {  	(erf) = vrcp.f32 v24  }
0x32e: {  	(erf) = vrcp.f32 v21;
	_ =	sdelay $0x6  }
0x32f: {  	v51 =	vpop (erf)  }
0x330: {  	v21 =	vmul.f32 v51, v20;
	v52 =	vpop (erf)  }
0x331: {  	v20 =	vmul.f32 v52, v20;
	v53 =	vpop (erf)  }
0x332: {  	[tilespmem:v7+s2+$0x0] =	vst.idx.msk $0xffff, v21;
	v22 =	vmul.f32 v53, v49  }
0x333: {  	[tilespmem:v8+s2+$0x0] =	vst.idx.msk $0xffff, v20  }
0x334: {  	[tilespmem:v9+s2+$0x0] =	vst.idx.msk $0xffff, v22  }
0x335: {  	v20 =	vld.idx.msk [tilespmem:v11+s2+$0x0], $0xffff  }
0x336: {  	v21 =	vld.idx.msk [tilespmem:v12+s2+$0x0], $0xffff  }
0x337: {  	v22 =	vld.idx.msk [tilespmem:v10+s2+$0x0], $0xffff  }
0x338: {  	v54 =	vld.idx.msk [tilespmem:v13+s2+$0x0], $0xffff;
	_ =	sdelay $0x2  }
0x339: {  	v55 =	vadd.f32 v21, v20  }
0x33a: {  	v22 =	vadd.f32 v20, v22  }
0x33b: {  	v24 =	vadd.f32 v54, v55  }
0x33c: {  	v21 =	vadd.f32 v54, v21;
	(erf) = vrcp.f32 v22  }
0x33d: {  	(erf) = vrcp.f32 v24  }
0x33e: {  	(erf) = vrcp.f32 v21;
	_ =	sdelay $0x6  }
0x33f: {  	v56 =	vpop (erf)  }
0x340: {  	v21 =	vmul.f32 v56, v20;
	v57 =	vpop (erf)  }
0x341: {  	v20 =	vmul.f32 v57, v20;
	v58 =	vpop (erf)  }
0x342: {  	[tilespmem:v12+s2+$0x0] =	vst.idx.msk $0xffff, v21;
	v22 =	vmul.f32 v58, v54  }
0x343: {  	[tilespmem:v13+s2+$0x0] =	vst.idx.msk $0xffff, v20  }
0x344: {  	[tilespmem:v14+s2+$0x0] =	vst.idx.msk $0xffff, v22  }
0x345: {  	v20 =	vld.idx.msk [tilespmem:v16+s2+$0x0], $0xffff  }
0x346: {  	v21 =	vld.idx.msk [tilespmem:v17+s2+$0x0], $0xffff  }
0x347: {  	v22 =	vld.idx.msk [tilespmem:v15+s2+$0x0], $0xffff  }
0x348: {  	v59 =	vld.idx.msk [tilespmem:v18+s2+$0x0], $0xffff;
	_ =	sdelay $0x2  }
0x349: {  	v60 =	vadd.f32 v21, v20  }
0x34a: {  	v22 =	vadd.f32 v20, v22  }
0x34b: {  	v24 =	vadd.f32 v59, v60  }
0x34c: {  	v21 =	vadd.f32 v59, v21;
	(erf) = vrcp.f32 v22  }
0x34d: {  	(erf) = vrcp.f32 v24  }
0x34e: {  	(erf) = vrcp.f32 v21;
	_ =	sdelay $0x6  }
0x34f: {  	v61 =	vpop (erf)  }
0x350: {  	v21 =	vmul.f32 v61, v20;
	v62 =	vpop (erf)  }
0x351: {  	v20 =	vmul.f32 v62, v20;
	v63 =	vpop (erf)  }
0x352: {  	[tilespmem:v17+s2+$0x0] =	vst.idx.msk $0xffff, v21;
	v22 =	vmul.f32 v63, v59  }
0x353: {  	[tilespmem:v18+s2+$0x0] =	vst.idx.msk $0xffff, v20  }
0x354: {  	[tilespmem:v19+s2+$0x0] =	vst.idx.msk $0xffff, v22  }
0x355: {  	[bflag:$0x0] =	sbarrier.arrive $0xFFFF  }
0x356: {  	s15 =	rddreg [dreg:$0xa]  }
0x357: {  	[hbm4b:s15+s2] =	stream.linear.scatter [tilespmem:s2], [sflag:$0x8], $0x4000, $0x38;
	[tilespmem:$0x1C000] =	vst v63  }
0x358: {  	_ =	swait.ge [sflag:s3], $0x4000  }
0x359: {  	[sflag:s3] =	ssyncset.done $0x0  }
0x35a: {  	[sflag:s3] =	ssyncadd.s32 $0xFFFFC000  }
0x35b: {  	_ =	swait.ge [sflag:s4], $0x4000  }
0x35c: {  	[sflag:s4] =	ssyncset.done $0x0  }
0x35d: {  	[sflag:s4] =	ssyncadd.s32 $0xFFFFC000  }
0x35e: {  	_ =	swait.ge [sflag:s5], $0x4000  }
0x35f: {  	[sflag:s5] =	ssyncset.done $0x0  }
0x360: {  	[sflag:s5] =	ssyncadd.s32 $0xFFFFC000  }
0x361: {  	_ =	swait.ge [sflag:s6], $0x4000  }
0x362: {  	[sflag:s6] =	ssyncset.done $0x0  }
0x363: {  	[sflag:s6] =	ssyncadd.s32 $0xFFFFC000  }
0x364: {  	_ =	swait.ge [sflag:s7], $0x4000  }
0x365: {  	[sflag:s7] =	ssyncset.done $0x0  }
0x366: {  	[sflag:s7] =	ssyncadd.s32 $0xFFFFC000  }
0x367: {  	p0 =	sne.s32 s11, $0x1;
	_ =	swait.ge [sflag:s12], $0x4000  }
.Ltmp0:
0x368: {  	[sflag:s12] =	ssyncset.done $0x0;
	(pc) =	sbr.rel @p0 .LBB2_1-.Ltmp0, $4  }
0x369: {  	[sflag:s12] =	ssyncadd.s32 $0xFFFFC000  }
0x36a: {  	_ =	swait.ge [sflag:s28], $0x4000  }
0x36b: {  	[sflag:s28] =	ssyncset.done $0x0  }
0x36c: {  	s11 =	sadd.s32 $0xFFFFFFFF, s11;
	[sflag:s28] =	ssyncadd.s32 $0xFFFFC000  }
0x36d: {  	_ =	sfence.sel $0x180000  }
0x36e: {  	[bflag:$0x0] =	sbarrier.arrive $0xFFFF  }
0x36f: {  	_ =	strace $0x90000047  }
0x370: {  	s0 =	stileid.u32;
	[bflag:$0x2] =	sbarrier.arrive $0xFFFF  }
0x371: {  	p0 =	sne.s32 s0, $0x0;
	s0 =	rddreg [dreg:$0x2]  }
0x372: {  	s0 =	sadd.s32 @!p0 $0x100000, s0  }
0x373: {  	[sflag:s0] =	ssyncadd.tile.s32 @!p0 $0x1;
	_ =	shalt  }
.Lfunc_end2:
_tile_overlayer_lowered:
.L_overlay_start_2:
0x374: {  	(tag) =	ssettag $0x2  }
0x375: {  	s0 =	rddreg [dreg:$0x0];
	s2 =	stileid.u32  }
0x376: {  	s1 =	rddreg [dreg:$0x1];
	p0 =	sne.s32 s2, $0x0  }
0x377: {  	s3 =	rddreg [dreg:$0x2];
	[bflag:$0x3] =	sbarrier.arrive $0xFFFF;
	s2 =	simm.s32 @!p0 $0x1C0F  }
0x378: {  	[timem:s3], [sflag:s2] =	dma.local @!p0 [hbm:s0], s1  }
0x379: {  	s0 =	simm.s32 @!p0 $0xF  }
0x37a: {  	_ =	swait.ge @!p0 [sflag:s0], s1  }
0x37b: {  	s1 =	ssub.s32 @!p0 $0x0, s1;
	[sflag:s0] =	ssyncset.done @!p0 $0x0  }
0x37c: {  	[sflag:s0] =	ssyncadd.s32 @!p0 s1  }
0x37d: {  	[bflag:$0x3] =	sbarrier.arrive $0xFFFF  }
0x37e: {  	_ =	shalt  }

</sc_bundles>
